<compile_context>
chip_gen: v7x
topology: tpu7x:2x2x1
jax: 0.10.2.dev20260603
libtpu: 0.0.44.dev20260713+nightly
codegen_flags: <defaults>
</compile_context>

<pallas_src>
import functools

import jax
import jax.numpy as jnp
from jax import lax
from jax.experimental import pallas as pl
from jax.experimental.pallas import tpu as pltpu
from jax.experimental.pallas import tpu_sc as plsc

N = 10000
N2 = 10240
E = 320000
NC = 2
NS = 16
NW = NC * NS
CH = 128
NCH = 80
E2 = NW * NCH * CH
NPT = N2 // NS
NZC = NPT // CH

_MESH = plsc.VectorSubcoreMesh(core_axis_name="c", subcore_axis_name="s")


def _fill(ref, value):
    d = ref.shape[1]
    vec = jnp.full((1, 16), value, jnp.float32)

    @pl.loop(0, CH)
    def _(i):
        for j in range(d // 16):
            ref[pl.ds(i, 1), pl.ds(j * 16, 16)] = vec


def _zero_acc_slice(rows, acc, s):
    for z in range(NZC):
        pltpu.sync_copy(rows, acc.at[pl.ds(s * NPT + z * CH, CH)])


def _copy_out_slice(acc, out_hbm, c, s):
    for z in range(NZC):
        pltpu.sync_copy(acc.at[pl.ds(s * NPT + z * CH, CH)],
                        out_hbm.at[c, pl.ds(s * NPT + z * CH, CH)])


def _make_seg_sum(d):

    @functools.partial(
        pl.kernel,
        out_type=jax.ShapeDtypeStruct((NC, N2, d), jnp.float32),
        mesh=_MESH,
        scratch_types=[
            pltpu.VMEM((NCH, CH), jnp.int32),
            pltpu.VMEM((CH,), jnp.int32),
            pltpu.VMEM((CH,), jnp.int32),
            pltpu.VMEM((CH, d), jnp.float32),
            pltpu.VMEM((CH, d), jnp.float32),
            pltpu.VMEM_SHARED((N2, d), jnp.float32),
            pltpu.SemaphoreType.DMA,
            pltpu.SemaphoreType.DMA,
            pltpu.SemaphoreType.DMA,
            pltpu.SemaphoreType.DMA,
        ],
    )
    def seg(src2d_hbm, dst2d_hbm, h_hbm, out_hbm, sidx, didx0, didx1,
            rows0, rows1, acc, sem0, sem1, semd0, semd1):
        c = lax.axis_index("c")
        s = lax.axis_index("s")
        wid = s * NC + c
        cbase = wid * NCH

        pltpu.sync_copy(src2d_hbm.at[pl.ds(cbase, NCH)], sidx)
        _fill(rows0, 0.0)
        _zero_acc_slice(rows0, acc, s)
        plsc.subcore_barrier()

        pltpu.async_copy(h_hbm.at[sidx.at[0]], rows0, sem0)
        pltpu.async_copy(dst2d_hbm.at[cbase], didx0, semd0)

        @pl.loop(0, NCH, step=2)
        def _(i):
            pltpu.make_async_copy(h_hbm.at[sidx.at[i]], rows0, sem0).wait()
            pltpu.make_async_copy(dst2d_hbm.at[cbase + i], didx0, semd0).wait()
            pltpu.async_copy(h_hbm.at[sidx.at[i + 1]], rows1, sem1)
            pltpu.async_copy(dst2d_hbm.at[cbase + i + 1], didx1, semd1)
            pltpu.sync_copy(rows0, acc.at[didx0], add=True)
            pltpu.make_async_copy(h_hbm.at[sidx.at[i + 1]], rows1, sem1).wait()
            pltpu.make_async_copy(dst2d_hbm.at[cbase + i + 1], didx1,
                                  semd1).wait()

            @pl.when(i + 2 < NCH)
            def _():
                pltpu.async_copy(h_hbm.at[sidx.at[i + 2]], rows0, sem0)
                pltpu.async_copy(dst2d_hbm.at[cbase + i + 2], didx0, semd0)

            pltpu.sync_copy(rows1, acc.at[didx1], add=True)

        plsc.subcore_barrier()
        _copy_out_slice(acc, out_hbm, c, s)

    return seg


@functools.partial(
    pl.kernel,
    out_type=jax.ShapeDtypeStruct((NC, N2, 128), jnp.float32),
    mesh=_MESH,
    scratch_types=[
        pltpu.VMEM((CH,), jnp.int32),
        pltpu.VMEM((CH, 128), jnp.float32),
        pltpu.VMEM_SHARED((N2, 128), jnp.float32),
    ],
)
def _deg_kernel(dst2d_hbm, out_hbm, didx, ones, acc):
    c = lax.axis_index("c")
    s = lax.axis_index("s")
    wid = s * NC + c
    cbase = wid * NCH

    _fill(ones, 0.0)
    _zero_acc_slice(ones, acc, s)
    plsc.subcore_barrier()
    _fill(ones, 1.0)

    @pl.loop(0, NCH)
    def _(i):
        pltpu.sync_copy(dst2d_hbm.at[cbase + i], didx)
        pltpu.sync_copy(ones, acc.at[didx], add=True)

    plsc.subcore_barrier()
    _copy_out_slice(acc, out_hbm, c, s)


_seg_sum_128 = _make_seg_sum(128)

BM = 1024


def _tc_prep(deg2, x):
    def body(deg_ref, x_ref, dinv_ref, xs_ref):
        d = (deg_ref[0] + deg_ref[1])[:, :1]
        dv = lax.rsqrt(jnp.maximum(d, 1.0))
        dinv_ref[...] = jnp.broadcast_to(dv, (BM, 16))
        xs_ref[...] = x_ref[...] * dv

    return pl.pallas_call(
        body,
        grid=(N2 // BM,),
        in_specs=[pl.BlockSpec((2, BM, 128), lambda i: (0, i, 0)),
                  pl.BlockSpec((BM, 128), lambda i: (i, 0))],
        out_specs=[pl.BlockSpec((BM, 16), lambda i: (i, 0)),
                   pl.BlockSpec((BM, 128), lambda i: (i, 0))],
        out_shape=[jax.ShapeDtypeStruct((N2, 16), jnp.float32),
                   jax.ShapeDtypeStruct((N2, 128), jnp.float32)],
    )(deg2, x)


def _tc_mid(sacc, dinv, w, b):
    def body(s_ref, dinv_ref, w_ref, b_ref, o_ref):
        dv = dinv_ref[:, :1]
        a = (s_ref[0] + s_ref[1]) * dv
        h = jnp.dot(a, w_ref[...], preferred_element_type=jnp.float32)
        h = jnp.maximum(h + b_ref[...], 0.0)
        o_ref[...] = h * dv

    return pl.pallas_call(
        body,
        grid=(N2 // BM,),
        in_specs=[pl.BlockSpec((2, BM, 128), lambda i: (0, i, 0)),
                  pl.BlockSpec((BM, 16), lambda i: (i, 0)),
                  pl.BlockSpec((128, 128), lambda i: (0, 0)),
                  pl.BlockSpec((1, 128), lambda i: (0, 0))],
        out_specs=pl.BlockSpec((BM, 128), lambda i: (i, 0)),
        out_shape=jax.ShapeDtypeStruct((N2, 128), jnp.float32),
    )(sacc, dinv, w, b)


def _tc_last(sacc, dinv, w1, b1, w2p):
    def body(s_ref, dinv_ref, w1_ref, b1_ref, w2_ref, o_ref):
        dv = dinv_ref[:, :1]
        a = (s_ref[0] + s_ref[1]) * dv
        h = jnp.dot(a, w1_ref[...], preferred_element_type=jnp.float32)
        h = jnp.maximum(h + b1_ref[...], 0.0)
        g = jnp.dot(h, w2_ref[...], preferred_element_type=jnp.float32)
        o_ref[...] = g * dv

    return pl.pallas_call(
        body,
        grid=(N2 // BM,),
        in_specs=[pl.BlockSpec((2, BM, 128), lambda i: (0, i, 0)),
                  pl.BlockSpec((BM, 16), lambda i: (i, 0)),
                  pl.BlockSpec((128, 128), lambda i: (0, 0)),
                  pl.BlockSpec((1, 128), lambda i: (0, 0)),
                  pl.BlockSpec((128, 128), lambda i: (0, 0))],
        out_specs=pl.BlockSpec((BM, 128), lambda i: (i, 0)),
        out_shape=jax.ShapeDtypeStruct((N2, 128), jnp.float32),
    )(sacc, dinv, w1, b1, w2p)


def _tc_final(sacc, dinv, b):
    def body(s_ref, dinv_ref, b_ref, o_ref):
        t = (s_ref[0] + s_ref[1])[:, :16]
        o_ref[...] = t * dinv_ref[:, :1] + b_ref[...]

    return pl.pallas_call(
        body,
        grid=(N2 // BM,),
        in_specs=[pl.BlockSpec((2, BM, 128), lambda i: (0, i, 0)),
                  pl.BlockSpec((BM, 16), lambda i: (i, 0)),
                  pl.BlockSpec((1, 16), lambda i: (0, 0))],
        out_specs=pl.BlockSpec((BM, 16), lambda i: (i, 0)),
        out_shape=jax.ShapeDtypeStruct((N2, 16), jnp.float32),
    )(sacc, dinv, b)


def kernel(x, edge_index, W0, b0, W1, b1, W2, b2):
    sink = N + (jnp.arange(E2 - E, dtype=jnp.int32) % (N2 - N))
    src2d = jnp.concatenate(
        [edge_index[0], jnp.zeros((E2 - E,), jnp.int32)]).reshape(E2 // CH, CH)
    dst2d = jnp.concatenate(
        [edge_index[1], sink]).reshape(E2 // CH, CH)
    xp = jnp.pad(x, ((0, N2 - N), (0, 0)))
    deg2 = _deg_kernel(dst2d)
    dinv, xs = _tc_prep(deg2, xp)
    s0 = _seg_sum_128(src2d, dst2d, xs)
    hs1 = _tc_mid(s0, dinv, W0, b0.reshape(1, 128))
    s1 = _seg_sum_128(src2d, dst2d, hs1)
    w2p = jnp.pad(W2, ((0, 0), (0, 128 - W2.shape[1])))
    g = _tc_last(s1, dinv, W1, b1.reshape(1, 128), w2p)
    s2 = _seg_sum_128(src2d, dst2d, g)
    out = _tc_final(s2, dinv, b2.reshape(1, 16))
    return out[:N]

# --- scband reference (transcript-rebuilt; emitter-appended) ---
"""Pipeline reference for scband-gcn-25683904430267 (READ-ONLY COPY).

The authoritative reference and input builder live on the scoring server;
editing this copy changes nothing except your own understanding.
"""

import jax, jax.numpy as jnp
import numpy as np

N = 10000
E = 320000
IN_FEATS = 128
N_HIDDEN = 128
N_CLASSES = 16


def setup_inputs(seed: int = 0) -> dict:
    key = jax.random.key(seed)
    ks = jax.random.split(key, 8)
    x = jax.random.normal(ks[0], (N, IN_FEATS), dtype=jnp.float32)
    edge_index = jax.random.randint(ks[1], (2, E), 0, N, dtype=jnp.int32)
    W0 = jax.random.normal(ks[2], (IN_FEATS, N_HIDDEN), dtype=jnp.float32) * (1.0 / np.sqrt(IN_FEATS))
    b0 = jnp.zeros((N_HIDDEN,), dtype=jnp.float32)
    W1 = jax.random.normal(ks[3], (N_HIDDEN, N_HIDDEN), dtype=jnp.float32) * (1.0 / np.sqrt(N_HIDDEN))
    b1 = jnp.zeros((N_HIDDEN,), dtype=jnp.float32)
    W2 = jax.random.normal(ks[4], (N_HIDDEN, N_CLASSES), dtype=jnp.float32) * (1.0 / np.sqrt(N_HIDDEN))
    b2 = jnp.zeros((N_CLASSES,), dtype=jnp.float32)
    return {"x": x, "edge_index": edge_index, "W0": W0, "b0": b0, "W1": W1, "b1": b1, "W2": W2, "b2": b2}


def reference(x, edge_index, W0, b0, W1, b1, W2, b2):
    src = edge_index[0]
    dst = edge_index[1]
    # symmetric GCN normalization D^{-1/2} A D^{-1/2}
    deg = jax.ops.segment_sum(jnp.ones((E,), dtype=x.dtype), dst, num_segments=N)
    deg = jnp.maximum(deg, 1.0)
    dinv = jax.lax.rsqrt(deg)
    norm = dinv[src] * dinv[dst]

    def gcn_layer(h, W, b, act):
        h = h @ W
        msg = h[src] * norm[:, None]
        agg = jax.ops.segment_sum(msg, dst, num_segments=N)
        out = agg + b
        if act:
            out = jax.nn.relu(out)
        return out

    h = gcn_layer(x, W0, b0, True)   # input layer, relu
    h = gcn_layer(h, W1, b1, True)   # hidden layer, relu
    h = gcn_layer(h, W2, b2, False)  # output layer, no activation
    return h

if __name__ == "__main__":
    import jax
    _d = setup_inputs()
    print(jax.jit(kernel)(*tuple(_d.values())))

</pallas_src>

<mosaic_0001>
#map = affine_map<(d0, d1) -> (0, 0)>
#map1 = affine_map<(d0, d1) -> (0, 0, 0)>
module attributes {stable_mosaic.version = 14 : i64} {
  func.func @seg(%arg0: i32, %arg1: i32, %arg2: memref<2560x128xi32, #tpu.memory_space<hbm>>, %arg3: memref<2560x128xi32, #tpu.memory_space<hbm>>, %arg4: memref<10240x128xf32, #tpu.memory_space<hbm>>, %arg5: memref<2x10240x128xf32, #tpu.memory_space<hbm>>, %arg6: memref<80x128xi32, #tpu.memory_space<vmem>>, %arg7: memref<128xi32, #tpu.memory_space<vmem>>, %arg8: memref<128xi32, #tpu.memory_space<vmem>>, %arg9: memref<128x128xf32, #tpu.memory_space<vmem>>, %arg10: memref<128x128xf32, #tpu.memory_space<vmem>>, %arg11: memref<10240x128xf32, #tpu.memory_space<vmem_shared>>, %arg12: memref<!tpu.dma_semaphore, #tpu.memory_space<semaphore_mem>>, %arg13: memref<!tpu.dma_semaphore, #tpu.memory_space<semaphore_mem>>, %arg14: memref<!tpu.dma_semaphore, #tpu.memory_space<semaphore_mem>>, %arg15: memref<!tpu.dma_semaphore, #tpu.memory_space<semaphore_mem>>) attributes {dimension_semantics = [#tpu.dimension_semantics<core_parallel>, #tpu.dimension_semantics<subcore_parallel>], iteration_bounds = array<i64: 2, 16>, scalar_prefetch = 0 : i64, scratch_operands = 10 : i64, tpu.core_type = #tpu.core_type<sc_vector_subcore>, window_params = [{transform_indices = #map}, {transform_indices = #map}, {transform_indices = #map}, {transform_indices = #map1}]} {
    %mul3A = arith.constant 2 : i32
    %mul3A_0 = arith.muli %arg1, %mul3A : i32
    %add3A = arith.addi %mul3A_0, %arg0 : i32
    %mul3A_1 = arith.constant 80 : i32
    %mul3A_2 = arith.muli %add3A, %mul3A_1 : i32
    "tpu.region"() ({
      %run_scoped3A = tpu.sem_alloc : memref<!tpu.dma_semaphore, #tpu.memory_space<semaphore_mem>>
      %dma_start3A_86 = arith.constant 0 : i32
      %dma_start3A_87 = tpu.memref_slice %arg2[%mul3A_2, %dma_start3A_86] : memref<2560x128xi32, #tpu.memory_space<hbm>> -> memref<80x128xi32, #tpu.memory_space<hbm>>
      %dma_start3A_88 = arith.constant 0 : i32
      %dma_start3A_89 = tpu.memref_slice %arg2[%mul3A_2, %dma_start3A_88] : memref<2560x128xi32, #tpu.memory_space<hbm>> -> memref<80x128xi32, #tpu.memory_space<hbm>>
      tpu.enqueue_dma source(%dma_start3A_89 : memref<80x128xi32, #tpu.memory_space<hbm>>) target(%arg6 : memref<80x128xi32, #tpu.memory_space<vmem>>) target_semaphore(%run_scoped3A : memref<!tpu.dma_semaphore, #tpu.memory_space<semaphore_mem>>)
      %dma_wait3A = arith.constant 0 : i32
      %dma_wait3A_90 = tpu.memref_slice %arg2[%mul3A_2, %dma_wait3A] : memref<2560x128xi32, #tpu.memory_space<hbm>> -> memref<80x128xi32, #tpu.memory_space<hbm>>
      %dma_wait3A_91 = arith.constant 0 : i32
      %dma_wait3A_92 = tpu.memref_slice %arg2[%mul3A_2, %dma_wait3A_91] : memref<2560x128xi32, #tpu.memory_space<hbm>> -> memref<80x128xi32, #tpu.memory_space<hbm>>
      tpu.wait_dma2 semaphore(%run_scoped3A : memref<!tpu.dma_semaphore, #tpu.memory_space<semaphore_mem>>) src(%dma_wait3A_92 : memref<80x128xi32, #tpu.memory_space<hbm>>) dst(%arg6 : memref<80x128xi32, #tpu.memory_space<vmem>>)
      tpu.yield
    }) : () -> ()
    %broadcast_in_dim3A = arith.constant 0.000000e+00 : f32
    %broadcast_in_dim3A_3 = vector.broadcast %broadcast_in_dim3A : f32 to vector<1x16xf32>
    %scan3A = arith.constant 0 : i32
    %scan3A_4 = arith.constant 128 : i32
    %scan3A_5 = arith.addi %scan3A, %scan3A_4 : i32
    %scan3A_6 = arith.constant 1 : i32
    scf.for %scan3A_86 = %scan3A to %scan3A_5 step %scan3A_6  : i32 {
      %mul3A_87 = arith.constant 1 : i32
      %mul3A_88 = arith.muli %scan3A_86, %mul3A_87 : i32
      %add3A_89 = arith.constant 0 : i32
      %add3A_90 = arith.addi %add3A_89, %mul3A_88 : i32
      %swap3A = arith.index_cast %add3A_90 : i32 to index
      %swap3A_91 = arith.constant 0 : index
      %swap3A_92 = tpu.vector_load %arg9[%swap3A, %swap3A_91] {strides = array<i32>} : memref<128x128xf32, #tpu.memory_space<vmem>>, vector<1x16xf32>,
      %swap3A_93 = vector.shape_cast %swap3A_92 : vector<1x16xf32> to vector<1x16xf32>
      %swap3A_94 = vector.shape_cast %broadcast_in_dim3A_3 : vector<1x16xf32> to vector<1x16xf32>
      tpu.vector_store %arg9[%swap3A, %swap3A_91], %swap3A_94 {strides = array<i32>} : memref<128x128xf32, #tpu.memory_space<vmem>>, vector<1x16xf32>,
      %swap3A_95 = arith.index_cast %add3A_90 : i32 to index
      %swap3A_96 = arith.constant 16 : index
      %swap3A_97 = tpu.vector_load %arg9[%swap3A_95, %swap3A_96] {strides = array<i32>} : memref<128x128xf32, #tpu.memory_space<vmem>>, vector<1x16xf32>,
      %swap3A_98 = vector.shape_cast %swap3A_97 : vector<1x16xf32> to vector<1x16xf32>
      %swap3A_99 = vector.shape_cast %broadcast_in_dim3A_3 : vector<1x16xf32> to vector<1x16xf32>
      tpu.vector_store %arg9[%swap3A_95, %swap3A_96], %swap3A_99 {strides = array<i32>} : memref<128x128xf32, #tpu.memory_space<vmem>>, vector<1x16xf32>,
      %swap3A_100 = arith.index_cast %add3A_90 : i32 to index
      %swap3A_101 = arith.constant 32 : index
      %swap3A_102 = tpu.vector_load %arg9[%swap3A_100, %swap3A_101] {strides = array<i32>} : memref<128x128xf32, #tpu.memory_space<vmem>>, vector<1x16xf32>,
      %swap3A_103 = vector.shape_cast %swap3A_102 : vector<1x16xf32> to vector<1x16xf32>
      %swap3A_104 = vector.shape_cast %broadcast_in_dim3A_3 : vector<1x16xf32> to vector<1x16xf32>
      tpu.vector_store %arg9[%swap3A_100, %swap3A_101], %swap3A_104 {strides = array<i32>} : memref<128x128xf32, #tpu.memory_space<vmem>>, vector<1x16xf32>,
      %swap3A_105 = arith.index_cast %add3A_90 : i32 to index
      %swap3A_106 = arith.constant 48 : index
      %swap3A_107 = tpu.vector_load %arg9[%swap3A_105, %swap3A_106] {strides = array<i32>} : memref<128x128xf32, #tpu.memory_space<vmem>>, vector<1x16xf32>,
      %swap3A_108 = vector.shape_cast %swap3A_107 : vector<1x16xf32> to vector<1x16xf32>
      %swap3A_109 = vector.shape_cast %broadcast_in_dim3A_3 : vector<1x16xf32> to vector<1x16xf32>
      tpu.vector_store %arg9[%swap3A_105, %swap3A_106], %swap3A_109 {strides = array<i32>} : memref<128x128xf32, #tpu.memory_space<vmem>>, vector<1x16xf32>,
      %swap3A_110 = arith.index_cast %add3A_90 : i32 to index
      %swap3A_111 = arith.constant 64 : index
      %swap3A_112 = tpu.vector_load %arg9[%swap3A_110, %swap3A_111] {strides = array<i32>} : memref<128x128xf32, #tpu.memory_space<vmem>>, vector<1x16xf32>,
      %swap3A_113 = vector.shape_cast %swap3A_112 : vector<1x16xf32> to vector<1x16xf32>
      %swap3A_114 = vector.shape_cast %broadcast_in_dim3A_3 : vector<1x16xf32> to vector<1x16xf32>
      tpu.vector_store %arg9[%swap3A_110, %swap3A_111], %swap3A_114 {strides = array<i32>} : memref<128x128xf32, #tpu.memory_space<vmem>>, vector<1x16xf32>,
      %swap3A_115 = arith.index_cast %add3A_90 : i32 to index
      %swap3A_116 = arith.constant 80 : index
      %swap3A_117 = tpu.vector_load %arg9[%swap3A_115, %swap3A_116] {strides = array<i32>} : memref<128x128xf32, #tpu.memory_space<vmem>>, vector<1x16xf32>,
      %swap3A_118 = vector.shape_cast %swap3A_117 : vector<1x16xf32> to vector<1x16xf32>
      %swap3A_119 = vector.shape_cast %broadcast_in_dim3A_3 : vector<1x16xf32> to vector<1x16xf32>
      tpu.vector_store %arg9[%swap3A_115, %swap3A_116], %swap3A_119 {strides = array<i32>} : memref<128x128xf32, #tpu.memory_space<vmem>>, vector<1x16xf32>,
      %swap3A_120 = arith.index_cast %add3A_90 : i32 to index
      %swap3A_121 = arith.constant 96 : index
      %swap3A_122 = tpu.vector_load %arg9[%swap3A_120, %swap3A_121] {strides = array<i32>} : memref<128x128xf32, #tpu.memory_space<vmem>>, vector<1x16xf32>,
      %swap3A_123 = vector.shape_cast %swap3A_122 : vector<1x16xf32> to vector<1x16xf32>
      %swap3A_124 = vector.shape_cast %broadcast_in_dim3A_3 : vector<1x16xf32> to vector<1x16xf32>
      tpu.vector_store %arg9[%swap3A_120, %swap3A_121], %swap3A_124 {strides = array<i32>} : memref<128x128xf32, #tpu.memory_space<vmem>>, vector<1x16xf32>,
      %swap3A_125 = arith.index_cast %add3A_90 : i32 to index
      %swap3A_126 = arith.constant 112 : index
      %swap3A_127 = tpu.vector_load %arg9[%swap3A_125, %swap3A_126] {strides = array<i32>} : memref<128x128xf32, #tpu.memory_space<vmem>>, vector<1x16xf32>,
      %swap3A_128 = vector.shape_cast %swap3A_127 : vector<1x16xf32> to vector<1x16xf32>
      %swap3A_129 = vector.shape_cast %broadcast_in_dim3A_3 : vector<1x16xf32> to vector<1x16xf32>
      tpu.vector_store %arg9[%swap3A_125, %swap3A_126], %swap3A_129 {strides = array<i32>} : memref<128x128xf32, #tpu.memory_space<vmem>>, vector<1x16xf32>,
    }
    %scan3A_7 = arith.constant 128 : i32
    %mul3A_8 = arith.constant 640 : i32
    %mul3A_9 = arith.muli %arg1, %mul3A_8 : i32
    %add3A_10 = arith.constant 0 : i32
    %add3A_11 = arith.addi %mul3A_9, %add3A_10 : i32
    "tpu.region"() ({
      %run_scoped3A = tpu.sem_alloc : memref<!tpu.dma_semaphore, #tpu.memory_space<semaphore_mem>>
      %dma_start3A_86 = arith.constant 0 : i32
      %dma_start3A_87 = tpu.memref_slice %arg11[%add3A_11, %dma_start3A_86] : memref<10240x128xf32, #tpu.memory_space<vmem_shared>> -> memref<128x128xf32, #tpu.memory_space<vmem_shared>>
      %dma_start3A_88 = arith.constant 0 : i32
      %dma_start3A_89 = tpu.memref_slice %arg11[%add3A_11, %dma_start3A_88] : memref<10240x128xf32, #tpu.memory_space<vmem_shared>> -> memref<128x128xf32, #tpu.memory_space<vmem_shared>>
      tpu.enqueue_dma source(%arg9 : memref<128x128xf32, #tpu.memory_space<vmem>>) target(%dma_start3A_89 : memref<128x128xf32, #tpu.memory_space<vmem_shared>>) target_semaphore(%run_scoped3A : memref<!tpu.dma_semaphore, #tpu.memory_space<semaphore_mem>>)
      %dma_wait3A = arith.constant 0 : i32
      %dma_wait3A_90 = tpu.memref_slice %arg11[%add3A_11, %dma_wait3A] : memref<10240x128xf32, #tpu.memory_space<vmem_shared>> -> memref<128x128xf32, #tpu.memory_space<vmem_shared>>
      %dma_wait3A_91 = arith.constant 0 : i32
      %dma_wait3A_92 = tpu.memref_slice %arg11[%add3A_11, %dma_wait3A_91] : memref<10240x128xf32, #tpu.memory_space<vmem_shared>> -> memref<128x128xf32, #tpu.memory_space<vmem_shared>>
      tpu.wait_dma2 semaphore(%run_scoped3A : memref<!tpu.dma_semaphore, #tpu.memory_space<semaphore_mem>>) src(%arg9 : memref<128x128xf32, #tpu.memory_space<vmem>>) dst(%dma_wait3A_92 : memref<128x128xf32, #tpu.memory_space<vmem_shared>>)
      tpu.yield
    }) : () -> ()
    %mul3A_12 = arith.constant 640 : i32
    %mul3A_13 = arith.muli %arg1, %mul3A_12 : i32
    %add3A_14 = arith.constant 128 : i32
    %add3A_15 = arith.addi %mul3A_13, %add3A_14 : i32
    "tpu.region"() ({
      %run_scoped3A = tpu.sem_alloc : memref<!tpu.dma_semaphore, #tpu.memory_space<semaphore_mem>>
      %dma_start3A_86 = arith.constant 0 : i32
      %dma_start3A_87 = tpu.memref_slice %arg11[%add3A_15, %dma_start3A_86] : memref<10240x128xf32, #tpu.memory_space<vmem_shared>> -> memref<128x128xf32, #tpu.memory_space<vmem_shared>>
      %dma_start3A_88 = arith.constant 0 : i32
      %dma_start3A_89 = tpu.memref_slice %arg11[%add3A_15, %dma_start3A_88] : memref<10240x128xf32, #tpu.memory_space<vmem_shared>> -> memref<128x128xf32, #tpu.memory_space<vmem_shared>>
      tpu.enqueue_dma source(%arg9 : memref<128x128xf32, #tpu.memory_space<vmem>>) target(%dma_start3A_89 : memref<128x128xf32, #tpu.memory_space<vmem_shared>>) target_semaphore(%run_scoped3A : memref<!tpu.dma_semaphore, #tpu.memory_space<semaphore_mem>>)
      %dma_wait3A = arith.constant 0 : i32
      %dma_wait3A_90 = tpu.memref_slice %arg11[%add3A_15, %dma_wait3A] : memref<10240x128xf32, #tpu.memory_space<vmem_shared>> -> memref<128x128xf32, #tpu.memory_space<vmem_shared>>
      %dma_wait3A_91 = arith.constant 0 : i32
      %dma_wait3A_92 = tpu.memref_slice %arg11[%add3A_15, %dma_wait3A_91] : memref<10240x128xf32, #tpu.memory_space<vmem_shared>> -> memref<128x128xf32, #tpu.memory_space<vmem_shared>>
      tpu.wait_dma2 semaphore(%run_scoped3A : memref<!tpu.dma_semaphore, #tpu.memory_space<semaphore_mem>>) src(%arg9 : memref<128x128xf32, #tpu.memory_space<vmem>>) dst(%dma_wait3A_92 : memref<128x128xf32, #tpu.memory_space<vmem_shared>>)
      tpu.yield
    }) : () -> ()
    %mul3A_16 = arith.constant 640 : i32
    %mul3A_17 = arith.muli %arg1, %mul3A_16 : i32
    %add3A_18 = arith.constant 256 : i32
    %add3A_19 = arith.addi %mul3A_17, %add3A_18 : i32
    "tpu.region"() ({
      %run_scoped3A = tpu.sem_alloc : memref<!tpu.dma_semaphore, #tpu.memory_space<semaphore_mem>>
      %dma_start3A_86 = arith.constant 0 : i32
      %dma_start3A_87 = tpu.memref_slice %arg11[%add3A_19, %dma_start3A_86] : memref<10240x128xf32, #tpu.memory_space<vmem_shared>> -> memref<128x128xf32, #tpu.memory_space<vmem_shared>>
      %dma_start3A_88 = arith.constant 0 : i32
      %dma_start3A_89 = tpu.memref_slice %arg11[%add3A_19, %dma_start3A_88] : memref<10240x128xf32, #tpu.memory_space<vmem_shared>> -> memref<128x128xf32, #tpu.memory_space<vmem_shared>>
      tpu.enqueue_dma source(%arg9 : memref<128x128xf32, #tpu.memory_space<vmem>>) target(%dma_start3A_89 : memref<128x128xf32, #tpu.memory_space<vmem_shared>>) target_semaphore(%run_scoped3A : memref<!tpu.dma_semaphore, #tpu.memory_space<semaphore_mem>>)
      %dma_wait3A = arith.constant 0 : i32
      %dma_wait3A_90 = tpu.memref_slice %arg11[%add3A_19, %dma_wait3A] : memref<10240x128xf32, #tpu.memory_space<vmem_shared>> -> memref<128x128xf32, #tpu.memory_space<vmem_shared>>
      %dma_wait3A_91 = arith.constant 0 : i32
      %dma_wait3A_92 = tpu.memref_slice %arg11[%add3A_19, %dma_wait3A_91] : memref<10240x128xf32, #tpu.memory_space<vmem_shared>> -> memref<128x128xf32, #tpu.memory_space<vmem_shared>>
      tpu.wait_dma2 semaphore(%run_scoped3A : memref<!tpu.dma_semaphore, #tpu.memory_space<semaphore_mem>>) src(%arg9 : memref<128x128xf32, #tpu.memory_space<vmem>>) dst(%dma_wait3A_92 : memref<128x128xf32, #tpu.memory_space<vmem_shared>>)
      tpu.yield
    }) : () -> ()
    %mul3A_20 = arith.constant 640 : i32
    %mul3A_21 = arith.muli %arg1, %mul3A_20 : i32
    %add3A_22 = arith.constant 384 : i32
    %add3A_23 = arith.addi %mul3A_21, %add3A_22 : i32
    "tpu.region"() ({
      %run_scoped3A = tpu.sem_alloc : memref<!tpu.dma_semaphore, #tpu.memory_space<semaphore_mem>>
      %dma_start3A_86 = arith.constant 0 : i32
      %dma_start3A_87 = tpu.memref_slice %arg11[%add3A_23, %dma_start3A_86] : memref<10240x128xf32, #tpu.memory_space<vmem_shared>> -> memref<128x128xf32, #tpu.memory_space<vmem_shared>>
      %dma_start3A_88 = arith.constant 0 : i32
      %dma_start3A_89 = tpu.memref_slice %arg11[%add3A_23, %dma_start3A_88] : memref<10240x128xf32, #tpu.memory_space<vmem_shared>> -> memref<128x128xf32, #tpu.memory_space<vmem_shared>>
      tpu.enqueue_dma source(%arg9 : memref<128x128xf32, #tpu.memory_space<vmem>>) target(%dma_start3A_89 : memref<128x128xf32, #tpu.memory_space<vmem_shared>>) target_semaphore(%run_scoped3A : memref<!tpu.dma_semaphore, #tpu.memory_space<semaphore_mem>>)
      %dma_wait3A = arith.constant 0 : i32
      %dma_wait3A_90 = tpu.memref_slice %arg11[%add3A_23, %dma_wait3A] : memref<10240x128xf32, #tpu.memory_space<vmem_shared>> -> memref<128x128xf32, #tpu.memory_space<vmem_shared>>
      %dma_wait3A_91 = arith.constant 0 : i32
      %dma_wait3A_92 = tpu.memref_slice %arg11[%add3A_23, %dma_wait3A_91] : memref<10240x128xf32, #tpu.memory_space<vmem_shared>> -> memref<128x128xf32, #tpu.memory_space<vmem_shared>>
      tpu.wait_dma2 semaphore(%run_scoped3A : memref<!tpu.dma_semaphore, #tpu.memory_space<semaphore_mem>>) src(%arg9 : memref<128x128xf32, #tpu.memory_space<vmem>>) dst(%dma_wait3A_92 : memref<128x128xf32, #tpu.memory_space<vmem_shared>>)
      tpu.yield
    }) : () -> ()
    %mul3A_24 = arith.constant 640 : i32
    %mul3A_25 = arith.muli %arg1, %mul3A_24 : i32
    %add3A_26 = arith.constant 512 : i32
    %add3A_27 = arith.addi %mul3A_25, %add3A_26 : i32
    "tpu.region"() ({
      %run_scoped3A = tpu.sem_alloc : memref<!tpu.dma_semaphore, #tpu.memory_space<semaphore_mem>>
      %dma_start3A_86 = arith.constant 0 : i32
      %dma_start3A_87 = tpu.memref_slice %arg11[%add3A_27, %dma_start3A_86] : memref<10240x128xf32, #tpu.memory_space<vmem_shared>> -> memref<128x128xf32, #tpu.memory_space<vmem_shared>>
      %dma_start3A_88 = arith.constant 0 : i32
      %dma_start3A_89 = tpu.memref_slice %arg11[%add3A_27, %dma_start3A_88] : memref<10240x128xf32, #tpu.memory_space<vmem_shared>> -> memref<128x128xf32, #tpu.memory_space<vmem_shared>>
      tpu.enqueue_dma source(%arg9 : memref<128x128xf32, #tpu.memory_space<vmem>>) target(%dma_start3A_89 : memref<128x128xf32, #tpu.memory_space<vmem_shared>>) target_semaphore(%run_scoped3A : memref<!tpu.dma_semaphore, #tpu.memory_space<semaphore_mem>>)
      %dma_wait3A = arith.constant 0 : i32
      %dma_wait3A_90 = tpu.memref_slice %arg11[%add3A_27, %dma_wait3A] : memref<10240x128xf32, #tpu.memory_space<vmem_shared>> -> memref<128x128xf32, #tpu.memory_space<vmem_shared>>
      %dma_wait3A_91 = arith.constant 0 : i32
      %dma_wait3A_92 = tpu.memref_slice %arg11[%add3A_27, %dma_wait3A_91] : memref<10240x128xf32, #tpu.memory_space<vmem_shared>> -> memref<128x128xf32, #tpu.memory_space<vmem_shared>>
      tpu.wait_dma2 semaphore(%run_scoped3A : memref<!tpu.dma_semaphore, #tpu.memory_space<semaphore_mem>>) src(%arg9 : memref<128x128xf32, #tpu.memory_space<vmem>>) dst(%dma_wait3A_92 : memref<128x128xf32, #tpu.memory_space<vmem_shared>>)
      tpu.yield
    }) : () -> ()
    %barrier3A = arith.constant 0 : index
    tpu.barrier barrier_id(%barrier3A)
    %dma_start3A = arith.constant 0 : i32
    %dma_start3A_28 = arith.constant 0 : i32
    %dma_start3A_29 = tpu.memref_slice %arg6[%dma_start3A, %dma_start3A_28] : memref<80x128xi32, #tpu.memory_space<vmem>> -> memref<1x128xi32, #tpu.memory_space<vmem>>
    %dma_start3A_30 = tpu.memref_squeeze %dma_start3A_29 : memref<1x128xi32, #tpu.memory_space<vmem>> -> memref<128xi32, #tpu.memory_space<vmem>>
    %dma_start3A_31 = arith.constant 0 : i32
    %dma_start3A_32 = arith.constant 0 : i32
    %dma_start3A_33 = tpu.memref_slice %arg4[%dma_start3A_31, %dma_start3A_32] : memref<10240x128xf32, #tpu.memory_space<hbm>> -> memref<10240x128xf32, #tpu.memory_space<hbm>>
    tpu.enqueue_indirect_dma source(%dma_start3A_33 : memref<10240x128xf32, #tpu.memory_space<hbm>>) target(%arg9 : memref<128x128xf32, #tpu.memory_space<vmem>>) offsets(%dma_start3A_30 : memref<128xi32, #tpu.memory_space<vmem>>) semaphore(%arg12 : memref<!tpu.dma_semaphore, #tpu.memory_space<semaphore_mem>>)
    %dma_start3A_34 = arith.constant 0 : i32
    %dma_start3A_35 = tpu.memref_slice %arg3[%mul3A_2, %dma_start3A_34] : memref<2560x128xi32, #tpu.memory_space<hbm>> -> memref<1x128xi32, #tpu.memory_space<hbm>>
    %dma_start3A_36 = tpu.memref_squeeze %dma_start3A_35 : memref<1x128xi32, #tpu.memory_space<hbm>> -> memref<128xi32, #tpu.memory_space<hbm>>
    %dma_start3A_37 = arith.constant 0 : i32
    %dma_start3A_38 = tpu.memref_slice %arg3[%mul3A_2, %dma_start3A_37] : memref<2560x128xi32, #tpu.memory_space<hbm>> -> memref<1x128xi32, #tpu.memory_space<hbm>>
    %dma_start3A_39 = tpu.memref_squeeze %dma_start3A_38 : memref<1x128xi32, #tpu.memory_space<hbm>> -> memref<128xi32, #tpu.memory_space<hbm>>
    tpu.enqueue_dma source(%dma_start3A_39 : memref<128xi32, #tpu.memory_space<hbm>>) target(%arg7 : memref<128xi32, #tpu.memory_space<vmem>>) target_semaphore(%arg14 : memref<!tpu.dma_semaphore, #tpu.memory_space<semaphore_mem>>)
    %scan3A_40 = arith.constant 0 : i32
    %scan3A_41 = arith.constant 40 : i32
    %scan3A_42 = arith.addi %scan3A_40, %scan3A_41 : i32
    %scan3A_43 = arith.constant 1 : i32
    scf.for %scan3A_86 = %scan3A_40 to %scan3A_42 step %scan3A_43  : i32 {
      %mul3A_87 = arith.constant 2 : i32
      %mul3A_88 = arith.muli %scan3A_86, %mul3A_87 : i32
      %add3A_89 = arith.constant 0 : i32
      %add3A_90 = arith.addi %add3A_89, %mul3A_88 : i32
      %dma_wait3A = arith.constant 0 : i32
      %dma_wait3A_91 = tpu.memref_slice %arg6[%add3A_90, %dma_wait3A] : memref<80x128xi32, #tpu.memory_space<vmem>> -> memref<1x128xi32, #tpu.memory_space<vmem>>
      %dma_wait3A_92 = tpu.memref_squeeze %dma_wait3A_91 : memref<1x128xi32, #tpu.memory_space<vmem>> -> memref<128xi32, #tpu.memory_space<vmem>>
      %dma_wait3A_93 = arith.constant 0 : i32
      %dma_wait3A_94 = arith.constant 0 : i32
      %dma_wait3A_95 = tpu.memref_slice %arg4[%dma_wait3A_93, %dma_wait3A_94] : memref<10240x128xf32, #tpu.memory_space<hbm>> -> memref<10240x128xf32, #tpu.memory_space<hbm>>
      tpu.wait_indirect_dma semaphore(%arg12 : memref<!tpu.dma_semaphore, #tpu.memory_space<semaphore_mem>>) src(%dma_wait3A_95 : memref<10240x128xf32, #tpu.memory_space<hbm>>) dst(%arg9 : memref<128x128xf32, #tpu.memory_space<vmem>>)
      %add3A_96 = arith.addi %mul3A_2, %add3A_90 : i32
      %dma_wait3A_97 = arith.constant 0 : i32
      %dma_wait3A_98 = tpu.memref_slice %arg3[%add3A_96, %dma_wait3A_97] : memref<2560x128xi32, #tpu.memory_space<hbm>> -> memref<1x128xi32, #tpu.memory_space<hbm>>
      %dma_wait3A_99 = tpu.memref_squeeze %dma_wait3A_98 : memref<1x128xi32, #tpu.memory_space<hbm>> -> memref<128xi32, #tpu.memory_space<hbm>>
      %dma_wait3A_100 = arith.constant 0 : i32
      %dma_wait3A_101 = tpu.memref_slice %arg3[%add3A_96, %dma_wait3A_100] : memref<2560x128xi32, #tpu.memory_space<hbm>> -> memref<1x128xi32, #tpu.memory_space<hbm>>
      %dma_wait3A_102 = tpu.memref_squeeze %dma_wait3A_101 : memref<1x128xi32, #tpu.memory_space<hbm>> -> memref<128xi32, #tpu.memory_space<hbm>>
      tpu.wait_dma2 semaphore(%arg14 : memref<!tpu.dma_semaphore, #tpu.memory_space<semaphore_mem>>) src(%dma_wait3A_102 : memref<128xi32, #tpu.memory_space<hbm>>) dst(%arg7 : memref<128xi32, #tpu.memory_space<vmem>>)
      %add3A_103 = arith.constant 1 : i32
      %add3A_104 = arith.addi %add3A_90, %add3A_103 : i32
      %dma_start3A_105 = arith.constant 0 : i32
      %dma_start3A_106 = tpu.memref_slice %arg6[%add3A_104, %dma_start3A_105] : memref<80x128xi32, #tpu.memory_space<vmem>> -> memref<1x128xi32, #tpu.memory_space<vmem>>
      %dma_start3A_107 = tpu.memref_squeeze %dma_start3A_106 : memref<1x128xi32, #tpu.memory_space<vmem>> -> memref<128xi32, #tpu.memory_space<vmem>>
      %dma_start3A_108 = arith.constant 0 : i32
      %dma_start3A_109 = arith.constant 0 : i32
      %dma_start3A_110 = tpu.memref_slice %arg4[%dma_start3A_108, %dma_start3A_109] : memref<10240x128xf32, #tpu.memory_space<hbm>> -> memref<10240x128xf32, #tpu.memory_space<hbm>>
      tpu.enqueue_indirect_dma source(%dma_start3A_110 : memref<10240x128xf32, #tpu.memory_space<hbm>>) target(%arg10 : memref<128x128xf32, #tpu.memory_space<vmem>>) offsets(%dma_start3A_107 : memref<128xi32, #tpu.memory_space<vmem>>) semaphore(%arg13 : memref<!tpu.dma_semaphore, #tpu.memory_space<semaphore_mem>>)
      %add3A_111 = arith.addi %mul3A_2, %add3A_90 : i32
      %add3A_112 = arith.constant 1 : i32
      %add3A_113 = arith.addi %add3A_111, %add3A_112 : i32
      %dma_start3A_114 = arith.constant 0 : i32
      %dma_start3A_115 = tpu.memref_slice %arg3[%add3A_113, %dma_start3A_114] : memref<2560x128xi32, #tpu.memory_space<hbm>> -> memref<1x128xi32, #tpu.memory_space<hbm>>
      %dma_start3A_116 = tpu.memref_squeeze %dma_start3A_115 : memref<1x128xi32, #tpu.memory_space<hbm>> -> memref<128xi32, #tpu.memory_space<hbm>>
      %dma_start3A_117 = arith.constant 0 : i32
      %dma_start3A_118 = tpu.memref_slice %arg3[%add3A_113, %dma_start3A_117] : memref<2560x128xi32, #tpu.memory_space<hbm>> -> memref<1x128xi32, #tpu.memory_space<hbm>>
      %dma_start3A_119 = tpu.memref_squeeze %dma_start3A_118 : memref<1x128xi32, #tpu.memory_space<hbm>> -> memref<128xi32, #tpu.memory_space<hbm>>
      tpu.enqueue_dma source(%dma_start3A_119 : memref<128xi32, #tpu.memory_space<hbm>>) target(%arg8 : memref<128xi32, #tpu.memory_space<vmem>>) target_semaphore(%arg15 : memref<!tpu.dma_semaphore, #tpu.memory_space<semaphore_mem>>)
      "tpu.region"() ({
        %run_scoped3A = tpu.sem_alloc : memref<!tpu.dma_semaphore, #tpu.memory_space<semaphore_mem>>
        %dma_start3A_141 = arith.constant 0 : i32
        %dma_start3A_142 = arith.constant 0 : i32
        %dma_start3A_143 = tpu.memref_slice %arg11[%dma_start3A_141, %dma_start3A_142] : memref<10240x128xf32, #tpu.memory_space<vmem_shared>> -> memref<10240x128xf32, #tpu.memory_space<vmem_shared>>
        tpu.enqueue_indirect_dma source(%arg9 : memref<128x128xf32, #tpu.memory_space<vmem>>) target(%dma_start3A_143 : memref<10240x128xf32, #tpu.memory_space<vmem_shared>>) offsets(%arg7 : memref<128xi32, #tpu.memory_space<vmem>>) semaphore(%run_scoped3A : memref<!tpu.dma_semaphore, #tpu.memory_space<semaphore_mem>>) {add = true}
        %dma_wait3A_144 = arith.constant 0 : i32
        %dma_wait3A_145 = arith.constant 0 : i32
        %dma_wait3A_146 = tpu.memref_slice %arg11[%dma_wait3A_144, %dma_wait3A_145] : memref<10240x128xf32, #tpu.memory_space<vmem_shared>> -> memref<10240x128xf32, #tpu.memory_space<vmem_shared>>
        tpu.wait_indirect_dma semaphore(%run_scoped3A : memref<!tpu.dma_semaphore, #tpu.memory_space<semaphore_mem>>) src(%arg9 : memref<128x128xf32, #tpu.memory_space<vmem>>) dst(%dma_wait3A_146 : memref<10240x128xf32, #tpu.memory_space<vmem_shared>>)
        tpu.yield
      }) : () -> ()
      %add3A_120 = arith.constant 1 : i32
      %add3A_121 = arith.addi %add3A_90, %add3A_120 : i32
      %dma_wait3A_122 = arith.constant 0 : i32
      %dma_wait3A_123 = tpu.memref_slice %arg6[%add3A_121, %dma_wait3A_122] : memref<80x128xi32, #tpu.memory_space<vmem>> -> memref<1x128xi32, #tpu.memory_space<vmem>>
      %dma_wait3A_124 = tpu.memref_squeeze %dma_wait3A_123 : memref<1x128xi32, #tpu.memory_space<vmem>> -> memref<128xi32, #tpu.memory_space<vmem>>
      %dma_wait3A_125 = arith.constant 0 : i32
      %dma_wait3A_126 = arith.constant 0 : i32
      %dma_wait3A_127 = tpu.memref_slice %arg4[%dma_wait3A_125, %dma_wait3A_126] : memref<10240x128xf32, #tpu.memory_space<hbm>> -> memref<10240x128xf32, #tpu.memory_space<hbm>>
      tpu.wait_indirect_dma semaphore(%arg13 : memref<!tpu.dma_semaphore, #tpu.memory_space<semaphore_mem>>) src(%dma_wait3A_127 : memref<10240x128xf32, #tpu.memory_space<hbm>>) dst(%arg10 : memref<128x128xf32, #tpu.memory_space<vmem>>)
      %add3A_128 = arith.addi %mul3A_2, %add3A_90 : i32
      %add3A_129 = arith.constant 1 : i32
      %add3A_130 = arith.addi %add3A_128, %add3A_129 : i32
      %dma_wait3A_131 = arith.constant 0 : i32
      %dma_wait3A_132 = tpu.memref_slice %arg3[%add3A_130, %dma_wait3A_131] : memref<2560x128xi32, #tpu.memory_space<hbm>> -> memref<1x128xi32, #tpu.memory_space<hbm>>
      %dma_wait3A_133 = tpu.memref_squeeze %dma_wait3A_132 : memref<1x128xi32, #tpu.memory_space<hbm>> -> memref<128xi32, #tpu.memory_space<hbm>>
      %dma_wait3A_134 = arith.constant 0 : i32
      %dma_wait3A_135 = tpu.memref_slice %arg3[%add3A_130, %dma_wait3A_134] : memref<2560x128xi32, #tpu.memory_space<hbm>> -> memref<1x128xi32, #tpu.memory_space<hbm>>
      %dma_wait3A_136 = tpu.memref_squeeze %dma_wait3A_135 : memref<1x128xi32, #tpu.memory_space<hbm>> -> memref<128xi32, #tpu.memory_space<hbm>>
      tpu.wait_dma2 semaphore(%arg15 : memref<!tpu.dma_semaphore, #tpu.memory_space<semaphore_mem>>) src(%dma_wait3A_136 : memref<128xi32, #tpu.memory_space<hbm>>) dst(%arg8 : memref<128xi32, #tpu.memory_space<vmem>>)
      %add3A_137 = arith.constant 2 : i32
      %add3A_138 = arith.addi %add3A_90, %add3A_137 : i32
      %lt3A = arith.constant 80 : i32
      %lt3A_139 = arith.cmpi slt, %add3A_138, %lt3A : i32
      %convert_element_type3A = arith.extui %lt3A_139 : i1 to i32
      %cond3A = arith.constant 0 : i32
      %cond3A_140 = arith.cmpi ne, %convert_element_type3A, %cond3A : i32
      scf.if %cond3A_140 {
        %add3A_141 = arith.constant 2 : i32
        %add3A_142 = arith.addi %add3A_90, %add3A_141 : i32
        %dma_start3A_143 = arith.constant 0 : i32
        %dma_start3A_144 = tpu.memref_slice %arg6[%add3A_142, %dma_start3A_143] : memref<80x128xi32, #tpu.memory_space<vmem>> -> memref<1x128xi32, #tpu.memory_space<vmem>>
        %dma_start3A_145 = tpu.memref_squeeze %dma_start3A_144 : memref<1x128xi32, #tpu.memory_space<vmem>> -> memref<128xi32, #tpu.memory_space<vmem>>
        %dma_start3A_146 = arith.constant 0 : i32
        %dma_start3A_147 = arith.constant 0 : i32
        %dma_start3A_148 = tpu.memref_slice %arg4[%dma_start3A_146, %dma_start3A_147] : memref<10240x128xf32, #tpu.memory_space<hbm>> -> memref<10240x128xf32, #tpu.memory_space<hbm>>
        tpu.enqueue_indirect_dma source(%dma_start3A_148 : memref<10240x128xf32, #tpu.memory_space<hbm>>) target(%arg9 : memref<128x128xf32, #tpu.memory_space<vmem>>) offsets(%dma_start3A_145 : memref<128xi32, #tpu.memory_space<vmem>>) semaphore(%arg12 : memref<!tpu.dma_semaphore, #tpu.memory_space<semaphore_mem>>)
        %add3A_149 = arith.addi %mul3A_2, %add3A_90 : i32
        %add3A_150 = arith.constant 2 : i32
        %add3A_151 = arith.addi %add3A_149, %add3A_150 : i32
        %dma_start3A_152 = arith.constant 0 : i32
        %dma_start3A_153 = tpu.memref_slice %arg3[%add3A_151, %dma_start3A_152] : memref<2560x128xi32, #tpu.memory_space<hbm>> -> memref<1x128xi32, #tpu.memory_space<hbm>>
        %dma_start3A_154 = tpu.memref_squeeze %dma_start3A_153 : memref<1x128xi32, #tpu.memory_space<hbm>> -> memref<128xi32, #tpu.memory_space<hbm>>
        %dma_start3A_155 = arith.constant 0 : i32
        %dma_start3A_156 = tpu.memref_slice %arg3[%add3A_151, %dma_start3A_155] : memref<2560x128xi32, #tpu.memory_space<hbm>> -> memref<1x128xi32, #tpu.memory_space<hbm>>
        %dma_start3A_157 = tpu.memref_squeeze %dma_start3A_156 : memref<1x128xi32, #tpu.memory_space<hbm>> -> memref<128xi32, #tpu.memory_space<hbm>>
        tpu.enqueue_dma source(%dma_start3A_157 : memref<128xi32, #tpu.memory_space<hbm>>) target(%arg7 : memref<128xi32, #tpu.memory_space<vmem>>) target_semaphore(%arg14 : memref<!tpu.dma_semaphore, #tpu.memory_space<semaphore_mem>>)
      } else {
      }
      "tpu.region"() ({
        %run_scoped3A = tpu.sem_alloc : memref<!tpu.dma_semaphore, #tpu.memory_space<semaphore_mem>>
        %dma_start3A_141 = arith.constant 0 : i32
        %dma_start3A_142 = arith.constant 0 : i32
        %dma_start3A_143 = tpu.memref_slice %arg11[%dma_start3A_141, %dma_start3A_142] : memref<10240x128xf32, #tpu.memory_space<vmem_shared>> -> memref<10240x128xf32, #tpu.memory_space<vmem_shared>>
        tpu.enqueue_indirect_dma source(%arg10 : memref<128x128xf32, #tpu.memory_space<vmem>>) target(%dma_start3A_143 : memref<10240x128xf32, #tpu.memory_space<vmem_shared>>) offsets(%arg8 : memref<128xi32, #tpu.memory_space<vmem>>) semaphore(%run_scoped3A : memref<!tpu.dma_semaphore, #tpu.memory_space<semaphore_mem>>) {add = true}
        %dma_wait3A_144 = arith.constant 0 : i32
        %dma_wait3A_145 = arith.constant 0 : i32
        %dma_wait3A_146 = tpu.memref_slice %arg11[%dma_wait3A_144, %dma_wait3A_145] : memref<10240x128xf32, #tpu.memory_space<vmem_shared>> -> memref<10240x128xf32, #tpu.memory_space<vmem_shared>>
        tpu.wait_indirect_dma semaphore(%run_scoped3A : memref<!tpu.dma_semaphore, #tpu.memory_space<semaphore_mem>>) src(%arg10 : memref<128x128xf32, #tpu.memory_space<vmem>>) dst(%dma_wait3A_146 : memref<10240x128xf32, #tpu.memory_space<vmem_shared>>)
        tpu.yield
      }) : () -> ()
    }
    %scan3A_44 = arith.constant 40 : i32
    %barrier3A_45 = arith.constant 0 : index
    tpu.barrier barrier_id(%barrier3A_45)
    %mul3A_46 = arith.constant 640 : i32
    %mul3A_47 = arith.muli %arg1, %mul3A_46 : i32
    %add3A_48 = arith.constant 0 : i32
    %add3A_49 = arith.addi %mul3A_47, %add3A_48 : i32
    %mul3A_50 = arith.constant 640 : i32
    %mul3A_51 = arith.muli %arg1, %mul3A_50 : i32
    %add3A_52 = arith.constant 0 : i32
    %add3A_53 = arith.addi %mul3A_51, %add3A_52 : i32
    "tpu.region"() ({
      %run_scoped3A = tpu.sem_alloc : memref<!tpu.dma_semaphore, #tpu.memory_space<semaphore_mem>>
      %dma_start3A_86 = arith.constant 0 : i32
      %dma_start3A_87 = tpu.memref_slice %arg5[%arg0, %add3A_53, %dma_start3A_86] : memref<2x10240x128xf32, #tpu.memory_space<hbm>> -> memref<1x128x128xf32, #tpu.memory_space<hbm>>
      %dma_start3A_88 = tpu.memref_squeeze %dma_start3A_87 : memref<1x128x128xf32, #tpu.memory_space<hbm>> -> memref<128x128xf32, #tpu.memory_space<hbm>>
      %dma_start3A_89 = arith.constant 0 : i32
      %dma_start3A_90 = tpu.memref_slice %arg11[%add3A_49, %dma_start3A_89] : memref<10240x128xf32, #tpu.memory_space<vmem_shared>> -> memref<128x128xf32, #tpu.memory_space<vmem_shared>>
      tpu.enqueue_dma source(%dma_start3A_90 : memref<128x128xf32, #tpu.memory_space<vmem_shared>>) target(%dma_start3A_88 : memref<128x128xf32, #tpu.memory_space<hbm>>) target_semaphore(%run_scoped3A : memref<!tpu.dma_semaphore, #tpu.memory_space<semaphore_mem>>)
      %dma_wait3A = arith.constant 0 : i32
      %dma_wait3A_91 = tpu.memref_slice %arg5[%arg0, %add3A_53, %dma_wait3A] : memref<2x10240x128xf32, #tpu.memory_space<hbm>> -> memref<1x128x128xf32, #tpu.memory_space<hbm>>
      %dma_wait3A_92 = tpu.memref_squeeze %dma_wait3A_91 : memref<1x128x128xf32, #tpu.memory_space<hbm>> -> memref<128x128xf32, #tpu.memory_space<hbm>>
      %dma_wait3A_93 = arith.constant 0 : i32
      %dma_wait3A_94 = tpu.memref_slice %arg11[%add3A_49, %dma_wait3A_93] : memref<10240x128xf32, #tpu.memory_space<vmem_shared>> -> memref<128x128xf32, #tpu.memory_space<vmem_shared>>
      tpu.wait_dma2 semaphore(%run_scoped3A : memref<!tpu.dma_semaphore, #tpu.memory_space<semaphore_mem>>) src(%dma_wait3A_94 : memref<128x128xf32, #tpu.memory_space<vmem_shared>>) dst(%dma_wait3A_92 : memref<128x128xf32, #tpu.memory_space<hbm>>)
      tpu.yield
    }) : () -> ()
    %mul3A_54 = arith.constant 640 : i32
    %mul3A_55 = arith.muli %arg1, %mul3A_54 : i32
    %add3A_56 = arith.constant 128 : i32
    %add3A_57 = arith.addi %mul3A_55, %add3A_56 : i32
    %mul3A_58 = arith.constant 640 : i32
    %mul3A_59 = arith.muli %arg1, %mul3A_58 : i32
    %add3A_60 = arith.constant 128 : i32
    %add3A_61 = arith.addi %mul3A_59, %add3A_60 : i32
    "tpu.region"() ({
      %run_scoped3A = tpu.sem_alloc : memref<!tpu.dma_semaphore, #tpu.memory_space<semaphore_mem>>
      %dma_start3A_86 = arith.constant 0 : i32
      %dma_start3A_87 = tpu.memref_slice %arg5[%arg0, %add3A_61, %dma_start3A_86] : memref<2x10240x128xf32, #tpu.memory_space<hbm>> -> memref<1x128x128xf32, #tpu.memory_space<hbm>>
      %dma_start3A_88 = tpu.memref_squeeze %dma_start3A_87 : memref<1x128x128xf32, #tpu.memory_space<hbm>> -> memref<128x128xf32, #tpu.memory_space<hbm>>
      %dma_start3A_89 = arith.constant 0 : i32
      %dma_start3A_90 = tpu.memref_slice %arg11[%add3A_57, %dma_start3A_89] : memref<10240x128xf32, #tpu.memory_space<vmem_shared>> -> memref<128x128xf32, #tpu.memory_space<vmem_shared>>
      tpu.enqueue_dma source(%dma_start3A_90 : memref<128x128xf32, #tpu.memory_space<vmem_shared>>) target(%dma_start3A_88 : memref<128x128xf32, #tpu.memory_space<hbm>>) target_semaphore(%run_scoped3A : memref<!tpu.dma_semaphore, #tpu.memory_space<semaphore_mem>>)
      %dma_wait3A = arith.constant 0 : i32
      %dma_wait3A_91 = tpu.memref_slice %arg5[%arg0, %add3A_61, %dma_wait3A] : memref<2x10240x128xf32, #tpu.memory_space<hbm>> -> memref<1x128x128xf32, #tpu.memory_space<hbm>>
      %dma_wait3A_92 = tpu.memref_squeeze %dma_wait3A_91 : memref<1x128x128xf32, #tpu.memory_space<hbm>> -> memref<128x128xf32, #tpu.memory_space<hbm>>
      %dma_wait3A_93 = arith.constant 0 : i32
      %dma_wait3A_94 = tpu.memref_slice %arg11[%add3A_57, %dma_wait3A_93] : memref<10240x128xf32, #tpu.memory_space<vmem_shared>> -> memref<128x128xf32, #tpu.memory_space<vmem_shared>>
      tpu.wait_dma2 semaphore(%run_scoped3A : memref<!tpu.dma_semaphore, #tpu.memory_space<semaphore_mem>>) src(%dma_wait3A_94 : memref<128x128xf32, #tpu.memory_space<vmem_shared>>) dst(%dma_wait3A_92 : memref<128x128xf32, #tpu.memory_space<hbm>>)
      tpu.yield
    }) : () -> ()
    %mul3A_62 = arith.constant 640 : i32
    %mul3A_63 = arith.muli %arg1, %mul3A_62 : i32
    %add3A_64 = arith.constant 256 : i32
    %add3A_65 = arith.addi %mul3A_63, %add3A_64 : i32
    %mul3A_66 = arith.constant 640 : i32
    %mul3A_67 = arith.muli %arg1, %mul3A_66 : i32
    %add3A_68 = arith.constant 256 : i32
    %add3A_69 = arith.addi %mul3A_67, %add3A_68 : i32
    "tpu.region"() ({
      %run_scoped3A = tpu.sem_alloc : memref<!tpu.dma_semaphore, #tpu.memory_space<semaphore_mem>>
      %dma_start3A_86 = arith.constant 0 : i32
      %dma_start3A_87 = tpu.memref_slice %arg5[%arg0, %add3A_69, %dma_start3A_86] : memref<2x10240x128xf32, #tpu.memory_space<hbm>> -> memref<1x128x128xf32, #tpu.memory_space<hbm>>
      %dma_start3A_88 = tpu.memref_squeeze %dma_start3A_87 : memref<1x128x128xf32, #tpu.memory_space<hbm>> -> memref<128x128xf32, #tpu.memory_space<hbm>>
      %dma_start3A_89 = arith.constant 0 : i32
      %dma_start3A_90 = tpu.memref_slice %arg11[%add3A_65, %dma_start3A_89] : memref<10240x128xf32, #tpu.memory_space<vmem_shared>> -> memref<128x128xf32, #tpu.memory_space<vmem_shared>>
      tpu.enqueue_dma source(%dma_start3A_90 : memref<128x128xf32, #tpu.memory_space<vmem_shared>>) target(%dma_start3A_88 : memref<128x128xf32, #tpu.memory_space<hbm>>) target_semaphore(%run_scoped3A : memref<!tpu.dma_semaphore, #tpu.memory_space<semaphore_mem>>)
      %dma_wait3A = arith.constant 0 : i32
      %dma_wait3A_91 = tpu.memref_slice %arg5[%arg0, %add3A_69, %dma_wait3A] : memref<2x10240x128xf32, #tpu.memory_space<hbm>> -> memref<1x128x128xf32, #tpu.memory_space<hbm>>
      %dma_wait3A_92 = tpu.memref_squeeze %dma_wait3A_91 : memref<1x128x128xf32, #tpu.memory_space<hbm>> -> memref<128x128xf32, #tpu.memory_space<hbm>>
      %dma_wait3A_93 = arith.constant 0 : i32
      %dma_wait3A_94 = tpu.memref_slice %arg11[%add3A_65, %dma_wait3A_93] : memref<10240x128xf32, #tpu.memory_space<vmem_shared>> -> memref<128x128xf32, #tpu.memory_space<vmem_shared>>
      tpu.wait_dma2 semaphore(%run_scoped3A : memref<!tpu.dma_semaphore, #tpu.memory_space<semaphore_mem>>) src(%dma_wait3A_94 : memref<128x128xf32, #tpu.memory_space<vmem_shared>>) dst(%dma_wait3A_92 : memref<128x128xf32, #tpu.memory_space<hbm>>)
      tpu.yield
    }) : () -> ()
    %mul3A_70 = arith.constant 640 : i32
    %mul3A_71 = arith.muli %arg1, %mul3A_70 : i32
    %add3A_72 = arith.constant 384 : i32
    %add3A_73 = arith.addi %mul3A_71, %add3A_72 : i32
    %mul3A_74 = arith.constant 640 : i32
    %mul3A_75 = arith.muli %arg1, %mul3A_74 : i32
    %add3A_76 = arith.constant 384 : i32
    %add3A_77 = arith.addi %mul3A_75, %add3A_76 : i32
    "tpu.region"() ({
      %run_scoped3A = tpu.sem_alloc : memref<!tpu.dma_semaphore, #tpu.memory_space<semaphore_mem>>
      %dma_start3A_86 = arith.constant 0 : i32
      %dma_start3A_87 = tpu.memref_slice %arg5[%arg0, %add3A_77, %dma_start3A_86] : memref<2x10240x128xf32, #tpu.memory_space<hbm>> -> memref<1x128x128xf32, #tpu.memory_space<hbm>>
      %dma_start3A_88 = tpu.memref_squeeze %dma_start3A_87 : memref<1x128x128xf32, #tpu.memory_space<hbm>> -> memref<128x128xf32, #tpu.memory_space<hbm>>
      %dma_start3A_89 = arith.constant 0 : i32
      %dma_start3A_90 = tpu.memref_slice %arg11[%add3A_73, %dma_start3A_89] : memref<10240x128xf32, #tpu.memory_space<vmem_shared>> -> memref<128x128xf32, #tpu.memory_space<vmem_shared>>
      tpu.enqueue_dma source(%dma_start3A_90 : memref<128x128xf32, #tpu.memory_space<vmem_shared>>) target(%dma_start3A_88 : memref<128x128xf32, #tpu.memory_space<hbm>>) target_semaphore(%run_scoped3A : memref<!tpu.dma_semaphore, #tpu.memory_space<semaphore_mem>>)
      %dma_wait3A = arith.constant 0 : i32
      %dma_wait3A_91 = tpu.memref_slice %arg5[%arg0, %add3A_77, %dma_wait3A] : memref<2x10240x128xf32, #tpu.memory_space<hbm>> -> memref<1x128x128xf32, #tpu.memory_space<hbm>>
      %dma_wait3A_92 = tpu.memref_squeeze %dma_wait3A_91 : memref<1x128x128xf32, #tpu.memory_space<hbm>> -> memref<128x128xf32, #tpu.memory_space<hbm>>
      %dma_wait3A_93 = arith.constant 0 : i32
      %dma_wait3A_94 = tpu.memref_slice %arg11[%add3A_73, %dma_wait3A_93] : memref<10240x128xf32, #tpu.memory_space<vmem_shared>> -> memref<128x128xf32, #tpu.memory_space<vmem_shared>>
      tpu.wait_dma2 semaphore(%run_scoped3A : memref<!tpu.dma_semaphore, #tpu.memory_space<semaphore_mem>>) src(%dma_wait3A_94 : memref<128x128xf32, #tpu.memory_space<vmem_shared>>) dst(%dma_wait3A_92 : memref<128x128xf32, #tpu.memory_space<hbm>>)
      tpu.yield
    }) : () -> ()
    %mul3A_78 = arith.constant 640 : i32
    %mul3A_79 = arith.muli %arg1, %mul3A_78 : i32
    %add3A_80 = arith.constant 512 : i32
    %add3A_81 = arith.addi %mul3A_79, %add3A_80 : i32
    %mul3A_82 = arith.constant 640 : i32
    %mul3A_83 = arith.muli %arg1, %mul3A_82 : i32
    %add3A_84 = arith.constant 512 : i32
    %add3A_85 = arith.addi %mul3A_83, %add3A_84 : i32
    "tpu.region"() ({
      %run_scoped3A = tpu.sem_alloc : memref<!tpu.dma_semaphore, #tpu.memory_space<semaphore_mem>>
      %dma_start3A_86 = arith.constant 0 : i32
      %dma_start3A_87 = tpu.memref_slice %arg5[%arg0, %add3A_85, %dma_start3A_86] : memref<2x10240x128xf32, #tpu.memory_space<hbm>> -> memref<1x128x128xf32, #tpu.memory_space<hbm>>
      %dma_start3A_88 = tpu.memref_squeeze %dma_start3A_87 : memref<1x128x128xf32, #tpu.memory_space<hbm>> -> memref<128x128xf32, #tpu.memory_space<hbm>>
      %dma_start3A_89 = arith.constant 0 : i32
      %dma_start3A_90 = tpu.memref_slice %arg11[%add3A_81, %dma_start3A_89] : memref<10240x128xf32, #tpu.memory_space<vmem_shared>> -> memref<128x128xf32, #tpu.memory_space<vmem_shared>>
      tpu.enqueue_dma source(%dma_start3A_90 : memref<128x128xf32, #tpu.memory_space<vmem_shared>>) target(%dma_start3A_88 : memref<128x128xf32, #tpu.memory_space<hbm>>) target_semaphore(%run_scoped3A : memref<!tpu.dma_semaphore, #tpu.memory_space<semaphore_mem>>)
      %dma_wait3A = arith.constant 0 : i32
      %dma_wait3A_91 = tpu.memref_slice %arg5[%arg0, %add3A_85, %dma_wait3A] : memref<2x10240x128xf32, #tpu.memory_space<hbm>> -> memref<1x128x128xf32, #tpu.memory_space<hbm>>
      %dma_wait3A_92 = tpu.memref_squeeze %dma_wait3A_91 : memref<1x128x128xf32, #tpu.memory_space<hbm>> -> memref<128x128xf32, #tpu.memory_space<hbm>>
      %dma_wait3A_93 = arith.constant 0 : i32
      %dma_wait3A_94 = tpu.memref_slice %arg11[%add3A_81, %dma_wait3A_93] : memref<10240x128xf32, #tpu.memory_space<vmem_shared>> -> memref<128x128xf32, #tpu.memory_space<vmem_shared>>
      tpu.wait_dma2 semaphore(%run_scoped3A : memref<!tpu.dma_semaphore, #tpu.memory_space<semaphore_mem>>) src(%dma_wait3A_94 : memref<128x128xf32, #tpu.memory_space<vmem_shared>>) dst(%dma_wait3A_92 : memref<128x128xf32, #tpu.memory_space<hbm>>)
      tpu.yield
    }) : () -> ()
    return
  }
}

#map = affine_map<(d0, d1) -> (0, 0)>
#map1 = affine_map<(d0, d1) -> (0, 0, 0)>
module attributes {stable_mosaic.version = 14 : i64} {
  func.func @_deg_kernel(%arg0: i32, %arg1: i32, %arg2: memref<2560x128xi32, #tpu.memory_space<hbm>>, %arg3: memref<2x10240x128xf32, #tpu.memory_space<hbm>>, %arg4: memref<128xi32, #tpu.memory_space<vmem>>, %arg5: memref<128x128xf32, #tpu.memory_space<vmem>>, %arg6: memref<10240x128xf32, #tpu.memory_space<vmem_shared>>) attributes {dimension_semantics = [#tpu.dimension_semantics<core_parallel>, #tpu.dimension_semantics<subcore_parallel>], iteration_bounds = array<i64: 2, 16>, scalar_prefetch = 0 : i64, scratch_operands = 3 : i64, tpu.core_type = #tpu.core_type<sc_vector_subcore>, window_params = [{transform_indices = #map}, {transform_indices = #map1}]} {
    %mul3A = arith.constant 2 : i32
    %mul3A_0 = arith.muli %arg1, %mul3A : i32
    %add3A = arith.addi %mul3A_0, %arg0 : i32
    %mul3A_1 = arith.constant 80 : i32
    %mul3A_2 = arith.muli %add3A, %mul3A_1 : i32
    %broadcast_in_dim3A = arith.constant 0.000000e+00 : f32
    %broadcast_in_dim3A_3 = vector.broadcast %broadcast_in_dim3A : f32 to vector<1x16xf32>
    %scan3A = arith.constant 0 : i32
    %scan3A_4 = arith.constant 128 : i32
    %scan3A_5 = arith.addi %scan3A, %scan3A_4 : i32
    %scan3A_6 = arith.constant 1 : i32
    scf.for %scan3A_81 = %scan3A to %scan3A_5 step %scan3A_6  : i32 {
      %mul3A_82 = arith.constant 1 : i32
      %mul3A_83 = arith.muli %scan3A_81, %mul3A_82 : i32
      %add3A_84 = arith.constant 0 : i32
      %add3A_85 = arith.addi %add3A_84, %mul3A_83 : i32
      %swap3A = arith.index_cast %add3A_85 : i32 to index
      %swap3A_86 = arith.constant 0 : index
      %swap3A_87 = tpu.vector_load %arg5[%swap3A, %swap3A_86] {strides = array<i32>} : memref<128x128xf32, #tpu.memory_space<vmem>>, vector<1x16xf32>,
      %swap3A_88 = vector.shape_cast %swap3A_87 : vector<1x16xf32> to vector<1x16xf32>
      %swap3A_89 = vector.shape_cast %broadcast_in_dim3A_3 : vector<1x16xf32> to vector<1x16xf32>
      tpu.vector_store %arg5[%swap3A, %swap3A_86], %swap3A_89 {strides = array<i32>} : memref<128x128xf32, #tpu.memory_space<vmem>>, vector<1x16xf32>,
      %swap3A_90 = arith.index_cast %add3A_85 : i32 to index
      %swap3A_91 = arith.constant 16 : index
      %swap3A_92 = tpu.vector_load %arg5[%swap3A_90, %swap3A_91] {strides = array<i32>} : memref<128x128xf32, #tpu.memory_space<vmem>>, vector<1x16xf32>,
      %swap3A_93 = vector.shape_cast %swap3A_92 : vector<1x16xf32> to vector<1x16xf32>
      %swap3A_94 = vector.shape_cast %broadcast_in_dim3A_3 : vector<1x16xf32> to vector<1x16xf32>
      tpu.vector_store %arg5[%swap3A_90, %swap3A_91], %swap3A_94 {strides = array<i32>} : memref<128x128xf32, #tpu.memory_space<vmem>>, vector<1x16xf32>,
      %swap3A_95 = arith.index_cast %add3A_85 : i32 to index
      %swap3A_96 = arith.constant 32 : index
      %swap3A_97 = tpu.vector_load %arg5[%swap3A_95, %swap3A_96] {strides = array<i32>} : memref<128x128xf32, #tpu.memory_space<vmem>>, vector<1x16xf32>,
      %swap3A_98 = vector.shape_cast %swap3A_97 : vector<1x16xf32> to vector<1x16xf32>
      %swap3A_99 = vector.shape_cast %broadcast_in_dim3A_3 : vector<1x16xf32> to vector<1x16xf32>
      tpu.vector_store %arg5[%swap3A_95, %swap3A_96], %swap3A_99 {strides = array<i32>} : memref<128x128xf32, #tpu.memory_space<vmem>>, vector<1x16xf32>,
      %swap3A_100 = arith.index_cast %add3A_85 : i32 to index
      %swap3A_101 = arith.constant 48 : index
      %swap3A_102 = tpu.vector_load %arg5[%swap3A_100, %swap3A_101] {strides = array<i32>} : memref<128x128xf32, #tpu.memory_space<vmem>>, vector<1x16xf32>,
      %swap3A_103 = vector.shape_cast %swap3A_102 : vector<1x16xf32> to vector<1x16xf32>
      %swap3A_104 = vector.shape_cast %broadcast_in_dim3A_3 : vector<1x16xf32> to vector<1x16xf32>
      tpu.vector_store %arg5[%swap3A_100, %swap3A_101], %swap3A_104 {strides = array<i32>} : memref<128x128xf32, #tpu.memory_space<vmem>>, vector<1x16xf32>,
      %swap3A_105 = arith.index_cast %add3A_85 : i32 to index
      %swap3A_106 = arith.constant 64 : index
      %swap3A_107 = tpu.vector_load %arg5[%swap3A_105, %swap3A_106] {strides = array<i32>} : memref<128x128xf32, #tpu.memory_space<vmem>>, vector<1x16xf32>,
      %swap3A_108 = vector.shape_cast %swap3A_107 : vector<1x16xf32> to vector<1x16xf32>
      %swap3A_109 = vector.shape_cast %broadcast_in_dim3A_3 : vector<1x16xf32> to vector<1x16xf32>
      tpu.vector_store %arg5[%swap3A_105, %swap3A_106], %swap3A_109 {strides = array<i32>} : memref<128x128xf32, #tpu.memory_space<vmem>>, vector<1x16xf32>,
      %swap3A_110 = arith.index_cast %add3A_85 : i32 to index
      %swap3A_111 = arith.constant 80 : index
      %swap3A_112 = tpu.vector_load %arg5[%swap3A_110, %swap3A_111] {strides = array<i32>} : memref<128x128xf32, #tpu.memory_space<vmem>>, vector<1x16xf32>,
      %swap3A_113 = vector.shape_cast %swap3A_112 : vector<1x16xf32> to vector<1x16xf32>
      %swap3A_114 = vector.shape_cast %broadcast_in_dim3A_3 : vector<1x16xf32> to vector<1x16xf32>
      tpu.vector_store %arg5[%swap3A_110, %swap3A_111], %swap3A_114 {strides = array<i32>} : memref<128x128xf32, #tpu.memory_space<vmem>>, vector<1x16xf32>,
      %swap3A_115 = arith.index_cast %add3A_85 : i32 to index
      %swap3A_116 = arith.constant 96 : index
      %swap3A_117 = tpu.vector_load %arg5[%swap3A_115, %swap3A_116] {strides = array<i32>} : memref<128x128xf32, #tpu.memory_space<vmem>>, vector<1x16xf32>,
      %swap3A_118 = vector.shape_cast %swap3A_117 : vector<1x16xf32> to vector<1x16xf32>
      %swap3A_119 = vector.shape_cast %broadcast_in_dim3A_3 : vector<1x16xf32> to vector<1x16xf32>
      tpu.vector_store %arg5[%swap3A_115, %swap3A_116], %swap3A_119 {strides = array<i32>} : memref<128x128xf32, #tpu.memory_space<vmem>>, vector<1x16xf32>,
      %swap3A_120 = arith.index_cast %add3A_85 : i32 to index
      %swap3A_121 = arith.constant 112 : index
      %swap3A_122 = tpu.vector_load %arg5[%swap3A_120, %swap3A_121] {strides = array<i32>} : memref<128x128xf32, #tpu.memory_space<vmem>>, vector<1x16xf32>,
      %swap3A_123 = vector.shape_cast %swap3A_122 : vector<1x16xf32> to vector<1x16xf32>
      %swap3A_124 = vector.shape_cast %broadcast_in_dim3A_3 : vector<1x16xf32> to vector<1x16xf32>
      tpu.vector_store %arg5[%swap3A_120, %swap3A_121], %swap3A_124 {strides = array<i32>} : memref<128x128xf32, #tpu.memory_space<vmem>>, vector<1x16xf32>,
    }
    %scan3A_7 = arith.constant 128 : i32
    %mul3A_8 = arith.constant 640 : i32
    %mul3A_9 = arith.muli %arg1, %mul3A_8 : i32
    %add3A_10 = arith.constant 0 : i32
    %add3A_11 = arith.addi %mul3A_9, %add3A_10 : i32
    "tpu.region"() ({
      %run_scoped3A = tpu.sem_alloc : memref<!tpu.dma_semaphore, #tpu.memory_space<semaphore_mem>>
      %dma_start3A = arith.constant 0 : i32
      %dma_start3A_81 = tpu.memref_slice %arg6[%add3A_11, %dma_start3A] : memref<10240x128xf32, #tpu.memory_space<vmem_shared>> -> memref<128x128xf32, #tpu.memory_space<vmem_shared>>
      %dma_start3A_82 = arith.constant 0 : i32
      %dma_start3A_83 = tpu.memref_slice %arg6[%add3A_11, %dma_start3A_82] : memref<10240x128xf32, #tpu.memory_space<vmem_shared>> -> memref<128x128xf32, #tpu.memory_space<vmem_shared>>
      tpu.enqueue_dma source(%arg5 : memref<128x128xf32, #tpu.memory_space<vmem>>) target(%dma_start3A_83 : memref<128x128xf32, #tpu.memory_space<vmem_shared>>) target_semaphore(%run_scoped3A : memref<!tpu.dma_semaphore, #tpu.memory_space<semaphore_mem>>)
      %dma_wait3A = arith.constant 0 : i32
      %dma_wait3A_84 = tpu.memref_slice %arg6[%add3A_11, %dma_wait3A] : memref<10240x128xf32, #tpu.memory_space<vmem_shared>> -> memref<128x128xf32, #tpu.memory_space<vmem_shared>>
      %dma_wait3A_85 = arith.constant 0 : i32
      %dma_wait3A_86 = tpu.memref_slice %arg6[%add3A_11, %dma_wait3A_85] : memref<10240x128xf32, #tpu.memory_space<vmem_shared>> -> memref<128x128xf32, #tpu.memory_space<vmem_shared>>
      tpu.wait_dma2 semaphore(%run_scoped3A : memref<!tpu.dma_semaphore, #tpu.memory_space<semaphore_mem>>) src(%arg5 : memref<128x128xf32, #tpu.memory_space<vmem>>) dst(%dma_wait3A_86 : memref<128x128xf32, #tpu.memory_space<vmem_shared>>)
      tpu.yield
    }) : () -> ()
    %mul3A_12 = arith.constant 640 : i32
    %mul3A_13 = arith.muli %arg1, %mul3A_12 : i32
    %add3A_14 = arith.constant 128 : i32
    %add3A_15 = arith.addi %mul3A_13, %add3A_14 : i32
    "tpu.region"() ({
      %run_scoped3A = tpu.sem_alloc : memref<!tpu.dma_semaphore, #tpu.memory_space<semaphore_mem>>
      %dma_start3A = arith.constant 0 : i32
      %dma_start3A_81 = tpu.memref_slice %arg6[%add3A_15, %dma_start3A] : memref<10240x128xf32, #tpu.memory_space<vmem_shared>> -> memref<128x128xf32, #tpu.memory_space<vmem_shared>>
      %dma_start3A_82 = arith.constant 0 : i32
      %dma_start3A_83 = tpu.memref_slice %arg6[%add3A_15, %dma_start3A_82] : memref<10240x128xf32, #tpu.memory_space<vmem_shared>> -> memref<128x128xf32, #tpu.memory_space<vmem_shared>>
      tpu.enqueue_dma source(%arg5 : memref<128x128xf32, #tpu.memory_space<vmem>>) target(%dma_start3A_83 : memref<128x128xf32, #tpu.memory_space<vmem_shared>>) target_semaphore(%run_scoped3A : memref<!tpu.dma_semaphore, #tpu.memory_space<semaphore_mem>>)
      %dma_wait3A = arith.constant 0 : i32
      %dma_wait3A_84 = tpu.memref_slice %arg6[%add3A_15, %dma_wait3A] : memref<10240x128xf32, #tpu.memory_space<vmem_shared>> -> memref<128x128xf32, #tpu.memory_space<vmem_shared>>
      %dma_wait3A_85 = arith.constant 0 : i32
      %dma_wait3A_86 = tpu.memref_slice %arg6[%add3A_15, %dma_wait3A_85] : memref<10240x128xf32, #tpu.memory_space<vmem_shared>> -> memref<128x128xf32, #tpu.memory_space<vmem_shared>>
      tpu.wait_dma2 semaphore(%run_scoped3A : memref<!tpu.dma_semaphore, #tpu.memory_space<semaphore_mem>>) src(%arg5 : memref<128x128xf32, #tpu.memory_space<vmem>>) dst(%dma_wait3A_86 : memref<128x128xf32, #tpu.memory_space<vmem_shared>>)
      tpu.yield
    }) : () -> ()
    %mul3A_16 = arith.constant 640 : i32
    %mul3A_17 = arith.muli %arg1, %mul3A_16 : i32
    %add3A_18 = arith.constant 256 : i32
    %add3A_19 = arith.addi %mul3A_17, %add3A_18 : i32
    "tpu.region"() ({
      %run_scoped3A = tpu.sem_alloc : memref<!tpu.dma_semaphore, #tpu.memory_space<semaphore_mem>>
      %dma_start3A = arith.constant 0 : i32
      %dma_start3A_81 = tpu.memref_slice %arg6[%add3A_19, %dma_start3A] : memref<10240x128xf32, #tpu.memory_space<vmem_shared>> -> memref<128x128xf32, #tpu.memory_space<vmem_shared>>
      %dma_start3A_82 = arith.constant 0 : i32
      %dma_start3A_83 = tpu.memref_slice %arg6[%add3A_19, %dma_start3A_82] : memref<10240x128xf32, #tpu.memory_space<vmem_shared>> -> memref<128x128xf32, #tpu.memory_space<vmem_shared>>
      tpu.enqueue_dma source(%arg5 : memref<128x128xf32, #tpu.memory_space<vmem>>) target(%dma_start3A_83 : memref<128x128xf32, #tpu.memory_space<vmem_shared>>) target_semaphore(%run_scoped3A : memref<!tpu.dma_semaphore, #tpu.memory_space<semaphore_mem>>)
      %dma_wait3A = arith.constant 0 : i32
      %dma_wait3A_84 = tpu.memref_slice %arg6[%add3A_19, %dma_wait3A] : memref<10240x128xf32, #tpu.memory_space<vmem_shared>> -> memref<128x128xf32, #tpu.memory_space<vmem_shared>>
      %dma_wait3A_85 = arith.constant 0 : i32
      %dma_wait3A_86 = tpu.memref_slice %arg6[%add3A_19, %dma_wait3A_85] : memref<10240x128xf32, #tpu.memory_space<vmem_shared>> -> memref<128x128xf32, #tpu.memory_space<vmem_shared>>
      tpu.wait_dma2 semaphore(%run_scoped3A : memref<!tpu.dma_semaphore, #tpu.memory_space<semaphore_mem>>) src(%arg5 : memref<128x128xf32, #tpu.memory_space<vmem>>) dst(%dma_wait3A_86 : memref<128x128xf32, #tpu.memory_space<vmem_shared>>)
      tpu.yield
    }) : () -> ()
    %mul3A_20 = arith.constant 640 : i32
    %mul3A_21 = arith.muli %arg1, %mul3A_20 : i32
    %add3A_22 = arith.constant 384 : i32
    %add3A_23 = arith.addi %mul3A_21, %add3A_22 : i32
    "tpu.region"() ({
      %run_scoped3A = tpu.sem_alloc : memref<!tpu.dma_semaphore, #tpu.memory_space<semaphore_mem>>
      %dma_start3A = arith.constant 0 : i32
      %dma_start3A_81 = tpu.memref_slice %arg6[%add3A_23, %dma_start3A] : memref<10240x128xf32, #tpu.memory_space<vmem_shared>> -> memref<128x128xf32, #tpu.memory_space<vmem_shared>>
      %dma_start3A_82 = arith.constant 0 : i32
      %dma_start3A_83 = tpu.memref_slice %arg6[%add3A_23, %dma_start3A_82] : memref<10240x128xf32, #tpu.memory_space<vmem_shared>> -> memref<128x128xf32, #tpu.memory_space<vmem_shared>>
      tpu.enqueue_dma source(%arg5 : memref<128x128xf32, #tpu.memory_space<vmem>>) target(%dma_start3A_83 : memref<128x128xf32, #tpu.memory_space<vmem_shared>>) target_semaphore(%run_scoped3A : memref<!tpu.dma_semaphore, #tpu.memory_space<semaphore_mem>>)
      %dma_wait3A = arith.constant 0 : i32
      %dma_wait3A_84 = tpu.memref_slice %arg6[%add3A_23, %dma_wait3A] : memref<10240x128xf32, #tpu.memory_space<vmem_shared>> -> memref<128x128xf32, #tpu.memory_space<vmem_shared>>
      %dma_wait3A_85 = arith.constant 0 : i32
      %dma_wait3A_86 = tpu.memref_slice %arg6[%add3A_23, %dma_wait3A_85] : memref<10240x128xf32, #tpu.memory_space<vmem_shared>> -> memref<128x128xf32, #tpu.memory_space<vmem_shared>>
      tpu.wait_dma2 semaphore(%run_scoped3A : memref<!tpu.dma_semaphore, #tpu.memory_space<semaphore_mem>>) src(%arg5 : memref<128x128xf32, #tpu.memory_space<vmem>>) dst(%dma_wait3A_86 : memref<128x128xf32, #tpu.memory_space<vmem_shared>>)
      tpu.yield
    }) : () -> ()
    %mul3A_24 = arith.constant 640 : i32
    %mul3A_25 = arith.muli %arg1, %mul3A_24 : i32
    %add3A_26 = arith.constant 512 : i32
    %add3A_27 = arith.addi %mul3A_25, %add3A_26 : i32
    "tpu.region"() ({
      %run_scoped3A = tpu.sem_alloc : memref<!tpu.dma_semaphore, #tpu.memory_space<semaphore_mem>>
      %dma_start3A = arith.constant 0 : i32
      %dma_start3A_81 = tpu.memref_slice %arg6[%add3A_27, %dma_start3A] : memref<10240x128xf32, #tpu.memory_space<vmem_shared>> -> memref<128x128xf32, #tpu.memory_space<vmem_shared>>
      %dma_start3A_82 = arith.constant 0 : i32
      %dma_start3A_83 = tpu.memref_slice %arg6[%add3A_27, %dma_start3A_82] : memref<10240x128xf32, #tpu.memory_space<vmem_shared>> -> memref<128x128xf32, #tpu.memory_space<vmem_shared>>
      tpu.enqueue_dma source(%arg5 : memref<128x128xf32, #tpu.memory_space<vmem>>) target(%dma_start3A_83 : memref<128x128xf32, #tpu.memory_space<vmem_shared>>) target_semaphore(%run_scoped3A : memref<!tpu.dma_semaphore, #tpu.memory_space<semaphore_mem>>)
      %dma_wait3A = arith.constant 0 : i32
      %dma_wait3A_84 = tpu.memref_slice %arg6[%add3A_27, %dma_wait3A] : memref<10240x128xf32, #tpu.memory_space<vmem_shared>> -> memref<128x128xf32, #tpu.memory_space<vmem_shared>>
      %dma_wait3A_85 = arith.constant 0 : i32
      %dma_wait3A_86 = tpu.memref_slice %arg6[%add3A_27, %dma_wait3A_85] : memref<10240x128xf32, #tpu.memory_space<vmem_shared>> -> memref<128x128xf32, #tpu.memory_space<vmem_shared>>
      tpu.wait_dma2 semaphore(%run_scoped3A : memref<!tpu.dma_semaphore, #tpu.memory_space<semaphore_mem>>) src(%arg5 : memref<128x128xf32, #tpu.memory_space<vmem>>) dst(%dma_wait3A_86 : memref<128x128xf32, #tpu.memory_space<vmem_shared>>)
      tpu.yield
    }) : () -> ()
    %barrier3A = arith.constant 0 : index
    tpu.barrier barrier_id(%barrier3A)
    %broadcast_in_dim3A_28 = arith.constant 1.000000e+00 : f32
    %broadcast_in_dim3A_29 = vector.broadcast %broadcast_in_dim3A_28 : f32 to vector<1x16xf32>
    %scan3A_30 = arith.constant 0 : i32
    %scan3A_31 = arith.constant 128 : i32
    %scan3A_32 = arith.addi %scan3A_30, %scan3A_31 : i32
    %scan3A_33 = arith.constant 1 : i32
    scf.for %scan3A_81 = %scan3A_30 to %scan3A_32 step %scan3A_33  : i32 {
      %mul3A_82 = arith.constant 1 : i32
      %mul3A_83 = arith.muli %scan3A_81, %mul3A_82 : i32
      %add3A_84 = arith.constant 0 : i32
      %add3A_85 = arith.addi %add3A_84, %mul3A_83 : i32
      %swap3A = arith.index_cast %add3A_85 : i32 to index
      %swap3A_86 = arith.constant 0 : index
      %swap3A_87 = tpu.vector_load %arg5[%swap3A, %swap3A_86] {strides = array<i32>} : memref<128x128xf32, #tpu.memory_space<vmem>>, vector<1x16xf32>,
      %swap3A_88 = vector.shape_cast %swap3A_87 : vector<1x16xf32> to vector<1x16xf32>
      %swap3A_89 = vector.shape_cast %broadcast_in_dim3A_29 : vector<1x16xf32> to vector<1x16xf32>
      tpu.vector_store %arg5[%swap3A, %swap3A_86], %swap3A_89 {strides = array<i32>} : memref<128x128xf32, #tpu.memory_space<vmem>>, vector<1x16xf32>,
      %swap3A_90 = arith.index_cast %add3A_85 : i32 to index
      %swap3A_91 = arith.constant 16 : index
      %swap3A_92 = tpu.vector_load %arg5[%swap3A_90, %swap3A_91] {strides = array<i32>} : memref<128x128xf32, #tpu.memory_space<vmem>>, vector<1x16xf32>,
      %swap3A_93 = vector.shape_cast %swap3A_92 : vector<1x16xf32> to vector<1x16xf32>
      %swap3A_94 = vector.shape_cast %broadcast_in_dim3A_29 : vector<1x16xf32> to vector<1x16xf32>
      tpu.vector_store %arg5[%swap3A_90, %swap3A_91], %swap3A_94 {strides = array<i32>} : memref<128x128xf32, #tpu.memory_space<vmem>>, vector<1x16xf32>,
      %swap3A_95 = arith.index_cast %add3A_85 : i32 to index
      %swap3A_96 = arith.constant 32 : index
      %swap3A_97 = tpu.vector_load %arg5[%swap3A_95, %swap3A_96] {strides = array<i32>} : memref<128x128xf32, #tpu.memory_space<vmem>>, vector<1x16xf32>,
      %swap3A_98 = vector.shape_cast %swap3A_97 : vector<1x16xf32> to vector<1x16xf32>
      %swap3A_99 = vector.shape_cast %broadcast_in_dim3A_29 : vector<1x16xf32> to vector<1x16xf32>
      tpu.vector_store %arg5[%swap3A_95, %swap3A_96], %swap3A_99 {strides = array<i32>} : memref<128x128xf32, #tpu.memory_space<vmem>>, vector<1x16xf32>,
      %swap3A_100 = arith.index_cast %add3A_85 : i32 to index
      %swap3A_101 = arith.constant 48 : index
      %swap3A_102 = tpu.vector_load %arg5[%swap3A_100, %swap3A_101] {strides = array<i32>} : memref<128x128xf32, #tpu.memory_space<vmem>>, vector<1x16xf32>,
      %swap3A_103 = vector.shape_cast %swap3A_102 : vector<1x16xf32> to vector<1x16xf32>
      %swap3A_104 = vector.shape_cast %broadcast_in_dim3A_29 : vector<1x16xf32> to vector<1x16xf32>
      tpu.vector_store %arg5[%swap3A_100, %swap3A_101], %swap3A_104 {strides = array<i32>} : memref<128x128xf32, #tpu.memory_space<vmem>>, vector<1x16xf32>,
      %swap3A_105 = arith.index_cast %add3A_85 : i32 to index
      %swap3A_106 = arith.constant 64 : index
      %swap3A_107 = tpu.vector_load %arg5[%swap3A_105, %swap3A_106] {strides = array<i32>} : memref<128x128xf32, #tpu.memory_space<vmem>>, vector<1x16xf32>,
      %swap3A_108 = vector.shape_cast %swap3A_107 : vector<1x16xf32> to vector<1x16xf32>
      %swap3A_109 = vector.shape_cast %broadcast_in_dim3A_29 : vector<1x16xf32> to vector<1x16xf32>
      tpu.vector_store %arg5[%swap3A_105, %swap3A_106], %swap3A_109 {strides = array<i32>} : memref<128x128xf32, #tpu.memory_space<vmem>>, vector<1x16xf32>,
      %swap3A_110 = arith.index_cast %add3A_85 : i32 to index
      %swap3A_111 = arith.constant 80 : index
      %swap3A_112 = tpu.vector_load %arg5[%swap3A_110, %swap3A_111] {strides = array<i32>} : memref<128x128xf32, #tpu.memory_space<vmem>>, vector<1x16xf32>,
      %swap3A_113 = vector.shape_cast %swap3A_112 : vector<1x16xf32> to vector<1x16xf32>
      %swap3A_114 = vector.shape_cast %broadcast_in_dim3A_29 : vector<1x16xf32> to vector<1x16xf32>
      tpu.vector_store %arg5[%swap3A_110, %swap3A_111], %swap3A_114 {strides = array<i32>} : memref<128x128xf32, #tpu.memory_space<vmem>>, vector<1x16xf32>,
      %swap3A_115 = arith.index_cast %add3A_85 : i32 to index
      %swap3A_116 = arith.constant 96 : index
      %swap3A_117 = tpu.vector_load %arg5[%swap3A_115, %swap3A_116] {strides = array<i32>} : memref<128x128xf32, #tpu.memory_space<vmem>>, vector<1x16xf32>,
      %swap3A_118 = vector.shape_cast %swap3A_117 : vector<1x16xf32> to vector<1x16xf32>
      %swap3A_119 = vector.shape_cast %broadcast_in_dim3A_29 : vector<1x16xf32> to vector<1x16xf32>
      tpu.vector_store %arg5[%swap3A_115, %swap3A_116], %swap3A_119 {strides = array<i32>} : memref<128x128xf32, #tpu.memory_space<vmem>>, vector<1x16xf32>,
      %swap3A_120 = arith.index_cast %add3A_85 : i32 to index
      %swap3A_121 = arith.constant 112 : index
      %swap3A_122 = tpu.vector_load %arg5[%swap3A_120, %swap3A_121] {strides = array<i32>} : memref<128x128xf32, #tpu.memory_space<vmem>>, vector<1x16xf32>,
      %swap3A_123 = vector.shape_cast %swap3A_122 : vector<1x16xf32> to vector<1x16xf32>
      %swap3A_124 = vector.shape_cast %broadcast_in_dim3A_29 : vector<1x16xf32> to vector<1x16xf32>
      tpu.vector_store %arg5[%swap3A_120, %swap3A_121], %swap3A_124 {strides = array<i32>} : memref<128x128xf32, #tpu.memory_space<vmem>>, vector<1x16xf32>,
    }
    %scan3A_34 = arith.constant 128 : i32
    %scan3A_35 = arith.constant 0 : i32
    %scan3A_36 = arith.constant 80 : i32
    %scan3A_37 = arith.addi %scan3A_35, %scan3A_36 : i32
    %scan3A_38 = arith.constant 1 : i32
    scf.for %scan3A_81 = %scan3A_35 to %scan3A_37 step %scan3A_38  : i32 {
      %mul3A_82 = arith.constant 1 : i32
      %mul3A_83 = arith.muli %scan3A_81, %mul3A_82 : i32
      %add3A_84 = arith.constant 0 : i32
      %add3A_85 = arith.addi %add3A_84, %mul3A_83 : i32
      %add3A_86 = arith.addi %mul3A_2, %add3A_85 : i32
      "tpu.region"() ({
        %run_scoped3A = tpu.sem_alloc : memref<!tpu.dma_semaphore, #tpu.memory_space<semaphore_mem>>
        %dma_start3A = arith.constant 0 : i32
        %dma_start3A_87 = tpu.memref_slice %arg2[%add3A_86, %dma_start3A] : memref<2560x128xi32, #tpu.memory_space<hbm>> -> memref<1x128xi32, #tpu.memory_space<hbm>>
        %dma_start3A_88 = tpu.memref_squeeze %dma_start3A_87 : memref<1x128xi32, #tpu.memory_space<hbm>> -> memref<128xi32, #tpu.memory_space<hbm>>
        %dma_start3A_89 = arith.constant 0 : i32
        %dma_start3A_90 = tpu.memref_slice %arg2[%add3A_86, %dma_start3A_89] : memref<2560x128xi32, #tpu.memory_space<hbm>> -> memref<1x128xi32, #tpu.memory_space<hbm>>
        %dma_start3A_91 = tpu.memref_squeeze %dma_start3A_90 : memref<1x128xi32, #tpu.memory_space<hbm>> -> memref<128xi32, #tpu.memory_space<hbm>>
        tpu.enqueue_dma source(%dma_start3A_91 : memref<128xi32, #tpu.memory_space<hbm>>) target(%arg4 : memref<128xi32, #tpu.memory_space<vmem>>) target_semaphore(%run_scoped3A : memref<!tpu.dma_semaphore, #tpu.memory_space<semaphore_mem>>)
        %dma_wait3A = arith.constant 0 : i32
        %dma_wait3A_92 = tpu.memref_slice %arg2[%add3A_86, %dma_wait3A] : memref<2560x128xi32, #tpu.memory_space<hbm>> -> memref<1x128xi32, #tpu.memory_space<hbm>>
        %dma_wait3A_93 = tpu.memref_squeeze %dma_wait3A_92 : memref<1x128xi32, #tpu.memory_space<hbm>> -> memref<128xi32, #tpu.memory_space<hbm>>
        %dma_wait3A_94 = arith.constant 0 : i32
        %dma_wait3A_95 = tpu.memref_slice %arg2[%add3A_86, %dma_wait3A_94] : memref<2560x128xi32, #tpu.memory_space<hbm>> -> memref<1x128xi32, #tpu.memory_space<hbm>>
        %dma_wait3A_96 = tpu.memref_squeeze %dma_wait3A_95 : memref<1x128xi32, #tpu.memory_space<hbm>> -> memref<128xi32, #tpu.memory_space<hbm>>
        tpu.wait_dma2 semaphore(%run_scoped3A : memref<!tpu.dma_semaphore, #tpu.memory_space<semaphore_mem>>) src(%dma_wait3A_96 : memref<128xi32, #tpu.memory_space<hbm>>) dst(%arg4 : memref<128xi32, #tpu.memory_space<vmem>>)
        tpu.yield
      }) : () -> ()
      "tpu.region"() ({
        %run_scoped3A = tpu.sem_alloc : memref<!tpu.dma_semaphore, #tpu.memory_space<semaphore_mem>>
        %dma_start3A = arith.constant 0 : i32
        %dma_start3A_87 = arith.constant 0 : i32
        %dma_start3A_88 = tpu.memref_slice %arg6[%dma_start3A, %dma_start3A_87] : memref<10240x128xf32, #tpu.memory_space<vmem_shared>> -> memref<10240x128xf32, #tpu.memory_space<vmem_shared>>
        tpu.enqueue_indirect_dma source(%arg5 : memref<128x128xf32, #tpu.memory_space<vmem>>) target(%dma_start3A_88 : memref<10240x128xf32, #tpu.memory_space<vmem_shared>>) offsets(%arg4 : memref<128xi32, #tpu.memory_space<vmem>>) semaphore(%run_scoped3A : memref<!tpu.dma_semaphore, #tpu.memory_space<semaphore_mem>>) {add = true}
        %dma_wait3A = arith.constant 0 : i32
        %dma_wait3A_89 = arith.constant 0 : i32
        %dma_wait3A_90 = tpu.memref_slice %arg6[%dma_wait3A, %dma_wait3A_89] : memref<10240x128xf32, #tpu.memory_space<vmem_shared>> -> memref<10240x128xf32, #tpu.memory_space<vmem_shared>>
        tpu.wait_indirect_dma semaphore(%run_scoped3A : memref<!tpu.dma_semaphore, #tpu.memory_space<semaphore_mem>>) src(%arg5 : memref<128x128xf32, #tpu.memory_space<vmem>>) dst(%dma_wait3A_90 : memref<10240x128xf32, #tpu.memory_space<vmem_shared>>)
        tpu.yield
      }) : () -> ()
    }
    %scan3A_39 = arith.constant 80 : i32
    %barrier3A_40 = arith.constant 0 : index
    tpu.barrier barrier_id(%barrier3A_40)
    %mul3A_41 = arith.constant 640 : i32
    %mul3A_42 = arith.muli %arg1, %mul3A_41 : i32
    %add3A_43 = arith.constant 0 : i32
    %add3A_44 = arith.addi %mul3A_42, %add3A_43 : i32
    %mul3A_45 = arith.constant 640 : i32
    %mul3A_46 = arith.muli %arg1, %mul3A_45 : i32
    %add3A_47 = arith.constant 0 : i32
    %add3A_48 = arith.addi %mul3A_46, %add3A_47 : i32
    "tpu.region"() ({
      %run_scoped3A = tpu.sem_alloc : memref<!tpu.dma_semaphore, #tpu.memory_space<semaphore_mem>>
      %dma_start3A = arith.constant 0 : i32
      %dma_start3A_81 = tpu.memref_slice %arg3[%arg0, %add3A_48, %dma_start3A] : memref<2x10240x128xf32, #tpu.memory_space<hbm>> -> memref<1x128x128xf32, #tpu.memory_space<hbm>>
      %dma_start3A_82 = tpu.memref_squeeze %dma_start3A_81 : memref<1x128x128xf32, #tpu.memory_space<hbm>> -> memref<128x128xf32, #tpu.memory_space<hbm>>
      %dma_start3A_83 = arith.constant 0 : i32
      %dma_start3A_84 = tpu.memref_slice %arg6[%add3A_44, %dma_start3A_83] : memref<10240x128xf32, #tpu.memory_space<vmem_shared>> -> memref<128x128xf32, #tpu.memory_space<vmem_shared>>
      tpu.enqueue_dma source(%dma_start3A_84 : memref<128x128xf32, #tpu.memory_space<vmem_shared>>) target(%dma_start3A_82 : memref<128x128xf32, #tpu.memory_space<hbm>>) target_semaphore(%run_scoped3A : memref<!tpu.dma_semaphore, #tpu.memory_space<semaphore_mem>>)
      %dma_wait3A = arith.constant 0 : i32
      %dma_wait3A_85 = tpu.memref_slice %arg3[%arg0, %add3A_48, %dma_wait3A] : memref<2x10240x128xf32, #tpu.memory_space<hbm>> -> memref<1x128x128xf32, #tpu.memory_space<hbm>>
      %dma_wait3A_86 = tpu.memref_squeeze %dma_wait3A_85 : memref<1x128x128xf32, #tpu.memory_space<hbm>> -> memref<128x128xf32, #tpu.memory_space<hbm>>
      %dma_wait3A_87 = arith.constant 0 : i32
      %dma_wait3A_88 = tpu.memref_slice %arg6[%add3A_44, %dma_wait3A_87] : memref<10240x128xf32, #tpu.memory_space<vmem_shared>> -> memref<128x128xf32, #tpu.memory_space<vmem_shared>>
      tpu.wait_dma2 semaphore(%run_scoped3A : memref<!tpu.dma_semaphore, #tpu.memory_space<semaphore_mem>>) src(%dma_wait3A_88 : memref<128x128xf32, #tpu.memory_space<vmem_shared>>) dst(%dma_wait3A_86 : memref<128x128xf32, #tpu.memory_space<hbm>>)
      tpu.yield
    }) : () -> ()
    %mul3A_49 = arith.constant 640 : i32
    %mul3A_50 = arith.muli %arg1, %mul3A_49 : i32
    %add3A_51 = arith.constant 128 : i32
    %add3A_52 = arith.addi %mul3A_50, %add3A_51 : i32
    %mul3A_53 = arith.constant 640 : i32
    %mul3A_54 = arith.muli %arg1, %mul3A_53 : i32
    %add3A_55 = arith.constant 128 : i32
    %add3A_56 = arith.addi %mul3A_54, %add3A_55 : i32
    "tpu.region"() ({
      %run_scoped3A = tpu.sem_alloc : memref<!tpu.dma_semaphore, #tpu.memory_space<semaphore_mem>>
      %dma_start3A = arith.constant 0 : i32
      %dma_start3A_81 = tpu.memref_slice %arg3[%arg0, %add3A_56, %dma_start3A] : memref<2x10240x128xf32, #tpu.memory_space<hbm>> -> memref<1x128x128xf32, #tpu.memory_space<hbm>>
      %dma_start3A_82 = tpu.memref_squeeze %dma_start3A_81 : memref<1x128x128xf32, #tpu.memory_space<hbm>> -> memref<128x128xf32, #tpu.memory_space<hbm>>
      %dma_start3A_83 = arith.constant 0 : i32
      %dma_start3A_84 = tpu.memref_slice %arg6[%add3A_52, %dma_start3A_83] : memref<10240x128xf32, #tpu.memory_space<vmem_shared>> -> memref<128x128xf32, #tpu.memory_space<vmem_shared>>
      tpu.enqueue_dma source(%dma_start3A_84 : memref<128x128xf32, #tpu.memory_space<vmem_shared>>) target(%dma_start3A_82 : memref<128x128xf32, #tpu.memory_space<hbm>>) target_semaphore(%run_scoped3A : memref<!tpu.dma_semaphore, #tpu.memory_space<semaphore_mem>>)
      %dma_wait3A = arith.constant 0 : i32
      %dma_wait3A_85 = tpu.memref_slice %arg3[%arg0, %add3A_56, %dma_wait3A] : memref<2x10240x128xf32, #tpu.memory_space<hbm>> -> memref<1x128x128xf32, #tpu.memory_space<hbm>>
      %dma_wait3A_86 = tpu.memref_squeeze %dma_wait3A_85 : memref<1x128x128xf32, #tpu.memory_space<hbm>> -> memref<128x128xf32, #tpu.memory_space<hbm>>
      %dma_wait3A_87 = arith.constant 0 : i32
      %dma_wait3A_88 = tpu.memref_slice %arg6[%add3A_52, %dma_wait3A_87] : memref<10240x128xf32, #tpu.memory_space<vmem_shared>> -> memref<128x128xf32, #tpu.memory_space<vmem_shared>>
      tpu.wait_dma2 semaphore(%run_scoped3A : memref<!tpu.dma_semaphore, #tpu.memory_space<semaphore_mem>>) src(%dma_wait3A_88 : memref<128x128xf32, #tpu.memory_space<vmem_shared>>) dst(%dma_wait3A_86 : memref<128x128xf32, #tpu.memory_space<hbm>>)
      tpu.yield
    }) : () -> ()
    %mul3A_57 = arith.constant 640 : i32
    %mul3A_58 = arith.muli %arg1, %mul3A_57 : i32
    %add3A_59 = arith.constant 256 : i32
    %add3A_60 = arith.addi %mul3A_58, %add3A_59 : i32
    %mul3A_61 = arith.constant 640 : i32
    %mul3A_62 = arith.muli %arg1, %mul3A_61 : i32
    %add3A_63 = arith.constant 256 : i32
    %add3A_64 = arith.addi %mul3A_62, %add3A_63 : i32
    "tpu.region"() ({
      %run_scoped3A = tpu.sem_alloc : memref<!tpu.dma_semaphore, #tpu.memory_space<semaphore_mem>>
      %dma_start3A = arith.constant 0 : i32
      %dma_start3A_81 = tpu.memref_slice %arg3[%arg0, %add3A_64, %dma_start3A] : memref<2x10240x128xf32, #tpu.memory_space<hbm>> -> memref<1x128x128xf32, #tpu.memory_space<hbm>>
      %dma_start3A_82 = tpu.memref_squeeze %dma_start3A_81 : memref<1x128x128xf32, #tpu.memory_space<hbm>> -> memref<128x128xf32, #tpu.memory_space<hbm>>
      %dma_start3A_83 = arith.constant 0 : i32
      %dma_start3A_84 = tpu.memref_slice %arg6[%add3A_60, %dma_start3A_83] : memref<10240x128xf32, #tpu.memory_space<vmem_shared>> -> memref<128x128xf32, #tpu.memory_space<vmem_shared>>
      tpu.enqueue_dma source(%dma_start3A_84 : memref<128x128xf32, #tpu.memory_space<vmem_shared>>) target(%dma_start3A_82 : memref<128x128xf32, #tpu.memory_space<hbm>>) target_semaphore(%run_scoped3A : memref<!tpu.dma_semaphore, #tpu.memory_space<semaphore_mem>>)
      %dma_wait3A = arith.constant 0 : i32
      %dma_wait3A_85 = tpu.memref_slice %arg3[%arg0, %add3A_64, %dma_wait3A] : memref<2x10240x128xf32, #tpu.memory_space<hbm>> -> memref<1x128x128xf32, #tpu.memory_space<hbm>>
      %dma_wait3A_86 = tpu.memref_squeeze %dma_wait3A_85 : memref<1x128x128xf32, #tpu.memory_space<hbm>> -> memref<128x128xf32, #tpu.memory_space<hbm>>
      %dma_wait3A_87 = arith.constant 0 : i32
      %dma_wait3A_88 = tpu.memref_slice %arg6[%add3A_60, %dma_wait3A_87] : memref<10240x128xf32, #tpu.memory_space<vmem_shared>> -> memref<128x128xf32, #tpu.memory_space<vmem_shared>>
      tpu.wait_dma2 semaphore(%run_scoped3A : memref<!tpu.dma_semaphore, #tpu.memory_space<semaphore_mem>>) src(%dma_wait3A_88 : memref<128x128xf32, #tpu.memory_space<vmem_shared>>) dst(%dma_wait3A_86 : memref<128x128xf32, #tpu.memory_space<hbm>>)
      tpu.yield
    }) : () -> ()
    %mul3A_65 = arith.constant 640 : i32
    %mul3A_66 = arith.muli %arg1, %mul3A_65 : i32
    %add3A_67 = arith.constant 384 : i32
    %add3A_68 = arith.addi %mul3A_66, %add3A_67 : i32
    %mul3A_69 = arith.constant 640 : i32
    %mul3A_70 = arith.muli %arg1, %mul3A_69 : i32
    %add3A_71 = arith.constant 384 : i32
    %add3A_72 = arith.addi %mul3A_70, %add3A_71 : i32
    "tpu.region"() ({
      %run_scoped3A = tpu.sem_alloc : memref<!tpu.dma_semaphore, #tpu.memory_space<semaphore_mem>>
      %dma_start3A = arith.constant 0 : i32
      %dma_start3A_81 = tpu.memref_slice %arg3[%arg0, %add3A_72, %dma_start3A] : memref<2x10240x128xf32, #tpu.memory_space<hbm>> -> memref<1x128x128xf32, #tpu.memory_space<hbm>>
      %dma_start3A_82 = tpu.memref_squeeze %dma_start3A_81 : memref<1x128x128xf32, #tpu.memory_space<hbm>> -> memref<128x128xf32, #tpu.memory_space<hbm>>
      %dma_start3A_83 = arith.constant 0 : i32
      %dma_start3A_84 = tpu.memref_slice %arg6[%add3A_68, %dma_start3A_83] : memref<10240x128xf32, #tpu.memory_space<vmem_shared>> -> memref<128x128xf32, #tpu.memory_space<vmem_shared>>
      tpu.enqueue_dma source(%dma_start3A_84 : memref<128x128xf32, #tpu.memory_space<vmem_shared>>) target(%dma_start3A_82 : memref<128x128xf32, #tpu.memory_space<hbm>>) target_semaphore(%run_scoped3A : memref<!tpu.dma_semaphore, #tpu.memory_space<semaphore_mem>>)
      %dma_wait3A = arith.constant 0 : i32
      %dma_wait3A_85 = tpu.memref_slice %arg3[%arg0, %add3A_72, %dma_wait3A] : memref<2x10240x128xf32, #tpu.memory_space<hbm>> -> memref<1x128x128xf32, #tpu.memory_space<hbm>>
      %dma_wait3A_86 = tpu.memref_squeeze %dma_wait3A_85 : memref<1x128x128xf32, #tpu.memory_space<hbm>> -> memref<128x128xf32, #tpu.memory_space<hbm>>
      %dma_wait3A_87 = arith.constant 0 : i32
      %dma_wait3A_88 = tpu.memref_slice %arg6[%add3A_68, %dma_wait3A_87] : memref<10240x128xf32, #tpu.memory_space<vmem_shared>> -> memref<128x128xf32, #tpu.memory_space<vmem_shared>>
      tpu.wait_dma2 semaphore(%run_scoped3A : memref<!tpu.dma_semaphore, #tpu.memory_space<semaphore_mem>>) src(%dma_wait3A_88 : memref<128x128xf32, #tpu.memory_space<vmem_shared>>) dst(%dma_wait3A_86 : memref<128x128xf32, #tpu.memory_space<hbm>>)
      tpu.yield
    }) : () -> ()
    %mul3A_73 = arith.constant 640 : i32
    %mul3A_74 = arith.muli %arg1, %mul3A_73 : i32
    %add3A_75 = arith.constant 512 : i32
    %add3A_76 = arith.addi %mul3A_74, %add3A_75 : i32
    %mul3A_77 = arith.constant 640 : i32
    %mul3A_78 = arith.muli %arg1, %mul3A_77 : i32
    %add3A_79 = arith.constant 512 : i32
    %add3A_80 = arith.addi %mul3A_78, %add3A_79 : i32
    "tpu.region"() ({
      %run_scoped3A = tpu.sem_alloc : memref<!tpu.dma_semaphore, #tpu.memory_space<semaphore_mem>>
      %dma_start3A = arith.constant 0 : i32
      %dma_start3A_81 = tpu.memref_slice %arg3[%arg0, %add3A_80, %dma_start3A] : memref<2x10240x128xf32, #tpu.memory_space<hbm>> -> memref<1x128x128xf32, #tpu.memory_space<hbm>>
      %dma_start3A_82 = tpu.memref_squeeze %dma_start3A_81 : memref<1x128x128xf32, #tpu.memory_space<hbm>> -> memref<128x128xf32, #tpu.memory_space<hbm>>
      %dma_start3A_83 = arith.constant 0 : i32
      %dma_start3A_84 = tpu.memref_slice %arg6[%add3A_76, %dma_start3A_83] : memref<10240x128xf32, #tpu.memory_space<vmem_shared>> -> memref<128x128xf32, #tpu.memory_space<vmem_shared>>
      tpu.enqueue_dma source(%dma_start3A_84 : memref<128x128xf32, #tpu.memory_space<vmem_shared>>) target(%dma_start3A_82 : memref<128x128xf32, #tpu.memory_space<hbm>>) target_semaphore(%run_scoped3A : memref<!tpu.dma_semaphore, #tpu.memory_space<semaphore_mem>>)
      %dma_wait3A = arith.constant 0 : i32
      %dma_wait3A_85 = tpu.memref_slice %arg3[%arg0, %add3A_80, %dma_wait3A] : memref<2x10240x128xf32, #tpu.memory_space<hbm>> -> memref<1x128x128xf32, #tpu.memory_space<hbm>>
      %dma_wait3A_86 = tpu.memref_squeeze %dma_wait3A_85 : memref<1x128x128xf32, #tpu.memory_space<hbm>> -> memref<128x128xf32, #tpu.memory_space<hbm>>
      %dma_wait3A_87 = arith.constant 0 : i32
      %dma_wait3A_88 = tpu.memref_slice %arg6[%add3A_76, %dma_wait3A_87] : memref<10240x128xf32, #tpu.memory_space<vmem_shared>> -> memref<128x128xf32, #tpu.memory_space<vmem_shared>>
      tpu.wait_dma2 semaphore(%run_scoped3A : memref<!tpu.dma_semaphore, #tpu.memory_space<semaphore_mem>>) src(%dma_wait3A_88 : memref<128x128xf32, #tpu.memory_space<vmem_shared>>) dst(%dma_wait3A_86 : memref<128x128xf32, #tpu.memory_space<hbm>>)
      tpu.yield
    }) : () -> ()
    return
  }
}

#map = affine_map<(d0, d1) -> (0, 0)>
#map1 = affine_map<(d0, d1) -> (0, 0, 0)>
module attributes {stable_mosaic.version = 14 : i64} {
  func.func @seg(%arg0: i32, %arg1: i32, %arg2: memref<2560x128xi32, #tpu.memory_space<hbm>>, %arg3: memref<2560x128xi32, #tpu.memory_space<hbm>>, %arg4: memref<10240x128xf32, #tpu.memory_space<hbm>>, %arg5: memref<2x10240x128xf32, #tpu.memory_space<hbm>>, %arg6: memref<80x128xi32, #tpu.memory_space<vmem>>, %arg7: memref<128xi32, #tpu.memory_space<vmem>>, %arg8: memref<128xi32, #tpu.memory_space<vmem>>, %arg9: memref<128x128xf32, #tpu.memory_space<vmem>>, %arg10: memref<128x128xf32, #tpu.memory_space<vmem>>, %arg11: memref<10240x128xf32, #tpu.memory_space<vmem_shared>>, %arg12: memref<!tpu.dma_semaphore, #tpu.memory_space<semaphore_mem>>, %arg13: memref<!tpu.dma_semaphore, #tpu.memory_space<semaphore_mem>>, %arg14: memref<!tpu.dma_semaphore, #tpu.memory_space<semaphore_mem>>, %arg15: memref<!tpu.dma_semaphore, #tpu.memory_space<semaphore_mem>>) attributes {dimension_semantics = [#tpu.dimension_semantics<core_parallel>, #tpu.dimension_semantics<subcore_parallel>], iteration_bounds = array<i64: 2, 16>, scalar_prefetch = 0 : i64, scratch_operands = 10 : i64, tpu.core_type = #tpu.core_type<sc_vector_subcore>, window_params = [{transform_indices = #map}, {transform_indices = #map}, {transform_indices = #map}, {transform_indices = #map1}]} {
    %mul3A = arith.constant 2 : i32
    %mul3A_0 = arith.muli %arg1, %mul3A : i32
    %add3A = arith.addi %mul3A_0, %arg0 : i32
    %mul3A_1 = arith.constant 80 : i32
    %mul3A_2 = arith.muli %add3A, %mul3A_1 : i32
    "tpu.region"() ({
      %run_scoped3A = tpu.sem_alloc : memref<!tpu.dma_semaphore, #tpu.memory_space<semaphore_mem>>
      %dma_start3A_86 = arith.constant 0 : i32
      %dma_start3A_87 = tpu.memref_slice %arg2[%mul3A_2, %dma_start3A_86] : memref<2560x128xi32, #tpu.memory_space<hbm>> -> memref<80x128xi32, #tpu.memory_space<hbm>>
      %dma_start3A_88 = arith.constant 0 : i32
      %dma_start3A_89 = tpu.memref_slice %arg2[%mul3A_2, %dma_start3A_88] : memref<2560x128xi32, #tpu.memory_space<hbm>> -> memref<80x128xi32, #tpu.memory_space<hbm>>
      tpu.enqueue_dma source(%dma_start3A_89 : memref<80x128xi32, #tpu.memory_space<hbm>>) target(%arg6 : memref<80x128xi32, #tpu.memory_space<vmem>>) target_semaphore(%run_scoped3A : memref<!tpu.dma_semaphore, #tpu.memory_space<semaphore_mem>>)
      %dma_wait3A = arith.constant 0 : i32
      %dma_wait3A_90 = tpu.memref_slice %arg2[%mul3A_2, %dma_wait3A] : memref<2560x128xi32, #tpu.memory_space<hbm>> -> memref<80x128xi32, #tpu.memory_space<hbm>>
      %dma_wait3A_91 = arith.constant 0 : i32
      %dma_wait3A_92 = tpu.memref_slice %arg2[%mul3A_2, %dma_wait3A_91] : memref<2560x128xi32, #tpu.memory_space<hbm>> -> memref<80x128xi32, #tpu.memory_space<hbm>>
      tpu.wait_dma2 semaphore(%run_scoped3A : memref<!tpu.dma_semaphore, #tpu.memory_space<semaphore_mem>>) src(%dma_wait3A_92 : memref<80x128xi32, #tpu.memory_space<hbm>>) dst(%arg6 : memref<80x128xi32, #tpu.memory_space<vmem>>)
      tpu.yield
    }) : () -> ()
    %broadcast_in_dim3A = arith.constant 0.000000e+00 : f32
    %broadcast_in_dim3A_3 = vector.broadcast %broadcast_in_dim3A : f32 to vector<1x16xf32>
    %scan3A = arith.constant 0 : i32
    %scan3A_4 = arith.constant 128 : i32
    %scan3A_5 = arith.addi %scan3A, %scan3A_4 : i32
    %scan3A_6 = arith.constant 1 : i32
    scf.for %scan3A_86 = %scan3A to %scan3A_5 step %scan3A_6  : i32 {
      %mul3A_87 = arith.constant 1 : i32
      %mul3A_88 = arith.muli %scan3A_86, %mul3A_87 : i32
      %add3A_89 = arith.constant 0 : i32
      %add3A_90 = arith.addi %add3A_89, %mul3A_88 : i32
      %swap3A = arith.index_cast %add3A_90 : i32 to index
      %swap3A_91 = arith.constant 0 : index
      %swap3A_92 = tpu.vector_load %arg9[%swap3A, %swap3A_91] {strides = array<i32>} : memref<128x128xf32, #tpu.memory_space<vmem>>, vector<1x16xf32>,
      %swap3A_93 = vector.shape_cast %swap3A_92 : vector<1x16xf32> to vector<1x16xf32>
      %swap3A_94 = vector.shape_cast %broadcast_in_dim3A_3 : vector<1x16xf32> to vector<1x16xf32>
      tpu.vector_store %arg9[%swap3A, %swap3A_91], %swap3A_94 {strides = array<i32>} : memref<128x128xf32, #tpu.memory_space<vmem>>, vector<1x16xf32>,
      %swap3A_95 = arith.index_cast %add3A_90 : i32 to index
      %swap3A_96 = arith.constant 16 : index
      %swap3A_97 = tpu.vector_load %arg9[%swap3A_95, %swap3A_96] {strides = array<i32>} : memref<128x128xf32, #tpu.memory_space<vmem>>, vector<1x16xf32>,
      %swap3A_98 = vector.shape_cast %swap3A_97 : vector<1x16xf32> to vector<1x16xf32>
      %swap3A_99 = vector.shape_cast %broadcast_in_dim3A_3 : vector<1x16xf32> to vector<1x16xf32>
      tpu.vector_store %arg9[%swap3A_95, %swap3A_96], %swap3A_99 {strides = array<i32>} : memref<128x128xf32, #tpu.memory_space<vmem>>, vector<1x16xf32>,
      %swap3A_100 = arith.index_cast %add3A_90 : i32 to index
      %swap3A_101 = arith.constant 32 : index
      %swap3A_102 = tpu.vector_load %arg9[%swap3A_100, %swap3A_101] {strides = array<i32>} : memref<128x128xf32, #tpu.memory_space<vmem>>, vector<1x16xf32>,
      %swap3A_103 = vector.shape_cast %swap3A_102 : vector<1x16xf32> to vector<1x16xf32>
      %swap3A_104 = vector.shape_cast %broadcast_in_dim3A_3 : vector<1x16xf32> to vector<1x16xf32>
      tpu.vector_store %arg9[%swap3A_100, %swap3A_101], %swap3A_104 {strides = array<i32>} : memref<128x128xf32, #tpu.memory_space<vmem>>, vector<1x16xf32>,
      %swap3A_105 = arith.index_cast %add3A_90 : i32 to index
      %swap3A_106 = arith.constant 48 : index
      %swap3A_107 = tpu.vector_load %arg9[%swap3A_105, %swap3A_106] {strides = array<i32>} : memref<128x128xf32, #tpu.memory_space<vmem>>, vector<1x16xf32>,
      %swap3A_108 = vector.shape_cast %swap3A_107 : vector<1x16xf32> to vector<1x16xf32>
      %swap3A_109 = vector.shape_cast %broadcast_in_dim3A_3 : vector<1x16xf32> to vector<1x16xf32>
      tpu.vector_store %arg9[%swap3A_105, %swap3A_106], %swap3A_109 {strides = array<i32>} : memref<128x128xf32, #tpu.memory_space<vmem>>, vector<1x16xf32>,
      %swap3A_110 = arith.index_cast %add3A_90 : i32 to index
      %swap3A_111 = arith.constant 64 : index
      %swap3A_112 = tpu.vector_load %arg9[%swap3A_110, %swap3A_111] {strides = array<i32>} : memref<128x128xf32, #tpu.memory_space<vmem>>, vector<1x16xf32>,
      %swap3A_113 = vector.shape_cast %swap3A_112 : vector<1x16xf32> to vector<1x16xf32>
      %swap3A_114 = vector.shape_cast %broadcast_in_dim3A_3 : vector<1x16xf32> to vector<1x16xf32>
      tpu.vector_store %arg9[%swap3A_110, %swap3A_111], %swap3A_114 {strides = array<i32>} : memref<128x128xf32, #tpu.memory_space<vmem>>, vector<1x16xf32>,
      %swap3A_115 = arith.index_cast %add3A_90 : i32 to index
      %swap3A_116 = arith.constant 80 : index
      %swap3A_117 = tpu.vector_load %arg9[%swap3A_115, %swap3A_116] {strides = array<i32>} : memref<128x128xf32, #tpu.memory_space<vmem>>, vector<1x16xf32>,
      %swap3A_118 = vector.shape_cast %swap3A_117 : vector<1x16xf32> to vector<1x16xf32>
      %swap3A_119 = vector.shape_cast %broadcast_in_dim3A_3 : vector<1x16xf32> to vector<1x16xf32>
      tpu.vector_store %arg9[%swap3A_115, %swap3A_116], %swap3A_119 {strides = array<i32>} : memref<128x128xf32, #tpu.memory_space<vmem>>, vector<1x16xf32>,
      %swap3A_120 = arith.index_cast %add3A_90 : i32 to index
      %swap3A_121 = arith.constant 96 : index
      %swap3A_122 = tpu.vector_load %arg9[%swap3A_120, %swap3A_121] {strides = array<i32>} : memref<128x128xf32, #tpu.memory_space<vmem>>, vector<1x16xf32>,
      %swap3A_123 = vector.shape_cast %swap3A_122 : vector<1x16xf32> to vector<1x16xf32>
      %swap3A_124 = vector.shape_cast %broadcast_in_dim3A_3 : vector<1x16xf32> to vector<1x16xf32>
      tpu.vector_store %arg9[%swap3A_120, %swap3A_121], %swap3A_124 {strides = array<i32>} : memref<128x128xf32, #tpu.memory_space<vmem>>, vector<1x16xf32>,
      %swap3A_125 = arith.index_cast %add3A_90 : i32 to index
      %swap3A_126 = arith.constant 112 : index
      %swap3A_127 = tpu.vector_load %arg9[%swap3A_125, %swap3A_126] {strides = array<i32>} : memref<128x128xf32, #tpu.memory_space<vmem>>, vector<1x16xf32>,
      %swap3A_128 = vector.shape_cast %swap3A_127 : vector<1x16xf32> to vector<1x16xf32>
      %swap3A_129 = vector.shape_cast %broadcast_in_dim3A_3 : vector<1x16xf32> to vector<1x16xf32>
      tpu.vector_store %arg9[%swap3A_125, %swap3A_126], %swap3A_129 {strides = array<i32>} : memref<128x128xf32, #tpu.memory_space<vmem>>, vector<1x16xf32>,
    }
    %scan3A_7 = arith.constant 128 : i32
    %mul3A_8 = arith.constant 640 : i32
    %mul3A_9 = arith.muli %arg1, %mul3A_8 : i32
    %add3A_10 = arith.constant 0 : i32
    %add3A_11 = arith.addi %mul3A_9, %add3A_10 : i32
    "tpu.region"() ({
      %run_scoped3A = tpu.sem_alloc : memref<!tpu.dma_semaphore, #tpu.memory_space<semaphore_mem>>
      %dma_start3A_86 = arith.constant 0 : i32
      %dma_start3A_87 = tpu.memref_slice %arg11[%add3A_11, %dma_start3A_86] : memref<10240x128xf32, #tpu.memory_space<vmem_shared>> -> memref<128x128xf32, #tpu.memory_space<vmem_shared>>
      %dma_start3A_88 = arith.constant 0 : i32
      %dma_start3A_89 = tpu.memref_slice %arg11[%add3A_11, %dma_start3A_88] : memref<10240x128xf32, #tpu.memory_space<vmem_shared>> -> memref<128x128xf32, #tpu.memory_space<vmem_shared>>
      tpu.enqueue_dma source(%arg9 : memref<128x128xf32, #tpu.memory_space<vmem>>) target(%dma_start3A_89 : memref<128x128xf32, #tpu.memory_space<vmem_shared>>) target_semaphore(%run_scoped3A : memref<!tpu.dma_semaphore, #tpu.memory_space<semaphore_mem>>)
      %dma_wait3A = arith.constant 0 : i32
      %dma_wait3A_90 = tpu.memref_slice %arg11[%add3A_11, %dma_wait3A] : memref<10240x128xf32, #tpu.memory_space<vmem_shared>> -> memref<128x128xf32, #tpu.memory_space<vmem_shared>>
      %dma_wait3A_91 = arith.constant 0 : i32
      %dma_wait3A_92 = tpu.memref_slice %arg11[%add3A_11, %dma_wait3A_91] : memref<10240x128xf32, #tpu.memory_space<vmem_shared>> -> memref<128x128xf32, #tpu.memory_space<vmem_shared>>
      tpu.wait_dma2 semaphore(%run_scoped3A : memref<!tpu.dma_semaphore, #tpu.memory_space<semaphore_mem>>) src(%arg9 : memref<128x128xf32, #tpu.memory_space<vmem>>) dst(%dma_wait3A_92 : memref<128x128xf32, #tpu.memory_space<vmem_shared>>)
      tpu.yield
    }) : () -> ()
    %mul3A_12 = arith.constant 640 : i32
    %mul3A_13 = arith.muli %arg1, %mul3A_12 : i32
    %add3A_14 = arith.constant 128 : i32
    %add3A_15 = arith.addi %mul3A_13, %add3A_14 : i32
    "tpu.region"() ({
      %run_scoped3A = tpu.sem_alloc : memref<!tpu.dma_semaphore, #tpu.memory_space<semaphore_mem>>
      %dma_start3A_86 = arith.constant 0 : i32
      %dma_start3A_87 = tpu.memref_slice %arg11[%add3A_15, %dma_start3A_86] : memref<10240x128xf32, #tpu.memory_space<vmem_shared>> -> memref<128x128xf32, #tpu.memory_space<vmem_shared>>
      %dma_start3A_88 = arith.constant 0 : i32
      %dma_start3A_89 = tpu.memref_slice %arg11[%add3A_15, %dma_start3A_88] : memref<10240x128xf32, #tpu.memory_space<vmem_shared>> -> memref<128x128xf32, #tpu.memory_space<vmem_shared>>
      tpu.enqueue_dma source(%arg9 : memref<128x128xf32, #tpu.memory_space<vmem>>) target(%dma_start3A_89 : memref<128x128xf32, #tpu.memory_space<vmem_shared>>) target_semaphore(%run_scoped3A : memref<!tpu.dma_semaphore, #tpu.memory_space<semaphore_mem>>)
      %dma_wait3A = arith.constant 0 : i32
      %dma_wait3A_90 = tpu.memref_slice %arg11[%add3A_15, %dma_wait3A] : memref<10240x128xf32, #tpu.memory_space<vmem_shared>> -> memref<128x128xf32, #tpu.memory_space<vmem_shared>>
      %dma_wait3A_91 = arith.constant 0 : i32
      %dma_wait3A_92 = tpu.memref_slice %arg11[%add3A_15, %dma_wait3A_91] : memref<10240x128xf32, #tpu.memory_space<vmem_shared>> -> memref<128x128xf32, #tpu.memory_space<vmem_shared>>
      tpu.wait_dma2 semaphore(%run_scoped3A : memref<!tpu.dma_semaphore, #tpu.memory_space<semaphore_mem>>) src(%arg9 : memref<128x128xf32, #tpu.memory_space<vmem>>) dst(%dma_wait3A_92 : memref<128x128xf32, #tpu.memory_space<vmem_shared>>)
      tpu.yield
    }) : () -> ()
    %mul3A_16 = arith.constant 640 : i32
    %mul3A_17 = arith.muli %arg1, %mul3A_16 : i32
    %add3A_18 = arith.constant 256 : i32
    %add3A_19 = arith.addi %mul3A_17, %add3A_18 : i32
    "tpu.region"() ({
      %run_scoped3A = tpu.sem_alloc : memref<!tpu.dma_semaphore, #tpu.memory_space<semaphore_mem>>
      %dma_start3A_86 = arith.constant 0 : i32
      %dma_start3A_87 = tpu.memref_slice %arg11[%add3A_19, %dma_start3A_86] : memref<10240x128xf32, #tpu.memory_space<vmem_shared>> -> memref<128x128xf32, #tpu.memory_space<vmem_shared>>
      %dma_start3A_88 = arith.constant 0 : i32
      %dma_start3A_89 = tpu.memref_slice %arg11[%add3A_19, %dma_start3A_88] : memref<10240x128xf32, #tpu.memory_space<vmem_shared>> -> memref<128x128xf32, #tpu.memory_space<vmem_shared>>
      tpu.enqueue_dma source(%arg9 : memref<128x128xf32, #tpu.memory_space<vmem>>) target(%dma_start3A_89 : memref<128x128xf32, #tpu.memory_space<vmem_shared>>) target_semaphore(%run_scoped3A : memref<!tpu.dma_semaphore, #tpu.memory_space<semaphore_mem>>)
      %dma_wait3A = arith.constant 0 : i32
      %dma_wait3A_90 = tpu.memref_slice %arg11[%add3A_19, %dma_wait3A] : memref<10240x128xf32, #tpu.memory_space<vmem_shared>> -> memref<128x128xf32, #tpu.memory_space<vmem_shared>>
      %dma_wait3A_91 = arith.constant 0 : i32
      %dma_wait3A_92 = tpu.memref_slice %arg11[%add3A_19, %dma_wait3A_91] : memref<10240x128xf32, #tpu.memory_space<vmem_shared>> -> memref<128x128xf32, #tpu.memory_space<vmem_shared>>
      tpu.wait_dma2 semaphore(%run_scoped3A : memref<!tpu.dma_semaphore, #tpu.memory_space<semaphore_mem>>) src(%arg9 : memref<128x128xf32, #tpu.memory_space<vmem>>) dst(%dma_wait3A_92 : memref<128x128xf32, #tpu.memory_space<vmem_shared>>)
      tpu.yield
    }) : () -> ()
    %mul3A_20 = arith.constant 640 : i32
    %mul3A_21 = arith.muli %arg1, %mul3A_20 : i32
    %add3A_22 = arith.constant 384 : i32
    %add3A_23 = arith.addi %mul3A_21, %add3A_22 : i32
    "tpu.region"() ({
      %run_scoped3A = tpu.sem_alloc : memref<!tpu.dma_semaphore, #tpu.memory_space<semaphore_mem>>
      %dma_start3A_86 = arith.constant 0 : i32
      %dma_start3A_87 = tpu.memref_slice %arg11[%add3A_23, %dma_start3A_86] : memref<10240x128xf32, #tpu.memory_space<vmem_shared>> -> memref<128x128xf32, #tpu.memory_space<vmem_shared>>
      %dma_start3A_88 = arith.constant 0 : i32
      %dma_start3A_89 = tpu.memref_slice %arg11[%add3A_23, %dma_start3A_88] : memref<10240x128xf32, #tpu.memory_space<vmem_shared>> -> memref<128x128xf32, #tpu.memory_space<vmem_shared>>
      tpu.enqueue_dma source(%arg9 : memref<128x128xf32, #tpu.memory_space<vmem>>) target(%dma_start3A_89 : memref<128x128xf32, #tpu.memory_space<vmem_shared>>) target_semaphore(%run_scoped3A : memref<!tpu.dma_semaphore, #tpu.memory_space<semaphore_mem>>)
      %dma_wait3A = arith.constant 0 : i32
      %dma_wait3A_90 = tpu.memref_slice %arg11[%add3A_23, %dma_wait3A] : memref<10240x128xf32, #tpu.memory_space<vmem_shared>> -> memref<128x128xf32, #tpu.memory_space<vmem_shared>>
      %dma_wait3A_91 = arith.constant 0 : i32
      %dma_wait3A_92 = tpu.memref_slice %arg11[%add3A_23, %dma_wait3A_91] : memref<10240x128xf32, #tpu.memory_space<vmem_shared>> -> memref<128x128xf32, #tpu.memory_space<vmem_shared>>
      tpu.wait_dma2 semaphore(%run_scoped3A : memref<!tpu.dma_semaphore, #tpu.memory_space<semaphore_mem>>) src(%arg9 : memref<128x128xf32, #tpu.memory_space<vmem>>) dst(%dma_wait3A_92 : memref<128x128xf32, #tpu.memory_space<vmem_shared>>)
      tpu.yield
    }) : () -> ()
    %mul3A_24 = arith.constant 640 : i32
    %mul3A_25 = arith.muli %arg1, %mul3A_24 : i32
    %add3A_26 = arith.constant 512 : i32
    %add3A_27 = arith.addi %mul3A_25, %add3A_26 : i32
    "tpu.region"() ({
      %run_scoped3A = tpu.sem_alloc : memref<!tpu.dma_semaphore, #tpu.memory_space<semaphore_mem>>
      %dma_start3A_86 = arith.constant 0 : i32
      %dma_start3A_87 = tpu.memref_slice %arg11[%add3A_27, %dma_start3A_86] : memref<10240x128xf32, #tpu.memory_space<vmem_shared>> -> memref<128x128xf32, #tpu.memory_space<vmem_shared>>
      %dma_start3A_88 = arith.constant 0 : i32
      %dma_start3A_89 = tpu.memref_slice %arg11[%add3A_27, %dma_start3A_88] : memref<10240x128xf32, #tpu.memory_space<vmem_shared>> -> memref<128x128xf32, #tpu.memory_space<vmem_shared>>
      tpu.enqueue_dma source(%arg9 : memref<128x128xf32, #tpu.memory_space<vmem>>) target(%dma_start3A_89 : memref<128x128xf32, #tpu.memory_space<vmem_shared>>) target_semaphore(%run_scoped3A : memref<!tpu.dma_semaphore, #tpu.memory_space<semaphore_mem>>)
      %dma_wait3A = arith.constant 0 : i32
      %dma_wait3A_90 = tpu.memref_slice %arg11[%add3A_27, %dma_wait3A] : memref<10240x128xf32, #tpu.memory_space<vmem_shared>> -> memref<128x128xf32, #tpu.memory_space<vmem_shared>>
      %dma_wait3A_91 = arith.constant 0 : i32
      %dma_wait3A_92 = tpu.memref_slice %arg11[%add3A_27, %dma_wait3A_91] : memref<10240x128xf32, #tpu.memory_space<vmem_shared>> -> memref<128x128xf32, #tpu.memory_space<vmem_shared>>
      tpu.wait_dma2 semaphore(%run_scoped3A : memref<!tpu.dma_semaphore, #tpu.memory_space<semaphore_mem>>) src(%arg9 : memref<128x128xf32, #tpu.memory_space<vmem>>) dst(%dma_wait3A_92 : memref<128x128xf32, #tpu.memory_space<vmem_shared>>)
      tpu.yield
    }) : () -> ()
    %barrier3A = arith.constant 0 : index
    tpu.barrier barrier_id(%barrier3A)
    %dma_start3A = arith.constant 0 : i32
    %dma_start3A_28 = arith.constant 0 : i32
    %dma_start3A_29 = tpu.memref_slice %arg6[%dma_start3A, %dma_start3A_28] : memref<80x128xi32, #tpu.memory_space<vmem>> -> memref<1x128xi32, #tpu.memory_space<vmem>>
    %dma_start3A_30 = tpu.memref_squeeze %dma_start3A_29 : memref<1x128xi32, #tpu.memory_space<vmem>> -> memref<128xi32, #tpu.memory_space<vmem>>
    %dma_start3A_31 = arith.constant 0 : i32
    %dma_start3A_32 = arith.constant 0 : i32
    %dma_start3A_33 = tpu.memref_slice %arg4[%dma_start3A_31, %dma_start3A_32] : memref<10240x128xf32, #tpu.memory_space<hbm>> -> memref<10240x128xf32, #tpu.memory_space<hbm>>
    tpu.enqueue_indirect_dma source(%dma_start3A_33 : memref<10240x128xf32, #tpu.memory_space<hbm>>) target(%arg9 : memref<128x128xf32, #tpu.memory_space<vmem>>) offsets(%dma_start3A_30 : memref<128xi32, #tpu.memory_space<vmem>>) semaphore(%arg12 : memref<!tpu.dma_semaphore, #tpu.memory_space<semaphore_mem>>)
    %dma_start3A_34 = arith.constant 0 : i32
    %dma_start3A_35 = tpu.memref_slice %arg3[%mul3A_2, %dma_start3A_34] : memref<2560x128xi32, #tpu.memory_space<hbm>> -> memref<1x128xi32, #tpu.memory_space<hbm>>
    %dma_start3A_36 = tpu.memref_squeeze %dma_start3A_35 : memref<1x128xi32, #tpu.memory_space<hbm>> -> memref<128xi32, #tpu.memory_space<hbm>>
    %dma_start3A_37 = arith.constant 0 : i32
    %dma_start3A_38 = tpu.memref_slice %arg3[%mul3A_2, %dma_start3A_37] : memref<2560x128xi32, #tpu.memory_space<hbm>> -> memref<1x128xi32, #tpu.memory_space<hbm>>
    %dma_start3A_39 = tpu.memref_squeeze %dma_start3A_38 : memref<1x128xi32, #tpu.memory_space<hbm>> -> memref<128xi32, #tpu.memory_space<hbm>>
    tpu.enqueue_dma source(%dma_start3A_39 : memref<128xi32, #tpu.memory_space<hbm>>) target(%arg7 : memref<128xi32, #tpu.memory_space<vmem>>) target_semaphore(%arg14 : memref<!tpu.dma_semaphore, #tpu.memory_space<semaphore_mem>>)
    %scan3A_40 = arith.constant 0 : i32
    %scan3A_41 = arith.constant 40 : i32
    %scan3A_42 = arith.addi %scan3A_40, %scan3A_41 : i32
    %scan3A_43 = arith.constant 1 : i32
    scf.for %scan3A_86 = %scan3A_40 to %scan3A_42 step %scan3A_43  : i32 {
      %mul3A_87 = arith.constant 2 : i32
      %mul3A_88 = arith.muli %scan3A_86, %mul3A_87 : i32
      %add3A_89 = arith.constant 0 : i32
      %add3A_90 = arith.addi %add3A_89, %mul3A_88 : i32
      %dma_wait3A = arith.constant 0 : i32
      %dma_wait3A_91 = tpu.memref_slice %arg6[%add3A_90, %dma_wait3A] : memref<80x128xi32, #tpu.memory_space<vmem>> -> memref<1x128xi32, #tpu.memory_space<vmem>>
      %dma_wait3A_92 = tpu.memref_squeeze %dma_wait3A_91 : memref<1x128xi32, #tpu.memory_space<vmem>> -> memref<128xi32, #tpu.memory_space<vmem>>
      %dma_wait3A_93 = arith.constant 0 : i32
      %dma_wait3A_94 = arith.constant 0 : i32
      %dma_wait3A_95 = tpu.memref_slice %arg4[%dma_wait3A_93, %dma_wait3A_94] : memref<10240x128xf32, #tpu.memory_space<hbm>> -> memref<10240x128xf32, #tpu.memory_space<hbm>>
      tpu.wait_indirect_dma semaphore(%arg12 : memref<!tpu.dma_semaphore, #tpu.memory_space<semaphore_mem>>) src(%dma_wait3A_95 : memref<10240x128xf32, #tpu.memory_space<hbm>>) dst(%arg9 : memref<128x128xf32, #tpu.memory_space<vmem>>)
      %add3A_96 = arith.addi %mul3A_2, %add3A_90 : i32
      %dma_wait3A_97 = arith.constant 0 : i32
      %dma_wait3A_98 = tpu.memref_slice %arg3[%add3A_96, %dma_wait3A_97] : memref<2560x128xi32, #tpu.memory_space<hbm>> -> memref<1x128xi32, #tpu.memory_space<hbm>>
      %dma_wait3A_99 = tpu.memref_squeeze %dma_wait3A_98 : memref<1x128xi32, #tpu.memory_space<hbm>> -> memref<128xi32, #tpu.memory_space<hbm>>
      %dma_wait3A_100 = arith.constant 0 : i32
      %dma_wait3A_101 = tpu.memref_slice %arg3[%add3A_96, %dma_wait3A_100] : memref<2560x128xi32, #tpu.memory_space<hbm>> -> memref<1x128xi32, #tpu.memory_space<hbm>>
      %dma_wait3A_102 = tpu.memref_squeeze %dma_wait3A_101 : memref<1x128xi32, #tpu.memory_space<hbm>> -> memref<128xi32, #tpu.memory_space<hbm>>
      tpu.wait_dma2 semaphore(%arg14 : memref<!tpu.dma_semaphore, #tpu.memory_space<semaphore_mem>>) src(%dma_wait3A_102 : memref<128xi32, #tpu.memory_space<hbm>>) dst(%arg7 : memref<128xi32, #tpu.memory_space<vmem>>)
      %add3A_103 = arith.constant 1 : i32
      %add3A_104 = arith.addi %add3A_90, %add3A_103 : i32
      %dma_start3A_105 = arith.constant 0 : i32
      %dma_start3A_106 = tpu.memref_slice %arg6[%add3A_104, %dma_start3A_105] : memref<80x128xi32, #tpu.memory_space<vmem>> -> memref<1x128xi32, #tpu.memory_space<vmem>>
      %dma_start3A_107 = tpu.memref_squeeze %dma_start3A_106 : memref<1x128xi32, #tpu.memory_space<vmem>> -> memref<128xi32, #tpu.memory_space<vmem>>
      %dma_start3A_108 = arith.constant 0 : i32
      %dma_start3A_109 = arith.constant 0 : i32
      %dma_start3A_110 = tpu.memref_slice %arg4[%dma_start3A_108, %dma_start3A_109] : memref<10240x128xf32, #tpu.memory_space<hbm>> -> memref<10240x128xf32, #tpu.memory_space<hbm>>
      tpu.enqueue_indirect_dma source(%dma_start3A_110 : memref<10240x128xf32, #tpu.memory_space<hbm>>) target(%arg10 : memref<128x128xf32, #tpu.memory_space<vmem>>) offsets(%dma_start3A_107 : memref<128xi32, #tpu.memory_space<vmem>>) semaphore(%arg13 : memref<!tpu.dma_semaphore, #tpu.memory_space<semaphore_mem>>)
      %add3A_111 = arith.addi %mul3A_2, %add3A_90 : i32
      %add3A_112 = arith.constant 1 : i32
      %add3A_113 = arith.addi %add3A_111, %add3A_112 : i32
      %dma_start3A_114 = arith.constant 0 : i32
      %dma_start3A_115 = tpu.memref_slice %arg3[%add3A_113, %dma_start3A_114] : memref<2560x128xi32, #tpu.memory_space<hbm>> -> memref<1x128xi32, #tpu.memory_space<hbm>>
      %dma_start3A_116 = tpu.memref_squeeze %dma_start3A_115 : memref<1x128xi32, #tpu.memory_space<hbm>> -> memref<128xi32, #tpu.memory_space<hbm>>
      %dma_start3A_117 = arith.constant 0 : i32
      %dma_start3A_118 = tpu.memref_slice %arg3[%add3A_113, %dma_start3A_117] : memref<2560x128xi32, #tpu.memory_space<hbm>> -> memref<1x128xi32, #tpu.memory_space<hbm>>
      %dma_start3A_119 = tpu.memref_squeeze %dma_start3A_118 : memref<1x128xi32, #tpu.memory_space<hbm>> -> memref<128xi32, #tpu.memory_space<hbm>>
      tpu.enqueue_dma source(%dma_start3A_119 : memref<128xi32, #tpu.memory_space<hbm>>) target(%arg8 : memref<128xi32, #tpu.memory_space<vmem>>) target_semaphore(%arg15 : memref<!tpu.dma_semaphore, #tpu.memory_space<semaphore_mem>>)
      "tpu.region"() ({
        %run_scoped3A = tpu.sem_alloc : memref<!tpu.dma_semaphore, #tpu.memory_space<semaphore_mem>>
        %dma_start3A_141 = arith.constant 0 : i32
        %dma_start3A_142 = arith.constant 0 : i32
        %dma_start3A_143 = tpu.memref_slice %arg11[%dma_start3A_141, %dma_start3A_142] : memref<10240x128xf32, #tpu.memory_space<vmem_shared>> -> memref<10240x128xf32, #tpu.memory_space<vmem_shared>>
        tpu.enqueue_indirect_dma source(%arg9 : memref<128x128xf32, #tpu.memory_space<vmem>>) target(%dma_start3A_143 : memref<10240x128xf32, #tpu.memory_space<vmem_shared>>) offsets(%arg7 : memref<128xi32, #tpu.memory_space<vmem>>) semaphore(%run_scoped3A : memref<!tpu.dma_semaphore, #tpu.memory_space<semaphore_mem>>) {add = true}
        %dma_wait3A_144 = arith.constant 0 : i32
        %dma_wait3A_145 = arith.constant 0 : i32
        %dma_wait3A_146 = tpu.memref_slice %arg11[%dma_wait3A_144, %dma_wait3A_145] : memref<10240x128xf32, #tpu.memory_space<vmem_shared>> -> memref<10240x128xf32, #tpu.memory_space<vmem_shared>>
        tpu.wait_indirect_dma semaphore(%run_scoped3A : memref<!tpu.dma_semaphore, #tpu.memory_space<semaphore_mem>>) src(%arg9 : memref<128x128xf32, #tpu.memory_space<vmem>>) dst(%dma_wait3A_146 : memref<10240x128xf32, #tpu.memory_space<vmem_shared>>)
        tpu.yield
      }) : () -> ()
      %add3A_120 = arith.constant 1 : i32
      %add3A_121 = arith.addi %add3A_90, %add3A_120 : i32
      %dma_wait3A_122 = arith.constant 0 : i32
      %dma_wait3A_123 = tpu.memref_slice %arg6[%add3A_121, %dma_wait3A_122] : memref<80x128xi32, #tpu.memory_space<vmem>> -> memref<1x128xi32, #tpu.memory_space<vmem>>
      %dma_wait3A_124 = tpu.memref_squeeze %dma_wait3A_123 : memref<1x128xi32, #tpu.memory_space<vmem>> -> memref<128xi32, #tpu.memory_space<vmem>>
      %dma_wait3A_125 = arith.constant 0 : i32
      %dma_wait3A_126 = arith.constant 0 : i32
      %dma_wait3A_127 = tpu.memref_slice %arg4[%dma_wait3A_125, %dma_wait3A_126] : memref<10240x128xf32, #tpu.memory_space<hbm>> -> memref<10240x128xf32, #tpu.memory_space<hbm>>
      tpu.wait_indirect_dma semaphore(%arg13 : memref<!tpu.dma_semaphore, #tpu.memory_space<semaphore_mem>>) src(%dma_wait3A_127 : memref<10240x128xf32, #tpu.memory_space<hbm>>) dst(%arg10 : memref<128x128xf32, #tpu.memory_space<vmem>>)
      %add3A_128 = arith.addi %mul3A_2, %add3A_90 : i32
      %add3A_129 = arith.constant 1 : i32
      %add3A_130 = arith.addi %add3A_128, %add3A_129 : i32
      %dma_wait3A_131 = arith.constant 0 : i32
      %dma_wait3A_132 = tpu.memref_slice %arg3[%add3A_130, %dma_wait3A_131] : memref<2560x128xi32, #tpu.memory_space<hbm>> -> memref<1x128xi32, #tpu.memory_space<hbm>>
      %dma_wait3A_133 = tpu.memref_squeeze %dma_wait3A_132 : memref<1x128xi32, #tpu.memory_space<hbm>> -> memref<128xi32, #tpu.memory_space<hbm>>
      %dma_wait3A_134 = arith.constant 0 : i32
      %dma_wait3A_135 = tpu.memref_slice %arg3[%add3A_130, %dma_wait3A_134] : memref<2560x128xi32, #tpu.memory_space<hbm>> -> memref<1x128xi32, #tpu.memory_space<hbm>>
      %dma_wait3A_136 = tpu.memref_squeeze %dma_wait3A_135 : memref<1x128xi32, #tpu.memory_space<hbm>> -> memref<128xi32, #tpu.memory_space<hbm>>
      tpu.wait_dma2 semaphore(%arg15 : memref<!tpu.dma_semaphore, #tpu.memory_space<semaphore_mem>>) src(%dma_wait3A_136 : memref<128xi32, #tpu.memory_space<hbm>>) dst(%arg8 : memref<128xi32, #tpu.memory_space<vmem>>)
      %add3A_137 = arith.constant 2 : i32
      %add3A_138 = arith.addi %add3A_90, %add3A_137 : i32
      %lt3A = arith.constant 80 : i32
      %lt3A_139 = arith.cmpi slt, %add3A_138, %lt3A : i32
      %convert_element_type3A = arith.extui %lt3A_139 : i1 to i32
      %cond3A = arith.constant 0 : i32
      %cond3A_140 = arith.cmpi ne, %convert_element_type3A, %cond3A : i32
      scf.if %cond3A_140 {
        %add3A_141 = arith.constant 2 : i32
        %add3A_142 = arith.addi %add3A_90, %add3A_141 : i32
        %dma_start3A_143 = arith.constant 0 : i32
        %dma_start3A_144 = tpu.memref_slice %arg6[%add3A_142, %dma_start3A_143] : memref<80x128xi32, #tpu.memory_space<vmem>> -> memref<1x128xi32, #tpu.memory_space<vmem>>
        %dma_start3A_145 = tpu.memref_squeeze %dma_start3A_144 : memref<1x128xi32, #tpu.memory_space<vmem>> -> memref<128xi32, #tpu.memory_space<vmem>>
        %dma_start3A_146 = arith.constant 0 : i32
        %dma_start3A_147 = arith.constant 0 : i32
        %dma_start3A_148 = tpu.memref_slice %arg4[%dma_start3A_146, %dma_start3A_147] : memref<10240x128xf32, #tpu.memory_space<hbm>> -> memref<10240x128xf32, #tpu.memory_space<hbm>>
        tpu.enqueue_indirect_dma source(%dma_start3A_148 : memref<10240x128xf32, #tpu.memory_space<hbm>>) target(%arg9 : memref<128x128xf32, #tpu.memory_space<vmem>>) offsets(%dma_start3A_145 : memref<128xi32, #tpu.memory_space<vmem>>) semaphore(%arg12 : memref<!tpu.dma_semaphore, #tpu.memory_space<semaphore_mem>>)
        %add3A_149 = arith.addi %mul3A_2, %add3A_90 : i32
        %add3A_150 = arith.constant 2 : i32
        %add3A_151 = arith.addi %add3A_149, %add3A_150 : i32
        %dma_start3A_152 = arith.constant 0 : i32
        %dma_start3A_153 = tpu.memref_slice %arg3[%add3A_151, %dma_start3A_152] : memref<2560x128xi32, #tpu.memory_space<hbm>> -> memref<1x128xi32, #tpu.memory_space<hbm>>
        %dma_start3A_154 = tpu.memref_squeeze %dma_start3A_153 : memref<1x128xi32, #tpu.memory_space<hbm>> -> memref<128xi32, #tpu.memory_space<hbm>>
        %dma_start3A_155 = arith.constant 0 : i32
        %dma_start3A_156 = tpu.memref_slice %arg3[%add3A_151, %dma_start3A_155] : memref<2560x128xi32, #tpu.memory_space<hbm>> -> memref<1x128xi32, #tpu.memory_space<hbm>>
        %dma_start3A_157 = tpu.memref_squeeze %dma_start3A_156 : memref<1x128xi32, #tpu.memory_space<hbm>> -> memref<128xi32, #tpu.memory_space<hbm>>
        tpu.enqueue_dma source(%dma_start3A_157 : memref<128xi32, #tpu.memory_space<hbm>>) target(%arg7 : memref<128xi32, #tpu.memory_space<vmem>>) target_semaphore(%arg14 : memref<!tpu.dma_semaphore, #tpu.memory_space<semaphore_mem>>)
      } else {
      }
      "tpu.region"() ({
        %run_scoped3A = tpu.sem_alloc : memref<!tpu.dma_semaphore, #tpu.memory_space<semaphore_mem>>
        %dma_start3A_141 = arith.constant 0 : i32
        %dma_start3A_142 = arith.constant 0 : i32
        %dma_start3A_143 = tpu.memref_slice %arg11[%dma_start3A_141, %dma_start3A_142] : memref<10240x128xf32, #tpu.memory_space<vmem_shared>> -> memref<10240x128xf32, #tpu.memory_space<vmem_shared>>
        tpu.enqueue_indirect_dma source(%arg10 : memref<128x128xf32, #tpu.memory_space<vmem>>) target(%dma_start3A_143 : memref<10240x128xf32, #tpu.memory_space<vmem_shared>>) offsets(%arg8 : memref<128xi32, #tpu.memory_space<vmem>>) semaphore(%run_scoped3A : memref<!tpu.dma_semaphore, #tpu.memory_space<semaphore_mem>>) {add = true}
        %dma_wait3A_144 = arith.constant 0 : i32
        %dma_wait3A_145 = arith.constant 0 : i32
        %dma_wait3A_146 = tpu.memref_slice %arg11[%dma_wait3A_144, %dma_wait3A_145] : memref<10240x128xf32, #tpu.memory_space<vmem_shared>> -> memref<10240x128xf32, #tpu.memory_space<vmem_shared>>
        tpu.wait_indirect_dma semaphore(%run_scoped3A : memref<!tpu.dma_semaphore, #tpu.memory_space<semaphore_mem>>) src(%arg10 : memref<128x128xf32, #tpu.memory_space<vmem>>) dst(%dma_wait3A_146 : memref<10240x128xf32, #tpu.memory_space<vmem_shared>>)
        tpu.yield
      }) : () -> ()
    }
    %scan3A_44 = arith.constant 40 : i32
    %barrier3A_45 = arith.constant 0 : index
    tpu.barrier barrier_id(%barrier3A_45)
    %mul3A_46 = arith.constant 640 : i32
    %mul3A_47 = arith.muli %arg1, %mul3A_46 : i32
    %add3A_48 = arith.constant 0 : i32
    %add3A_49 = arith.addi %mul3A_47, %add3A_48 : i32
    %mul3A_50 = arith.constant 640 : i32
    %mul3A_51 = arith.muli %arg1, %mul3A_50 : i32
    %add3A_52 = arith.constant 0 : i32
    %add3A_53 = arith.addi %mul3A_51, %add3A_52 : i32
    "tpu.region"() ({
      %run_scoped3A = tpu.sem_alloc : memref<!tpu.dma_semaphore, #tpu.memory_space<semaphore_mem>>
      %dma_start3A_86 = arith.constant 0 : i32
      %dma_start3A_87 = tpu.memref_slice %arg5[%arg0, %add3A_53, %dma_start3A_86] : memref<2x10240x128xf32, #tpu.memory_space<hbm>> -> memref<1x128x128xf32, #tpu.memory_space<hbm>>
      %dma_start3A_88 = tpu.memref_squeeze %dma_start3A_87 : memref<1x128x128xf32, #tpu.memory_space<hbm>> -> memref<128x128xf32, #tpu.memory_space<hbm>>
      %dma_start3A_89 = arith.constant 0 : i32
      %dma_start3A_90 = tpu.memref_slice %arg11[%add3A_49, %dma_start3A_89] : memref<10240x128xf32, #tpu.memory_space<vmem_shared>> -> memref<128x128xf32, #tpu.memory_space<vmem_shared>>
      tpu.enqueue_dma source(%dma_start3A_90 : memref<128x128xf32, #tpu.memory_space<vmem_shared>>) target(%dma_start3A_88 : memref<128x128xf32, #tpu.memory_space<hbm>>) target_semaphore(%run_scoped3A : memref<!tpu.dma_semaphore, #tpu.memory_space<semaphore_mem>>)
      %dma_wait3A = arith.constant 0 : i32
      %dma_wait3A_91 = tpu.memref_slice %arg5[%arg0, %add3A_53, %dma_wait3A] : memref<2x10240x128xf32, #tpu.memory_space<hbm>> -> memref<1x128x128xf32, #tpu.memory_space<hbm>>
      %dma_wait3A_92 = tpu.memref_squeeze %dma_wait3A_91 : memref<1x128x128xf32, #tpu.memory_space<hbm>> -> memref<128x128xf32, #tpu.memory_space<hbm>>
      %dma_wait3A_93 = arith.constant 0 : i32
      %dma_wait3A_94 = tpu.memref_slice %arg11[%add3A_49, %dma_wait3A_93] : memref<10240x128xf32, #tpu.memory_space<vmem_shared>> -> memref<128x128xf32, #tpu.memory_space<vmem_shared>>
      tpu.wait_dma2 semaphore(%run_scoped3A : memref<!tpu.dma_semaphore, #tpu.memory_space<semaphore_mem>>) src(%dma_wait3A_94 : memref<128x128xf32, #tpu.memory_space<vmem_shared>>) dst(%dma_wait3A_92 : memref<128x128xf32, #tpu.memory_space<hbm>>)
      tpu.yield
    }) : () -> ()
    %mul3A_54 = arith.constant 640 : i32
    %mul3A_55 = arith.muli %arg1, %mul3A_54 : i32
    %add3A_56 = arith.constant 128 : i32
    %add3A_57 = arith.addi %mul3A_55, %add3A_56 : i32
    %mul3A_58 = arith.constant 640 : i32
    %mul3A_59 = arith.muli %arg1, %mul3A_58 : i32
    %add3A_60 = arith.constant 128 : i32
    %add3A_61 = arith.addi %mul3A_59, %add3A_60 : i32
    "tpu.region"() ({
      %run_scoped3A = tpu.sem_alloc : memref<!tpu.dma_semaphore, #tpu.memory_space<semaphore_mem>>
      %dma_start3A_86 = arith.constant 0 : i32
      %dma_start3A_87 = tpu.memref_slice %arg5[%arg0, %add3A_61, %dma_start3A_86] : memref<2x10240x128xf32, #tpu.memory_space<hbm>> -> memref<1x128x128xf32, #tpu.memory_space<hbm>>
      %dma_start3A_88 = tpu.memref_squeeze %dma_start3A_87 : memref<1x128x128xf32, #tpu.memory_space<hbm>> -> memref<128x128xf32, #tpu.memory_space<hbm>>
      %dma_start3A_89 = arith.constant 0 : i32
      %dma_start3A_90 = tpu.memref_slice %arg11[%add3A_57, %dma_start3A_89] : memref<10240x128xf32, #tpu.memory_space<vmem_shared>> -> memref<128x128xf32, #tpu.memory_space<vmem_shared>>
      tpu.enqueue_dma source(%dma_start3A_90 : memref<128x128xf32, #tpu.memory_space<vmem_shared>>) target(%dma_start3A_88 : memref<128x128xf32, #tpu.memory_space<hbm>>) target_semaphore(%run_scoped3A : memref<!tpu.dma_semaphore, #tpu.memory_space<semaphore_mem>>)
      %dma_wait3A = arith.constant 0 : i32
      %dma_wait3A_91 = tpu.memref_slice %arg5[%arg0, %add3A_61, %dma_wait3A] : memref<2x10240x128xf32, #tpu.memory_space<hbm>> -> memref<1x128x128xf32, #tpu.memory_space<hbm>>
      %dma_wait3A_92 = tpu.memref_squeeze %dma_wait3A_91 : memref<1x128x128xf32, #tpu.memory_space<hbm>> -> memref<128x128xf32, #tpu.memory_space<hbm>>
      %dma_wait3A_93 = arith.constant 0 : i32
      %dma_wait3A_94 = tpu.memref_slice %arg11[%add3A_57, %dma_wait3A_93] : memref<10240x128xf32, #tpu.memory_space<vmem_shared>> -> memref<128x128xf32, #tpu.memory_space<vmem_shared>>
      tpu.wait_dma2 semaphore(%run_scoped3A : memref<!tpu.dma_semaphore, #tpu.memory_space<semaphore_mem>>) src(%dma_wait3A_94 : memref<128x128xf32, #tpu.memory_space<vmem_shared>>) dst(%dma_wait3A_92 : memref<128x128xf32, #tpu.memory_space<hbm>>)
      tpu.yield
    }) : () -> ()
    %mul3A_62 = arith.constant 640 : i32
    %mul3A_63 = arith.muli %arg1, %mul3A_62 : i32
    %add3A_64 = arith.constant 256 : i32
    %add3A_65 = arith.addi %mul3A_63, %add3A_64 : i32
    %mul3A_66 = arith.constant 640 : i32
    %mul3A_67 = arith.muli %arg1, %mul3A_66 : i32
    %add3A_68 = arith.constant 256 : i32
    %add3A_69 = arith.addi %mul3A_67, %add3A_68 : i32
    "tpu.region"() ({
      %run_scoped3A = tpu.sem_alloc : memref<!tpu.dma_semaphore, #tpu.memory_space<semaphore_mem>>
      %dma_start3A_86 = arith.constant 0 : i32
      %dma_start3A_87 = tpu.memref_slice %arg5[%arg0, %add3A_69, %dma_start3A_86] : memref<2x10240x128xf32, #tpu.memory_space<hbm>> -> memref<1x128x128xf32, #tpu.memory_space<hbm>>
      %dma_start3A_88 = tpu.memref_squeeze %dma_start3A_87 : memref<1x128x128xf32, #tpu.memory_space<hbm>> -> memref<128x128xf32, #tpu.memory_space<hbm>>
      %dma_start3A_89 = arith.constant 0 : i32
      %dma_start3A_90 = tpu.memref_slice %arg11[%add3A_65, %dma_start3A_89] : memref<10240x128xf32, #tpu.memory_space<vmem_shared>> -> memref<128x128xf32, #tpu.memory_space<vmem_shared>>
      tpu.enqueue_dma source(%dma_start3A_90 : memref<128x128xf32, #tpu.memory_space<vmem_shared>>) target(%dma_start3A_88 : memref<128x128xf32, #tpu.memory_space<hbm>>) target_semaphore(%run_scoped3A : memref<!tpu.dma_semaphore, #tpu.memory_space<semaphore_mem>>)
      %dma_wait3A = arith.constant 0 : i32
      %dma_wait3A_91 = tpu.memref_slice %arg5[%arg0, %add3A_69, %dma_wait3A] : memref<2x10240x128xf32, #tpu.memory_space<hbm>> -> memref<1x128x128xf32, #tpu.memory_space<hbm>>
      %dma_wait3A_92 = tpu.memref_squeeze %dma_wait3A_91 : memref<1x128x128xf32, #tpu.memory_space<hbm>> -> memref<128x128xf32, #tpu.memory_space<hbm>>
      %dma_wait3A_93 = arith.constant 0 : i32
      %dma_wait3A_94 = tpu.memref_slice %arg11[%add3A_65, %dma_wait3A_93] : memref<10240x128xf32, #tpu.memory_space<vmem_shared>> -> memref<128x128xf32, #tpu.memory_space<vmem_shared>>
      tpu.wait_dma2 semaphore(%run_scoped3A : memref<!tpu.dma_semaphore, #tpu.memory_space<semaphore_mem>>) src(%dma_wait3A_94 : memref<128x128xf32, #tpu.memory_space<vmem_shared>>) dst(%dma_wait3A_92 : memref<128x128xf32, #tpu.memory_space<hbm>>)
      tpu.yield
    }) : () -> ()
    %mul3A_70 = arith.constant 640 : i32
    %mul3A_71 = arith.muli %arg1, %mul3A_70 : i32
    %add3A_72 = arith.constant 384 : i32
    %add3A_73 = arith.addi %mul3A_71, %add3A_72 : i32
    %mul3A_74 = arith.constant 640 : i32
    %mul3A_75 = arith.muli %arg1, %mul3A_74 : i32
    %add3A_76 = arith.constant 384 : i32
    %add3A_77 = arith.addi %mul3A_75, %add3A_76 : i32
    "tpu.region"() ({
      %run_scoped3A = tpu.sem_alloc : memref<!tpu.dma_semaphore, #tpu.memory_space<semaphore_mem>>
      %dma_start3A_86 = arith.constant 0 : i32
      %dma_start3A_87 = tpu.memref_slice %arg5[%arg0, %add3A_77, %dma_start3A_86] : memref<2x10240x128xf32, #tpu.memory_space<hbm>> -> memref<1x128x128xf32, #tpu.memory_space<hbm>>
      %dma_start3A_88 = tpu.memref_squeeze %dma_start3A_87 : memref<1x128x128xf32, #tpu.memory_space<hbm>> -> memref<128x128xf32, #tpu.memory_space<hbm>>
      %dma_start3A_89 = arith.constant 0 : i32
      %dma_start3A_90 = tpu.memref_slice %arg11[%add3A_73, %dma_start3A_89] : memref<10240x128xf32, #tpu.memory_space<vmem_shared>> -> memref<128x128xf32, #tpu.memory_space<vmem_shared>>
      tpu.enqueue_dma source(%dma_start3A_90 : memref<128x128xf32, #tpu.memory_space<vmem_shared>>) target(%dma_start3A_88 : memref<128x128xf32, #tpu.memory_space<hbm>>) target_semaphore(%run_scoped3A : memref<!tpu.dma_semaphore, #tpu.memory_space<semaphore_mem>>)
      %dma_wait3A = arith.constant 0 : i32
      %dma_wait3A_91 = tpu.memref_slice %arg5[%arg0, %add3A_77, %dma_wait3A] : memref<2x10240x128xf32, #tpu.memory_space<hbm>> -> memref<1x128x128xf32, #tpu.memory_space<hbm>>
      %dma_wait3A_92 = tpu.memref_squeeze %dma_wait3A_91 : memref<1x128x128xf32, #tpu.memory_space<hbm>> -> memref<128x128xf32, #tpu.memory_space<hbm>>
      %dma_wait3A_93 = arith.constant 0 : i32
      %dma_wait3A_94 = tpu.memref_slice %arg11[%add3A_73, %dma_wait3A_93] : memref<10240x128xf32, #tpu.memory_space<vmem_shared>> -> memref<128x128xf32, #tpu.memory_space<vmem_shared>>
      tpu.wait_dma2 semaphore(%run_scoped3A : memref<!tpu.dma_semaphore, #tpu.memory_space<semaphore_mem>>) src(%dma_wait3A_94 : memref<128x128xf32, #tpu.memory_space<vmem_shared>>) dst(%dma_wait3A_92 : memref<128x128xf32, #tpu.memory_space<hbm>>)
      tpu.yield
    }) : () -> ()
    %mul3A_78 = arith.constant 640 : i32
    %mul3A_79 = arith.muli %arg1, %mul3A_78 : i32
    %add3A_80 = arith.constant 512 : i32
    %add3A_81 = arith.addi %mul3A_79, %add3A_80 : i32
    %mul3A_82 = arith.constant 640 : i32
    %mul3A_83 = arith.muli %arg1, %mul3A_82 : i32
    %add3A_84 = arith.constant 512 : i32
    %add3A_85 = arith.addi %mul3A_83, %add3A_84 : i32
    "tpu.region"() ({
      %run_scoped3A = tpu.sem_alloc : memref<!tpu.dma_semaphore, #tpu.memory_space<semaphore_mem>>
      %dma_start3A_86 = arith.constant 0 : i32
      %dma_start3A_87 = tpu.memref_slice %arg5[%arg0, %add3A_85, %dma_start3A_86] : memref<2x10240x128xf32, #tpu.memory_space<hbm>> -> memref<1x128x128xf32, #tpu.memory_space<hbm>>
      %dma_start3A_88 = tpu.memref_squeeze %dma_start3A_87 : memref<1x128x128xf32, #tpu.memory_space<hbm>> -> memref<128x128xf32, #tpu.memory_space<hbm>>
      %dma_start3A_89 = arith.constant 0 : i32
      %dma_start3A_90 = tpu.memref_slice %arg11[%add3A_81, %dma_start3A_89] : memref<10240x128xf32, #tpu.memory_space<vmem_shared>> -> memref<128x128xf32, #tpu.memory_space<vmem_shared>>
      tpu.enqueue_dma source(%dma_start3A_90 : memref<128x128xf32, #tpu.memory_space<vmem_shared>>) target(%dma_start3A_88 : memref<128x128xf32, #tpu.memory_space<hbm>>) target_semaphore(%run_scoped3A : memref<!tpu.dma_semaphore, #tpu.memory_space<semaphore_mem>>)
      %dma_wait3A = arith.constant 0 : i32
      %dma_wait3A_91 = tpu.memref_slice %arg5[%arg0, %add3A_85, %dma_wait3A] : memref<2x10240x128xf32, #tpu.memory_space<hbm>> -> memref<1x128x128xf32, #tpu.memory_space<hbm>>
      %dma_wait3A_92 = tpu.memref_squeeze %dma_wait3A_91 : memref<1x128x128xf32, #tpu.memory_space<hbm>> -> memref<128x128xf32, #tpu.memory_space<hbm>>
      %dma_wait3A_93 = arith.constant 0 : i32
      %dma_wait3A_94 = tpu.memref_slice %arg11[%add3A_81, %dma_wait3A_93] : memref<10240x128xf32, #tpu.memory_space<vmem_shared>> -> memref<128x128xf32, #tpu.memory_space<vmem_shared>>
      tpu.wait_dma2 semaphore(%run_scoped3A : memref<!tpu.dma_semaphore, #tpu.memory_space<semaphore_mem>>) src(%dma_wait3A_94 : memref<128x128xf32, #tpu.memory_space<vmem_shared>>) dst(%dma_wait3A_92 : memref<128x128xf32, #tpu.memory_space<hbm>>)
      tpu.yield
    }) : () -> ()
    return
  }
}

#map = affine_map<(d0, d1) -> (0, 0)>
#map1 = affine_map<(d0, d1) -> (0, 0, 0)>
module attributes {stable_mosaic.version = 14 : i64} {
  func.func @seg(%arg0: i32, %arg1: i32, %arg2: memref<2560x128xi32, #tpu.memory_space<hbm>>, %arg3: memref<2560x128xi32, #tpu.memory_space<hbm>>, %arg4: memref<10240x128xf32, #tpu.memory_space<hbm>>, %arg5: memref<2x10240x128xf32, #tpu.memory_space<hbm>>, %arg6: memref<80x128xi32, #tpu.memory_space<vmem>>, %arg7: memref<128xi32, #tpu.memory_space<vmem>>, %arg8: memref<128xi32, #tpu.memory_space<vmem>>, %arg9: memref<128x128xf32, #tpu.memory_space<vmem>>, %arg10: memref<128x128xf32, #tpu.memory_space<vmem>>, %arg11: memref<10240x128xf32, #tpu.memory_space<vmem_shared>>, %arg12: memref<!tpu.dma_semaphore, #tpu.memory_space<semaphore_mem>>, %arg13: memref<!tpu.dma_semaphore, #tpu.memory_space<semaphore_mem>>, %arg14: memref<!tpu.dma_semaphore, #tpu.memory_space<semaphore_mem>>, %arg15: memref<!tpu.dma_semaphore, #tpu.memory_space<semaphore_mem>>) attributes {dimension_semantics = [#tpu.dimension_semantics<core_parallel>, #tpu.dimension_semantics<subcore_parallel>], iteration_bounds = array<i64: 2, 16>, scalar_prefetch = 0 : i64, scratch_operands = 10 : i64, tpu.core_type = #tpu.core_type<sc_vector_subcore>, window_params = [{transform_indices = #map}, {transform_indices = #map}, {transform_indices = #map}, {transform_indices = #map1}]} {
    %mul3A = arith.constant 2 : i32
    %mul3A_0 = arith.muli %arg1, %mul3A : i32
    %add3A = arith.addi %mul3A_0, %arg0 : i32
    %mul3A_1 = arith.constant 80 : i32
    %mul3A_2 = arith.muli %add3A, %mul3A_1 : i32
    "tpu.region"() ({
      %run_scoped3A = tpu.sem_alloc : memref<!tpu.dma_semaphore, #tpu.memory_space<semaphore_mem>>
      %dma_start3A_86 = arith.constant 0 : i32
      %dma_start3A_87 = tpu.memref_slice %arg2[%mul3A_2, %dma_start3A_86] : memref<2560x128xi32, #tpu.memory_space<hbm>> -> memref<80x128xi32, #tpu.memory_space<hbm>>
      %dma_start3A_88 = arith.constant 0 : i32
      %dma_start3A_89 = tpu.memref_slice %arg2[%mul3A_2, %dma_start3A_88] : memref<2560x128xi32, #tpu.memory_space<hbm>> -> memref<80x128xi32, #tpu.memory_space<hbm>>
      tpu.enqueue_dma source(%dma_start3A_89 : memref<80x128xi32, #tpu.memory_space<hbm>>) target(%arg6 : memref<80x128xi32, #tpu.memory_space<vmem>>) target_semaphore(%run_scoped3A : memref<!tpu.dma_semaphore, #tpu.memory_space<semaphore_mem>>)
      %dma_wait3A = arith.constant 0 : i32
      %dma_wait3A_90 = tpu.memref_slice %arg2[%mul3A_2, %dma_wait3A] : memref<2560x128xi32, #tpu.memory_space<hbm>> -> memref<80x128xi32, #tpu.memory_space<hbm>>
      %dma_wait3A_91 = arith.constant 0 : i32
      %dma_wait3A_92 = tpu.memref_slice %arg2[%mul3A_2, %dma_wait3A_91] : memref<2560x128xi32, #tpu.memory_space<hbm>> -> memref<80x128xi32, #tpu.memory_space<hbm>>
      tpu.wait_dma2 semaphore(%run_scoped3A : memref<!tpu.dma_semaphore, #tpu.memory_space<semaphore_mem>>) src(%dma_wait3A_92 : memref<80x128xi32, #tpu.memory_space<hbm>>) dst(%arg6 : memref<80x128xi32, #tpu.memory_space<vmem>>)
      tpu.yield
    }) : () -> ()
    %broadcast_in_dim3A = arith.constant 0.000000e+00 : f32
    %broadcast_in_dim3A_3 = vector.broadcast %broadcast_in_dim3A : f32 to vector<1x16xf32>
    %scan3A = arith.constant 0 : i32
    %scan3A_4 = arith.constant 128 : i32
    %scan3A_5 = arith.addi %scan3A, %scan3A_4 : i32
    %scan3A_6 = arith.constant 1 : i32
    scf.for %scan3A_86 = %scan3A to %scan3A_5 step %scan3A_6  : i32 {
      %mul3A_87 = arith.constant 1 : i32
      %mul3A_88 = arith.muli %scan3A_86, %mul3A_87 : i32
      %add3A_89 = arith.constant 0 : i32
      %add3A_90 = arith.addi %add3A_89, %mul3A_88 : i32
      %swap3A = arith.index_cast %add3A_90 : i32 to index
      %swap3A_91 = arith.constant 0 : index
      %swap3A_92 = tpu.vector_load %arg9[%swap3A, %swap3A_91] {strides = array<i32>} : memref<128x128xf32, #tpu.memory_space<vmem>>, vector<1x16xf32>,
      %swap3A_93 = vector.shape_cast %swap3A_92 : vector<1x16xf32> to vector<1x16xf32>
      %swap3A_94 = vector.shape_cast %broadcast_in_dim3A_3 : vector<1x16xf32> to vector<1x16xf32>
      tpu.vector_store %arg9[%swap3A, %swap3A_91], %swap3A_94 {strides = array<i32>} : memref<128x128xf32, #tpu.memory_space<vmem>>, vector<1x16xf32>,
      %swap3A_95 = arith.index_cast %add3A_90 : i32 to index
      %swap3A_96 = arith.constant 16 : index
      %swap3A_97 = tpu.vector_load %arg9[%swap3A_95, %swap3A_96] {strides = array<i32>} : memref<128x128xf32, #tpu.memory_space<vmem>>, vector<1x16xf32>,
      %swap3A_98 = vector.shape_cast %swap3A_97 : vector<1x16xf32> to vector<1x16xf32>
      %swap3A_99 = vector.shape_cast %broadcast_in_dim3A_3 : vector<1x16xf32> to vector<1x16xf32>
      tpu.vector_store %arg9[%swap3A_95, %swap3A_96], %swap3A_99 {strides = array<i32>} : memref<128x128xf32, #tpu.memory_space<vmem>>, vector<1x16xf32>,
      %swap3A_100 = arith.index_cast %add3A_90 : i32 to index
      %swap3A_101 = arith.constant 32 : index
      %swap3A_102 = tpu.vector_load %arg9[%swap3A_100, %swap3A_101] {strides = array<i32>} : memref<128x128xf32, #tpu.memory_space<vmem>>, vector<1x16xf32>,
      %swap3A_103 = vector.shape_cast %swap3A_102 : vector<1x16xf32> to vector<1x16xf32>
      %swap3A_104 = vector.shape_cast %broadcast_in_dim3A_3 : vector<1x16xf32> to vector<1x16xf32>
      tpu.vector_store %arg9[%swap3A_100, %swap3A_101], %swap3A_104 {strides = array<i32>} : memref<128x128xf32, #tpu.memory_space<vmem>>, vector<1x16xf32>,
      %swap3A_105 = arith.index_cast %add3A_90 : i32 to index
      %swap3A_106 = arith.constant 48 : index
      %swap3A_107 = tpu.vector_load %arg9[%swap3A_105, %swap3A_106] {strides = array<i32>} : memref<128x128xf32, #tpu.memory_space<vmem>>, vector<1x16xf32>,
      %swap3A_108 = vector.shape_cast %swap3A_107 : vector<1x16xf32> to vector<1x16xf32>
      %swap3A_109 = vector.shape_cast %broadcast_in_dim3A_3 : vector<1x16xf32> to vector<1x16xf32>
      tpu.vector_store %arg9[%swap3A_105, %swap3A_106], %swap3A_109 {strides = array<i32>} : memref<128x128xf32, #tpu.memory_space<vmem>>, vector<1x16xf32>,
      %swap3A_110 = arith.index_cast %add3A_90 : i32 to index
      %swap3A_111 = arith.constant 64 : index
      %swap3A_112 = tpu.vector_load %arg9[%swap3A_110, %swap3A_111] {strides = array<i32>} : memref<128x128xf32, #tpu.memory_space<vmem>>, vector<1x16xf32>,
      %swap3A_113 = vector.shape_cast %swap3A_112 : vector<1x16xf32> to vector<1x16xf32>
      %swap3A_114 = vector.shape_cast %broadcast_in_dim3A_3 : vector<1x16xf32> to vector<1x16xf32>
      tpu.vector_store %arg9[%swap3A_110, %swap3A_111], %swap3A_114 {strides = array<i32>} : memref<128x128xf32, #tpu.memory_space<vmem>>, vector<1x16xf32>,
      %swap3A_115 = arith.index_cast %add3A_90 : i32 to index
      %swap3A_116 = arith.constant 80 : index
      %swap3A_117 = tpu.vector_load %arg9[%swap3A_115, %swap3A_116] {strides = array<i32>} : memref<128x128xf32, #tpu.memory_space<vmem>>, vector<1x16xf32>,
      %swap3A_118 = vector.shape_cast %swap3A_117 : vector<1x16xf32> to vector<1x16xf32>
      %swap3A_119 = vector.shape_cast %broadcast_in_dim3A_3 : vector<1x16xf32> to vector<1x16xf32>
      tpu.vector_store %arg9[%swap3A_115, %swap3A_116], %swap3A_119 {strides = array<i32>} : memref<128x128xf32, #tpu.memory_space<vmem>>, vector<1x16xf32>,
      %swap3A_120 = arith.index_cast %add3A_90 : i32 to index
      %swap3A_121 = arith.constant 96 : index
      %swap3A_122 = tpu.vector_load %arg9[%swap3A_120, %swap3A_121] {strides = array<i32>} : memref<128x128xf32, #tpu.memory_space<vmem>>, vector<1x16xf32>,
      %swap3A_123 = vector.shape_cast %swap3A_122 : vector<1x16xf32> to vector<1x16xf32>
      %swap3A_124 = vector.shape_cast %broadcast_in_dim3A_3 : vector<1x16xf32> to vector<1x16xf32>
      tpu.vector_store %arg9[%swap3A_120, %swap3A_121], %swap3A_124 {strides = array<i32>} : memref<128x128xf32, #tpu.memory_space<vmem>>, vector<1x16xf32>,
      %swap3A_125 = arith.index_cast %add3A_90 : i32 to index
      %swap3A_126 = arith.constant 112 : index
      %swap3A_127 = tpu.vector_load %arg9[%swap3A_125, %swap3A_126] {strides = array<i32>} : memref<128x128xf32, #tpu.memory_space<vmem>>, vector<1x16xf32>,
      %swap3A_128 = vector.shape_cast %swap3A_127 : vector<1x16xf32> to vector<1x16xf32>
      %swap3A_129 = vector.shape_cast %broadcast_in_dim3A_3 : vector<1x16xf32> to vector<1x16xf32>
      tpu.vector_store %arg9[%swap3A_125, %swap3A_126], %swap3A_129 {strides = array<i32>} : memref<128x128xf32, #tpu.memory_space<vmem>>, vector<1x16xf32>,
    }
    %scan3A_7 = arith.constant 128 : i32
    %mul3A_8 = arith.constant 640 : i32
    %mul3A_9 = arith.muli %arg1, %mul3A_8 : i32
    %add3A_10 = arith.constant 0 : i32
    %add3A_11 = arith.addi %mul3A_9, %add3A_10 : i32
    "tpu.region"() ({
      %run_scoped3A = tpu.sem_alloc : memref<!tpu.dma_semaphore, #tpu.memory_space<semaphore_mem>>
      %dma_start3A_86 = arith.constant 0 : i32
      %dma_start3A_87 = tpu.memref_slice %arg11[%add3A_11, %dma_start3A_86] : memref<10240x128xf32, #tpu.memory_space<vmem_shared>> -> memref<128x128xf32, #tpu.memory_space<vmem_shared>>
      %dma_start3A_88 = arith.constant 0 : i32
      %dma_start3A_89 = tpu.memref_slice %arg11[%add3A_11, %dma_start3A_88] : memref<10240x128xf32, #tpu.memory_space<vmem_shared>> -> memref<128x128xf32, #tpu.memory_space<vmem_shared>>
      tpu.enqueue_dma source(%arg9 : memref<128x128xf32, #tpu.memory_space<vmem>>) target(%dma_start3A_89 : memref<128x128xf32, #tpu.memory_space<vmem_shared>>) target_semaphore(%run_scoped3A : memref<!tpu.dma_semaphore, #tpu.memory_space<semaphore_mem>>)
      %dma_wait3A = arith.constant 0 : i32
      %dma_wait3A_90 = tpu.memref_slice %arg11[%add3A_11, %dma_wait3A] : memref<10240x128xf32, #tpu.memory_space<vmem_shared>> -> memref<128x128xf32, #tpu.memory_space<vmem_shared>>
      %dma_wait3A_91 = arith.constant 0 : i32
      %dma_wait3A_92 = tpu.memref_slice %arg11[%add3A_11, %dma_wait3A_91] : memref<10240x128xf32, #tpu.memory_space<vmem_shared>> -> memref<128x128xf32, #tpu.memory_space<vmem_shared>>
      tpu.wait_dma2 semaphore(%run_scoped3A : memref<!tpu.dma_semaphore, #tpu.memory_space<semaphore_mem>>) src(%arg9 : memref<128x128xf32, #tpu.memory_space<vmem>>) dst(%dma_wait3A_92 : memref<128x128xf32, #tpu.memory_space<vmem_shared>>)
      tpu.yield
    }) : () -> ()
    %mul3A_12 = arith.constant 640 : i32
    %mul3A_13 = arith.muli %arg1, %mul3A_12 : i32
    %add3A_14 = arith.constant 128 : i32
    %add3A_15 = arith.addi %mul3A_13, %add3A_14 : i32
    "tpu.region"() ({
      %run_scoped3A = tpu.sem_alloc : memref<!tpu.dma_semaphore, #tpu.memory_space<semaphore_mem>>
      %dma_start3A_86 = arith.constant 0 : i32
      %dma_start3A_87 = tpu.memref_slice %arg11[%add3A_15, %dma_start3A_86] : memref<10240x128xf32, #tpu.memory_space<vmem_shared>> -> memref<128x128xf32, #tpu.memory_space<vmem_shared>>
      %dma_start3A_88 = arith.constant 0 : i32
      %dma_start3A_89 = tpu.memref_slice %arg11[%add3A_15, %dma_start3A_88] : memref<10240x128xf32, #tpu.memory_space<vmem_shared>> -> memref<128x128xf32, #tpu.memory_space<vmem_shared>>
      tpu.enqueue_dma source(%arg9 : memref<128x128xf32, #tpu.memory_space<vmem>>) target(%dma_start3A_89 : memref<128x128xf32, #tpu.memory_space<vmem_shared>>) target_semaphore(%run_scoped3A : memref<!tpu.dma_semaphore, #tpu.memory_space<semaphore_mem>>)
      %dma_wait3A = arith.constant 0 : i32
      %dma_wait3A_90 = tpu.memref_slice %arg11[%add3A_15, %dma_wait3A] : memref<10240x128xf32, #tpu.memory_space<vmem_shared>> -> memref<128x128xf32, #tpu.memory_space<vmem_shared>>
      %dma_wait3A_91 = arith.constant 0 : i32
      %dma_wait3A_92 = tpu.memref_slice %arg11[%add3A_15, %dma_wait3A_91] : memref<10240x128xf32, #tpu.memory_space<vmem_shared>> -> memref<128x128xf32, #tpu.memory_space<vmem_shared>>
      tpu.wait_dma2 semaphore(%run_scoped3A : memref<!tpu.dma_semaphore, #tpu.memory_space<semaphore_mem>>) src(%arg9 : memref<128x128xf32, #tpu.memory_space<vmem>>) dst(%dma_wait3A_92 : memref<128x128xf32, #tpu.memory_space<vmem_shared>>)
      tpu.yield
    }) : () -> ()
    %mul3A_16 = arith.constant 640 : i32
    %mul3A_17 = arith.muli %arg1, %mul3A_16 : i32
    %add3A_18 = arith.constant 256 : i32
    %add3A_19 = arith.addi %mul3A_17, %add3A_18 : i32
    "tpu.region"() ({
      %run_scoped3A = tpu.sem_alloc : memref<!tpu.dma_semaphore, #tpu.memory_space<semaphore_mem>>
      %dma_start3A_86 = arith.constant 0 : i32
      %dma_start3A_87 = tpu.memref_slice %arg11[%add3A_19, %dma_start3A_86] : memref<10240x128xf32, #tpu.memory_space<vmem_shared>> -> memref<128x128xf32, #tpu.memory_space<vmem_shared>>
      %dma_start3A_88 = arith.constant 0 : i32
      %dma_start3A_89 = tpu.memref_slice %arg11[%add3A_19, %dma_start3A_88] : memref<10240x128xf32, #tpu.memory_space<vmem_shared>> -> memref<128x128xf32, #tpu.memory_space<vmem_shared>>
      tpu.enqueue_dma source(%arg9 : memref<128x128xf32, #tpu.memory_space<vmem>>) target(%dma_start3A_89 : memref<128x128xf32, #tpu.memory_space<vmem_shared>>) target_semaphore(%run_scoped3A : memref<!tpu.dma_semaphore, #tpu.memory_space<semaphore_mem>>)
      %dma_wait3A = arith.constant 0 : i32
      %dma_wait3A_90 = tpu.memref_slice %arg11[%add3A_19, %dma_wait3A] : memref<10240x128xf32, #tpu.memory_space<vmem_shared>> -> memref<128x128xf32, #tpu.memory_space<vmem_shared>>
      %dma_wait3A_91 = arith.constant 0 : i32
      %dma_wait3A_92 = tpu.memref_slice %arg11[%add3A_19, %dma_wait3A_91] : memref<10240x128xf32, #tpu.memory_space<vmem_shared>> -> memref<128x128xf32, #tpu.memory_space<vmem_shared>>
      tpu.wait_dma2 semaphore(%run_scoped3A : memref<!tpu.dma_semaphore, #tpu.memory_space<semaphore_mem>>) src(%arg9 : memref<128x128xf32, #tpu.memory_space<vmem>>) dst(%dma_wait3A_92 : memref<128x128xf32, #tpu.memory_space<vmem_shared>>)
      tpu.yield
    }) : () -> ()
    %mul3A_20 = arith.constant 640 : i32
    %mul3A_21 = arith.muli %arg1, %mul3A_20 : i32
    %add3A_22 = arith.constant 384 : i32
    %add3A_23 = arith.addi %mul3A_21, %add3A_22 : i32
    "tpu.region"() ({
      %run_scoped3A = tpu.sem_alloc : memref<!tpu.dma_semaphore, #tpu.memory_space<semaphore_mem>>
      %dma_start3A_86 = arith.constant 0 : i32
      %dma_start3A_87 = tpu.memref_slice %arg11[%add3A_23, %dma_start3A_86] : memref<10240x128xf32, #tpu.memory_space<vmem_shared>> -> memref<128x128xf32, #tpu.memory_space<vmem_shared>>
      %dma_start3A_88 = arith.constant 0 : i32
      %dma_start3A_89 = tpu.memref_slice %arg11[%add3A_23, %dma_start3A_88] : memref<10240x128xf32, #tpu.memory_space<vmem_shared>> -> memref<128x128xf32, #tpu.memory_space<vmem_shared>>
      tpu.enqueue_dma source(%arg9 : memref<128x128xf32, #tpu.memory_space<vmem>>) target(%dma_start3A_89 : memref<128x128xf32, #tpu.memory_space<vmem_shared>>) target_semaphore(%run_scoped3A : memref<!tpu.dma_semaphore, #tpu.memory_space<semaphore_mem>>)
      %dma_wait3A = arith.constant 0 : i32
      %dma_wait3A_90 = tpu.memref_slice %arg11[%add3A_23, %dma_wait3A] : memref<10240x128xf32, #tpu.memory_space<vmem_shared>> -> memref<128x128xf32, #tpu.memory_space<vmem_shared>>
      %dma_wait3A_91 = arith.constant 0 : i32
      %dma_wait3A_92 = tpu.memref_slice %arg11[%add3A_23, %dma_wait3A_91] : memref<10240x128xf32, #tpu.memory_space<vmem_shared>> -> memref<128x128xf32, #tpu.memory_space<vmem_shared>>
      tpu.wait_dma2 semaphore(%run_scoped3A : memref<!tpu.dma_semaphore, #tpu.memory_space<semaphore_mem>>) src(%arg9 : memref<128x128xf32, #tpu.memory_space<vmem>>) dst(%dma_wait3A_92 : memref<128x128xf32, #tpu.memory_space<vmem_shared>>)
      tpu.yield
    }) : () -> ()
    %mul3A_24 = arith.constant 640 : i32
    %mul3A_25 = arith.muli %arg1, %mul3A_24 : i32
    %add3A_26 = arith.constant 512 : i32
    %add3A_27 = arith.addi %mul3A_25, %add3A_26 : i32
    "tpu.region"() ({
      %run_scoped3A = tpu.sem_alloc : memref<!tpu.dma_semaphore, #tpu.memory_space<semaphore_mem>>
      %dma_start3A_86 = arith.constant 0 : i32
      %dma_start3A_87 = tpu.memref_slice %arg11[%add3A_27, %dma_start3A_86] : memref<10240x128xf32, #tpu.memory_space<vmem_shared>> -> memref<128x128xf32, #tpu.memory_space<vmem_shared>>
      %dma_start3A_88 = arith.constant 0 : i32
      %dma_start3A_89 = tpu.memref_slice %arg11[%add3A_27, %dma_start3A_88] : memref<10240x128xf32, #tpu.memory_space<vmem_shared>> -> memref<128x128xf32, #tpu.memory_space<vmem_shared>>
      tpu.enqueue_dma source(%arg9 : memref<128x128xf32, #tpu.memory_space<vmem>>) target(%dma_start3A_89 : memref<128x128xf32, #tpu.memory_space<vmem_shared>>) target_semaphore(%run_scoped3A : memref<!tpu.dma_semaphore, #tpu.memory_space<semaphore_mem>>)
      %dma_wait3A = arith.constant 0 : i32
      %dma_wait3A_90 = tpu.memref_slice %arg11[%add3A_27, %dma_wait3A] : memref<10240x128xf32, #tpu.memory_space<vmem_shared>> -> memref<128x128xf32, #tpu.memory_space<vmem_shared>>
      %dma_wait3A_91 = arith.constant 0 : i32
      %dma_wait3A_92 = tpu.memref_slice %arg11[%add3A_27, %dma_wait3A_91] : memref<10240x128xf32, #tpu.memory_space<vmem_shared>> -> memref<128x128xf32, #tpu.memory_space<vmem_shared>>
      tpu.wait_dma2 semaphore(%run_scoped3A : memref<!tpu.dma_semaphore, #tpu.memory_space<semaphore_mem>>) src(%arg9 : memref<128x128xf32, #tpu.memory_space<vmem>>) dst(%dma_wait3A_92 : memref<128x128xf32, #tpu.memory_space<vmem_shared>>)
      tpu.yield
    }) : () -> ()
    %barrier3A = arith.constant 0 : index
    tpu.barrier barrier_id(%barrier3A)
    %dma_start3A = arith.constant 0 : i32
    %dma_start3A_28 = arith.constant 0 : i32
    %dma_start3A_29 = tpu.memref_slice %arg6[%dma_start3A, %dma_start3A_28] : memref<80x128xi32, #tpu.memory_space<vmem>> -> memref<1x128xi32, #tpu.memory_space<vmem>>
    %dma_start3A_30 = tpu.memref_squeeze %dma_start3A_29 : memref<1x128xi32, #tpu.memory_space<vmem>> -> memref<128xi32, #tpu.memory_space<vmem>>
    %dma_start3A_31 = arith.constant 0 : i32
    %dma_start3A_32 = arith.constant 0 : i32
    %dma_start3A_33 = tpu.memref_slice %arg4[%dma_start3A_31, %dma_start3A_32] : memref<10240x128xf32, #tpu.memory_space<hbm>> -> memref<10240x128xf32, #tpu.memory_space<hbm>>
    tpu.enqueue_indirect_dma source(%dma_start3A_33 : memref<10240x128xf32, #tpu.memory_space<hbm>>) target(%arg9 : memref<128x128xf32, #tpu.memory_space<vmem>>) offsets(%dma_start3A_30 : memref<128xi32, #tpu.memory_space<vmem>>) semaphore(%arg12 : memref<!tpu.dma_semaphore, #tpu.memory_space<semaphore_mem>>)
    %dma_start3A_34 = arith.constant 0 : i32
    %dma_start3A_35 = tpu.memref_slice %arg3[%mul3A_2, %dma_start3A_34] : memref<2560x128xi32, #tpu.memory_space<hbm>> -> memref<1x128xi32, #tpu.memory_space<hbm>>
    %dma_start3A_36 = tpu.memref_squeeze %dma_start3A_35 : memref<1x128xi32, #tpu.memory_space<hbm>> -> memref<128xi32, #tpu.memory_space<hbm>>
    %dma_start3A_37 = arith.constant 0 : i32
    %dma_start3A_38 = tpu.memref_slice %arg3[%mul3A_2, %dma_start3A_37] : memref<2560x128xi32, #tpu.memory_space<hbm>> -> memref<1x128xi32, #tpu.memory_space<hbm>>
    %dma_start3A_39 = tpu.memref_squeeze %dma_start3A_38 : memref<1x128xi32, #tpu.memory_space<hbm>> -> memref<128xi32, #tpu.memory_space<hbm>>
    tpu.enqueue_dma source(%dma_start3A_39 : memref<128xi32, #tpu.memory_space<hbm>>) target(%arg7 : memref<128xi32, #tpu.memory_space<vmem>>) target_semaphore(%arg14 : memref<!tpu.dma_semaphore, #tpu.memory_space<semaphore_mem>>)
    %scan3A_40 = arith.constant 0 : i32
    %scan3A_41 = arith.constant 40 : i32
    %scan3A_42 = arith.addi %scan3A_40, %scan3A_41 : i32
    %scan3A_43 = arith.constant 1 : i32
    scf.for %scan3A_86 = %scan3A_40 to %scan3A_42 step %scan3A_43  : i32 {
      %mul3A_87 = arith.constant 2 : i32
      %mul3A_88 = arith.muli %scan3A_86, %mul3A_87 : i32
      %add3A_89 = arith.constant 0 : i32
      %add3A_90 = arith.addi %add3A_89, %mul3A_88 : i32
      %dma_wait3A = arith.constant 0 : i32
      %dma_wait3A_91 = tpu.memref_slice %arg6[%add3A_90, %dma_wait3A] : memref<80x128xi32, #tpu.memory_space<vmem>> -> memref<1x128xi32, #tpu.memory_space<vmem>>
      %dma_wait3A_92 = tpu.memref_squeeze %dma_wait3A_91 : memref<1x128xi32, #tpu.memory_space<vmem>> -> memref<128xi32, #tpu.memory_space<vmem>>
      %dma_wait3A_93 = arith.constant 0 : i32
      %dma_wait3A_94 = arith.constant 0 : i32
      %dma_wait3A_95 = tpu.memref_slice %arg4[%dma_wait3A_93, %dma_wait3A_94] : memref<10240x128xf32, #tpu.memory_space<hbm>> -> memref<10240x128xf32, #tpu.memory_space<hbm>>
      tpu.wait_indirect_dma semaphore(%arg12 : memref<!tpu.dma_semaphore, #tpu.memory_space<semaphore_mem>>) src(%dma_wait3A_95 : memref<10240x128xf32, #tpu.memory_space<hbm>>) dst(%arg9 : memref<128x128xf32, #tpu.memory_space<vmem>>)
      %add3A_96 = arith.addi %mul3A_2, %add3A_90 : i32
      %dma_wait3A_97 = arith.constant 0 : i32
      %dma_wait3A_98 = tpu.memref_slice %arg3[%add3A_96, %dma_wait3A_97] : memref<2560x128xi32, #tpu.memory_space<hbm>> -> memref<1x128xi32, #tpu.memory_space<hbm>>
      %dma_wait3A_99 = tpu.memref_squeeze %dma_wait3A_98 : memref<1x128xi32, #tpu.memory_space<hbm>> -> memref<128xi32, #tpu.memory_space<hbm>>
      %dma_wait3A_100 = arith.constant 0 : i32
      %dma_wait3A_101 = tpu.memref_slice %arg3[%add3A_96, %dma_wait3A_100] : memref<2560x128xi32, #tpu.memory_space<hbm>> -> memref<1x128xi32, #tpu.memory_space<hbm>>
      %dma_wait3A_102 = tpu.memref_squeeze %dma_wait3A_101 : memref<1x128xi32, #tpu.memory_space<hbm>> -> memref<128xi32, #tpu.memory_space<hbm>>
      tpu.wait_dma2 semaphore(%arg14 : memref<!tpu.dma_semaphore, #tpu.memory_space<semaphore_mem>>) src(%dma_wait3A_102 : memref<128xi32, #tpu.memory_space<hbm>>) dst(%arg7 : memref<128xi32, #tpu.memory_space<vmem>>)
      %add3A_103 = arith.constant 1 : i32
      %add3A_104 = arith.addi %add3A_90, %add3A_103 : i32
      %dma_start3A_105 = arith.constant 0 : i32
      %dma_start3A_106 = tpu.memref_slice %arg6[%add3A_104, %dma_start3A_105] : memref<80x128xi32, #tpu.memory_space<vmem>> -> memref<1x128xi32, #tpu.memory_space<vmem>>
      %dma_start3A_107 = tpu.memref_squeeze %dma_start3A_106 : memref<1x128xi32, #tpu.memory_space<vmem>> -> memref<128xi32, #tpu.memory_space<vmem>>
      %dma_start3A_108 = arith.constant 0 : i32
      %dma_start3A_109 = arith.constant 0 : i32
      %dma_start3A_110 = tpu.memref_slice %arg4[%dma_start3A_108, %dma_start3A_109] : memref<10240x128xf32, #tpu.memory_space<hbm>> -> memref<10240x128xf32, #tpu.memory_space<hbm>>
      tpu.enqueue_indirect_dma source(%dma_start3A_110 : memref<10240x128xf32, #tpu.memory_space<hbm>>) target(%arg10 : memref<128x128xf32, #tpu.memory_space<vmem>>) offsets(%dma_start3A_107 : memref<128xi32, #tpu.memory_space<vmem>>) semaphore(%arg13 : memref<!tpu.dma_semaphore, #tpu.memory_space<semaphore_mem>>)
      %add3A_111 = arith.addi %mul3A_2, %add3A_90 : i32
      %add3A_112 = arith.constant 1 : i32
      %add3A_113 = arith.addi %add3A_111, %add3A_112 : i32
      %dma_start3A_114 = arith.constant 0 : i32
      %dma_start3A_115 = tpu.memref_slice %arg3[%add3A_113, %dma_start3A_114] : memref<2560x128xi32, #tpu.memory_space<hbm>> -> memref<1x128xi32, #tpu.memory_space<hbm>>
      %dma_start3A_116 = tpu.memref_squeeze %dma_start3A_115 : memref<1x128xi32, #tpu.memory_space<hbm>> -> memref<128xi32, #tpu.memory_space<hbm>>
      %dma_start3A_117 = arith.constant 0 : i32
      %dma_start3A_118 = tpu.memref_slice %arg3[%add3A_113, %dma_start3A_117] : memref<2560x128xi32, #tpu.memory_space<hbm>> -> memref<1x128xi32, #tpu.memory_space<hbm>>
      %dma_start3A_119 = tpu.memref_squeeze %dma_start3A_118 : memref<1x128xi32, #tpu.memory_space<hbm>> -> memref<128xi32, #tpu.memory_space<hbm>>
      tpu.enqueue_dma source(%dma_start3A_119 : memref<128xi32, #tpu.memory_space<hbm>>) target(%arg8 : memref<128xi32, #tpu.memory_space<vmem>>) target_semaphore(%arg15 : memref<!tpu.dma_semaphore, #tpu.memory_space<semaphore_mem>>)
      "tpu.region"() ({
        %run_scoped3A = tpu.sem_alloc : memref<!tpu.dma_semaphore, #tpu.memory_space<semaphore_mem>>
        %dma_start3A_141 = arith.constant 0 : i32
        %dma_start3A_142 = arith.constant 0 : i32
        %dma_start3A_143 = tpu.memref_slice %arg11[%dma_start3A_141, %dma_start3A_142] : memref<10240x128xf32, #tpu.memory_space<vmem_shared>> -> memref<10240x128xf32, #tpu.memory_space<vmem_shared>>
        tpu.enqueue_indirect_dma source(%arg9 : memref<128x128xf32, #tpu.memory_space<vmem>>) target(%dma_start3A_143 : memref<10240x128xf32, #tpu.memory_space<vmem_shared>>) offsets(%arg7 : memref<128xi32, #tpu.memory_space<vmem>>) semaphore(%run_scoped3A : memref<!tpu.dma_semaphore, #tpu.memory_space<semaphore_mem>>) {add = true}
        %dma_wait3A_144 = arith.constant 0 : i32
        %dma_wait3A_145 = arith.constant 0 : i32
        %dma_wait3A_146 = tpu.memref_slice %arg11[%dma_wait3A_144, %dma_wait3A_145] : memref<10240x128xf32, #tpu.memory_space<vmem_shared>> -> memref<10240x128xf32, #tpu.memory_space<vmem_shared>>
        tpu.wait_indirect_dma semaphore(%run_scoped3A : memref<!tpu.dma_semaphore, #tpu.memory_space<semaphore_mem>>) src(%arg9 : memref<128x128xf32, #tpu.memory_space<vmem>>) dst(%dma_wait3A_146 : memref<10240x128xf32, #tpu.memory_space<vmem_shared>>)
        tpu.yield
      }) : () -> ()
      %add3A_120 = arith.constant 1 : i32
      %add3A_121 = arith.addi %add3A_90, %add3A_120 : i32
      %dma_wait3A_122 = arith.constant 0 : i32
      %dma_wait3A_123 = tpu.memref_slice %arg6[%add3A_121, %dma_wait3A_122] : memref<80x128xi32, #tpu.memory_space<vmem>> -> memref<1x128xi32, #tpu.memory_space<vmem>>
      %dma_wait3A_124 = tpu.memref_squeeze %dma_wait3A_123 : memref<1x128xi32, #tpu.memory_space<vmem>> -> memref<128xi32, #tpu.memory_space<vmem>>
      %dma_wait3A_125 = arith.constant 0 : i32
      %dma_wait3A_126 = arith.constant 0 : i32
      %dma_wait3A_127 = tpu.memref_slice %arg4[%dma_wait3A_125, %dma_wait3A_126] : memref<10240x128xf32, #tpu.memory_space<hbm>> -> memref<10240x128xf32, #tpu.memory_space<hbm>>
      tpu.wait_indirect_dma semaphore(%arg13 : memref<!tpu.dma_semaphore, #tpu.memory_space<semaphore_mem>>) src(%dma_wait3A_127 : memref<10240x128xf32, #tpu.memory_space<hbm>>) dst(%arg10 : memref<128x128xf32, #tpu.memory_space<vmem>>)
      %add3A_128 = arith.addi %mul3A_2, %add3A_90 : i32
      %add3A_129 = arith.constant 1 : i32
      %add3A_130 = arith.addi %add3A_128, %add3A_129 : i32
      %dma_wait3A_131 = arith.constant 0 : i32
      %dma_wait3A_132 = tpu.memref_slice %arg3[%add3A_130, %dma_wait3A_131] : memref<2560x128xi32, #tpu.memory_space<hbm>> -> memref<1x128xi32, #tpu.memory_space<hbm>>
      %dma_wait3A_133 = tpu.memref_squeeze %dma_wait3A_132 : memref<1x128xi32, #tpu.memory_space<hbm>> -> memref<128xi32, #tpu.memory_space<hbm>>
      %dma_wait3A_134 = arith.constant 0 : i32
      %dma_wait3A_135 = tpu.memref_slice %arg3[%add3A_130, %dma_wait3A_134] : memref<2560x128xi32, #tpu.memory_space<hbm>> -> memref<1x128xi32, #tpu.memory_space<hbm>>
      %dma_wait3A_136 = tpu.memref_squeeze %dma_wait3A_135 : memref<1x128xi32, #tpu.memory_space<hbm>> -> memref<128xi32, #tpu.memory_space<hbm>>
      tpu.wait_dma2 semaphore(%arg15 : memref<!tpu.dma_semaphore, #tpu.memory_space<semaphore_mem>>) src(%dma_wait3A_136 : memref<128xi32, #tpu.memory_space<hbm>>) dst(%arg8 : memref<128xi32, #tpu.memory_space<vmem>>)
      %add3A_137 = arith.constant 2 : i32
      %add3A_138 = arith.addi %add3A_90, %add3A_137 : i32
      %lt3A = arith.constant 80 : i32
      %lt3A_139 = arith.cmpi slt, %add3A_138, %lt3A : i32
      %convert_element_type3A = arith.extui %lt3A_139 : i1 to i32
      %cond3A = arith.constant 0 : i32
      %cond3A_140 = arith.cmpi ne, %convert_element_type3A, %cond3A : i32
      scf.if %cond3A_140 {
        %add3A_141 = arith.constant 2 : i32
        %add3A_142 = arith.addi %add3A_90, %add3A_141 : i32
        %dma_start3A_143 = arith.constant 0 : i32
        %dma_start3A_144 = tpu.memref_slice %arg6[%add3A_142, %dma_start3A_143] : memref<80x128xi32, #tpu.memory_space<vmem>> -> memref<1x128xi32, #tpu.memory_space<vmem>>
        %dma_start3A_145 = tpu.memref_squeeze %dma_start3A_144 : memref<1x128xi32, #tpu.memory_space<vmem>> -> memref<128xi32, #tpu.memory_space<vmem>>
        %dma_start3A_146 = arith.constant 0 : i32
        %dma_start3A_147 = arith.constant 0 : i32
        %dma_start3A_148 = tpu.memref_slice %arg4[%dma_start3A_146, %dma_start3A_147] : memref<10240x128xf32, #tpu.memory_space<hbm>> -> memref<10240x128xf32, #tpu.memory_space<hbm>>
        tpu.enqueue_indirect_dma source(%dma_start3A_148 : memref<10240x128xf32, #tpu.memory_space<hbm>>) target(%arg9 : memref<128x128xf32, #tpu.memory_space<vmem>>) offsets(%dma_start3A_145 : memref<128xi32, #tpu.memory_space<vmem>>) semaphore(%arg12 : memref<!tpu.dma_semaphore, #tpu.memory_space<semaphore_mem>>)
        %add3A_149 = arith.addi %mul3A_2, %add3A_90 : i32
        %add3A_150 = arith.constant 2 : i32
        %add3A_151 = arith.addi %add3A_149, %add3A_150 : i32
        %dma_start3A_152 = arith.constant 0 : i32
        %dma_start3A_153 = tpu.memref_slice %arg3[%add3A_151, %dma_start3A_152] : memref<2560x128xi32, #tpu.memory_space<hbm>> -> memref<1x128xi32, #tpu.memory_space<hbm>>
        %dma_start3A_154 = tpu.memref_squeeze %dma_start3A_153 : memref<1x128xi32, #tpu.memory_space<hbm>> -> memref<128xi32, #tpu.memory_space<hbm>>
        %dma_start3A_155 = arith.constant 0 : i32
        %dma_start3A_156 = tpu.memref_slice %arg3[%add3A_151, %dma_start3A_155] : memref<2560x128xi32, #tpu.memory_space<hbm>> -> memref<1x128xi32, #tpu.memory_space<hbm>>
        %dma_start3A_157 = tpu.memref_squeeze %dma_start3A_156 : memref<1x128xi32, #tpu.memory_space<hbm>> -> memref<128xi32, #tpu.memory_space<hbm>>
        tpu.enqueue_dma source(%dma_start3A_157 : memref<128xi32, #tpu.memory_space<hbm>>) target(%arg7 : memref<128xi32, #tpu.memory_space<vmem>>) target_semaphore(%arg14 : memref<!tpu.dma_semaphore, #tpu.memory_space<semaphore_mem>>)
      } else {
      }
      "tpu.region"() ({
        %run_scoped3A = tpu.sem_alloc : memref<!tpu.dma_semaphore, #tpu.memory_space<semaphore_mem>>
        %dma_start3A_141 = arith.constant 0 : i32
        %dma_start3A_142 = arith.constant 0 : i32
        %dma_start3A_143 = tpu.memref_slice %arg11[%dma_start3A_141, %dma_start3A_142] : memref<10240x128xf32, #tpu.memory_space<vmem_shared>> -> memref<10240x128xf32, #tpu.memory_space<vmem_shared>>
        tpu.enqueue_indirect_dma source(%arg10 : memref<128x128xf32, #tpu.memory_space<vmem>>) target(%dma_start3A_143 : memref<10240x128xf32, #tpu.memory_space<vmem_shared>>) offsets(%arg8 : memref<128xi32, #tpu.memory_space<vmem>>) semaphore(%run_scoped3A : memref<!tpu.dma_semaphore, #tpu.memory_space<semaphore_mem>>) {add = true}
        %dma_wait3A_144 = arith.constant 0 : i32
        %dma_wait3A_145 = arith.constant 0 : i32
        %dma_wait3A_146 = tpu.memref_slice %arg11[%dma_wait3A_144, %dma_wait3A_145] : memref<10240x128xf32, #tpu.memory_space<vmem_shared>> -> memref<10240x128xf32, #tpu.memory_space<vmem_shared>>
        tpu.wait_indirect_dma semaphore(%run_scoped3A : memref<!tpu.dma_semaphore, #tpu.memory_space<semaphore_mem>>) src(%arg10 : memref<128x128xf32, #tpu.memory_space<vmem>>) dst(%dma_wait3A_146 : memref<10240x128xf32, #tpu.memory_space<vmem_shared>>)
        tpu.yield
      }) : () -> ()
    }
    %scan3A_44 = arith.constant 40 : i32
    %barrier3A_45 = arith.constant 0 : index
    tpu.barrier barrier_id(%barrier3A_45)
    %mul3A_46 = arith.constant 640 : i32
    %mul3A_47 = arith.muli %arg1, %mul3A_46 : i32
    %add3A_48 = arith.constant 0 : i32
    %add3A_49 = arith.addi %mul3A_47, %add3A_48 : i32
    %mul3A_50 = arith.constant 640 : i32
    %mul3A_51 = arith.muli %arg1, %mul3A_50 : i32
    %add3A_52 = arith.constant 0 : i32
    %add3A_53 = arith.addi %mul3A_51, %add3A_52 : i32
    "tpu.region"() ({
      %run_scoped3A = tpu.sem_alloc : memref<!tpu.dma_semaphore, #tpu.memory_space<semaphore_mem>>
      %dma_start3A_86 = arith.constant 0 : i32
      %dma_start3A_87 = tpu.memref_slice %arg5[%arg0, %add3A_53, %dma_start3A_86] : memref<2x10240x128xf32, #tpu.memory_space<hbm>> -> memref<1x128x128xf32, #tpu.memory_space<hbm>>
      %dma_start3A_88 = tpu.memref_squeeze %dma_start3A_87 : memref<1x128x128xf32, #tpu.memory_space<hbm>> -> memref<128x128xf32, #tpu.memory_space<hbm>>
      %dma_start3A_89 = arith.constant 0 : i32
      %dma_start3A_90 = tpu.memref_slice %arg11[%add3A_49, %dma_start3A_89] : memref<10240x128xf32, #tpu.memory_space<vmem_shared>> -> memref<128x128xf32, #tpu.memory_space<vmem_shared>>
      tpu.enqueue_dma source(%dma_start3A_90 : memref<128x128xf32, #tpu.memory_space<vmem_shared>>) target(%dma_start3A_88 : memref<128x128xf32, #tpu.memory_space<hbm>>) target_semaphore(%run_scoped3A : memref<!tpu.dma_semaphore, #tpu.memory_space<semaphore_mem>>)
      %dma_wait3A = arith.constant 0 : i32
      %dma_wait3A_91 = tpu.memref_slice %arg5[%arg0, %add3A_53, %dma_wait3A] : memref<2x10240x128xf32, #tpu.memory_space<hbm>> -> memref<1x128x128xf32, #tpu.memory_space<hbm>>
      %dma_wait3A_92 = tpu.memref_squeeze %dma_wait3A_91 : memref<1x128x128xf32, #tpu.memory_space<hbm>> -> memref<128x128xf32, #tpu.memory_space<hbm>>
      %dma_wait3A_93 = arith.constant 0 : i32
      %dma_wait3A_94 = tpu.memref_slice %arg11[%add3A_49, %dma_wait3A_93] : memref<10240x128xf32, #tpu.memory_space<vmem_shared>> -> memref<128x128xf32, #tpu.memory_space<vmem_shared>>
      tpu.wait_dma2 semaphore(%run_scoped3A : memref<!tpu.dma_semaphore, #tpu.memory_space<semaphore_mem>>) src(%dma_wait3A_94 : memref<128x128xf32, #tpu.memory_space<vmem_shared>>) dst(%dma_wait3A_92 : memref<128x128xf32, #tpu.memory_space<hbm>>)
      tpu.yield
    }) : () -> ()
    %mul3A_54 = arith.constant 640 : i32
    %mul3A_55 = arith.muli %arg1, %mul3A_54 : i32
    %add3A_56 = arith.constant 128 : i32
    %add3A_57 = arith.addi %mul3A_55, %add3A_56 : i32
    %mul3A_58 = arith.constant 640 : i32
    %mul3A_59 = arith.muli %arg1, %mul3A_58 : i32
    %add3A_60 = arith.constant 128 : i32
    %add3A_61 = arith.addi %mul3A_59, %add3A_60 : i32
    "tpu.region"() ({
      %run_scoped3A = tpu.sem_alloc : memref<!tpu.dma_semaphore, #tpu.memory_space<semaphore_mem>>
      %dma_start3A_86 = arith.constant 0 : i32
      %dma_start3A_87 = tpu.memref_slice %arg5[%arg0, %add3A_61, %dma_start3A_86] : memref<2x10240x128xf32, #tpu.memory_space<hbm>> -> memref<1x128x128xf32, #tpu.memory_space<hbm>>
      %dma_start3A_88 = tpu.memref_squeeze %dma_start3A_87 : memref<1x128x128xf32, #tpu.memory_space<hbm>> -> memref<128x128xf32, #tpu.memory_space<hbm>>
      %dma_start3A_89 = arith.constant 0 : i32
      %dma_start3A_90 = tpu.memref_slice %arg11[%add3A_57, %dma_start3A_89] : memref<10240x128xf32, #tpu.memory_space<vmem_shared>> -> memref<128x128xf32, #tpu.memory_space<vmem_shared>>
      tpu.enqueue_dma source(%dma_start3A_90 : memref<128x128xf32, #tpu.memory_space<vmem_shared>>) target(%dma_start3A_88 : memref<128x128xf32, #tpu.memory_space<hbm>>) target_semaphore(%run_scoped3A : memref<!tpu.dma_semaphore, #tpu.memory_space<semaphore_mem>>)
      %dma_wait3A = arith.constant 0 : i32
      %dma_wait3A_91 = tpu.memref_slice %arg5[%arg0, %add3A_61, %dma_wait3A] : memref<2x10240x128xf32, #tpu.memory_space<hbm>> -> memref<1x128x128xf32, #tpu.memory_space<hbm>>
      %dma_wait3A_92 = tpu.memref_squeeze %dma_wait3A_91 : memref<1x128x128xf32, #tpu.memory_space<hbm>> -> memref<128x128xf32, #tpu.memory_space<hbm>>
      %dma_wait3A_93 = arith.constant 0 : i32
      %dma_wait3A_94 = tpu.memref_slice %arg11[%add3A_57, %dma_wait3A_93] : memref<10240x128xf32, #tpu.memory_space<vmem_shared>> -> memref<128x128xf32, #tpu.memory_space<vmem_shared>>
      tpu.wait_dma2 semaphore(%run_scoped3A : memref<!tpu.dma_semaphore, #tpu.memory_space<semaphore_mem>>) src(%dma_wait3A_94 : memref<128x128xf32, #tpu.memory_space<vmem_shared>>) dst(%dma_wait3A_92 : memref<128x128xf32, #tpu.memory_space<hbm>>)
      tpu.yield
    }) : () -> ()
    %mul3A_62 = arith.constant 640 : i32
    %mul3A_63 = arith.muli %arg1, %mul3A_62 : i32
    %add3A_64 = arith.constant 256 : i32
    %add3A_65 = arith.addi %mul3A_63, %add3A_64 : i32
    %mul3A_66 = arith.constant 640 : i32
    %mul3A_67 = arith.muli %arg1, %mul3A_66 : i32
    %add3A_68 = arith.constant 256 : i32
    %add3A_69 = arith.addi %mul3A_67, %add3A_68 : i32
    "tpu.region"() ({
      %run_scoped3A = tpu.sem_alloc : memref<!tpu.dma_semaphore, #tpu.memory_space<semaphore_mem>>
      %dma_start3A_86 = arith.constant 0 : i32
      %dma_start3A_87 = tpu.memref_slice %arg5[%arg0, %add3A_69, %dma_start3A_86] : memref<2x10240x128xf32, #tpu.memory_space<hbm>> -> memref<1x128x128xf32, #tpu.memory_space<hbm>>
      %dma_start3A_88 = tpu.memref_squeeze %dma_start3A_87 : memref<1x128x128xf32, #tpu.memory_space<hbm>> -> memref<128x128xf32, #tpu.memory_space<hbm>>
      %dma_start3A_89 = arith.constant 0 : i32
      %dma_start3A_90 = tpu.memref_slice %arg11[%add3A_65, %dma_start3A_89] : memref<10240x128xf32, #tpu.memory_space<vmem_shared>> -> memref<128x128xf32, #tpu.memory_space<vmem_shared>>
      tpu.enqueue_dma source(%dma_start3A_90 : memref<128x128xf32, #tpu.memory_space<vmem_shared>>) target(%dma_start3A_88 : memref<128x128xf32, #tpu.memory_space<hbm>>) target_semaphore(%run_scoped3A : memref<!tpu.dma_semaphore, #tpu.memory_space<semaphore_mem>>)
      %dma_wait3A = arith.constant 0 : i32
      %dma_wait3A_91 = tpu.memref_slice %arg5[%arg0, %add3A_69, %dma_wait3A] : memref<2x10240x128xf32, #tpu.memory_space<hbm>> -> memref<1x128x128xf32, #tpu.memory_space<hbm>>
      %dma_wait3A_92 = tpu.memref_squeeze %dma_wait3A_91 : memref<1x128x128xf32, #tpu.memory_space<hbm>> -> memref<128x128xf32, #tpu.memory_space<hbm>>
      %dma_wait3A_93 = arith.constant 0 : i32
      %dma_wait3A_94 = tpu.memref_slice %arg11[%add3A_65, %dma_wait3A_93] : memref<10240x128xf32, #tpu.memory_space<vmem_shared>> -> memref<128x128xf32, #tpu.memory_space<vmem_shared>>
      tpu.wait_dma2 semaphore(%run_scoped3A : memref<!tpu.dma_semaphore, #tpu.memory_space<semaphore_mem>>) src(%dma_wait3A_94 : memref<128x128xf32, #tpu.memory_space<vmem_shared>>) dst(%dma_wait3A_92 : memref<128x128xf32, #tpu.memory_space<hbm>>)
      tpu.yield
    }) : () -> ()
    %mul3A_70 = arith.constant 640 : i32
    %mul3A_71 = arith.muli %arg1, %mul3A_70 : i32
    %add3A_72 = arith.constant 384 : i32
    %add3A_73 = arith.addi %mul3A_71, %add3A_72 : i32
    %mul3A_74 = arith.constant 640 : i32
    %mul3A_75 = arith.muli %arg1, %mul3A_74 : i32
    %add3A_76 = arith.constant 384 : i32
    %add3A_77 = arith.addi %mul3A_75, %add3A_76 : i32
    "tpu.region"() ({
      %run_scoped3A = tpu.sem_alloc : memref<!tpu.dma_semaphore, #tpu.memory_space<semaphore_mem>>
      %dma_start3A_86 = arith.constant 0 : i32
      %dma_start3A_87 = tpu.memref_slice %arg5[%arg0, %add3A_77, %dma_start3A_86] : memref<2x10240x128xf32, #tpu.memory_space<hbm>> -> memref<1x128x128xf32, #tpu.memory_space<hbm>>
      %dma_start3A_88 = tpu.memref_squeeze %dma_start3A_87 : memref<1x128x128xf32, #tpu.memory_space<hbm>> -> memref<128x128xf32, #tpu.memory_space<hbm>>
      %dma_start3A_89 = arith.constant 0 : i32
      %dma_start3A_90 = tpu.memref_slice %arg11[%add3A_73, %dma_start3A_89] : memref<10240x128xf32, #tpu.memory_space<vmem_shared>> -> memref<128x128xf32, #tpu.memory_space<vmem_shared>>
      tpu.enqueue_dma source(%dma_start3A_90 : memref<128x128xf32, #tpu.memory_space<vmem_shared>>) target(%dma_start3A_88 : memref<128x128xf32, #tpu.memory_space<hbm>>) target_semaphore(%run_scoped3A : memref<!tpu.dma_semaphore, #tpu.memory_space<semaphore_mem>>)
      %dma_wait3A = arith.constant 0 : i32
      %dma_wait3A_91 = tpu.memref_slice %arg5[%arg0, %add3A_77, %dma_wait3A] : memref<2x10240x128xf32, #tpu.memory_space<hbm>> -> memref<1x128x128xf32, #tpu.memory_space<hbm>>
      %dma_wait3A_92 = tpu.memref_squeeze %dma_wait3A_91 : memref<1x128x128xf32, #tpu.memory_space<hbm>> -> memref<128x128xf32, #tpu.memory_space<hbm>>
      %dma_wait3A_93 = arith.constant 0 : i32
      %dma_wait3A_94 = tpu.memref_slice %arg11[%add3A_73, %dma_wait3A_93] : memref<10240x128xf32, #tpu.memory_space<vmem_shared>> -> memref<128x128xf32, #tpu.memory_space<vmem_shared>>
      tpu.wait_dma2 semaphore(%run_scoped3A : memref<!tpu.dma_semaphore, #tpu.memory_space<semaphore_mem>>) src(%dma_wait3A_94 : memref<128x128xf32, #tpu.memory_space<vmem_shared>>) dst(%dma_wait3A_92 : memref<128x128xf32, #tpu.memory_space<hbm>>)
      tpu.yield
    }) : () -> ()
    %mul3A_78 = arith.constant 640 : i32
    %mul3A_79 = arith.muli %arg1, %mul3A_78 : i32
    %add3A_80 = arith.constant 512 : i32
    %add3A_81 = arith.addi %mul3A_79, %add3A_80 : i32
    %mul3A_82 = arith.constant 640 : i32
    %mul3A_83 = arith.muli %arg1, %mul3A_82 : i32
    %add3A_84 = arith.constant 512 : i32
    %add3A_85 = arith.addi %mul3A_83, %add3A_84 : i32
    "tpu.region"() ({
      %run_scoped3A = tpu.sem_alloc : memref<!tpu.dma_semaphore, #tpu.memory_space<semaphore_mem>>
      %dma_start3A_86 = arith.constant 0 : i32
      %dma_start3A_87 = tpu.memref_slice %arg5[%arg0, %add3A_85, %dma_start3A_86] : memref<2x10240x128xf32, #tpu.memory_space<hbm>> -> memref<1x128x128xf32, #tpu.memory_space<hbm>>
      %dma_start3A_88 = tpu.memref_squeeze %dma_start3A_87 : memref<1x128x128xf32, #tpu.memory_space<hbm>> -> memref<128x128xf32, #tpu.memory_space<hbm>>
      %dma_start3A_89 = arith.constant 0 : i32
      %dma_start3A_90 = tpu.memref_slice %arg11[%add3A_81, %dma_start3A_89] : memref<10240x128xf32, #tpu.memory_space<vmem_shared>> -> memref<128x128xf32, #tpu.memory_space<vmem_shared>>
      tpu.enqueue_dma source(%dma_start3A_90 : memref<128x128xf32, #tpu.memory_space<vmem_shared>>) target(%dma_start3A_88 : memref<128x128xf32, #tpu.memory_space<hbm>>) target_semaphore(%run_scoped3A : memref<!tpu.dma_semaphore, #tpu.memory_space<semaphore_mem>>)
      %dma_wait3A = arith.constant 0 : i32
      %dma_wait3A_91 = tpu.memref_slice %arg5[%arg0, %add3A_85, %dma_wait3A] : memref<2x10240x128xf32, #tpu.memory_space<hbm>> -> memref<1x128x128xf32, #tpu.memory_space<hbm>>
      %dma_wait3A_92 = tpu.memref_squeeze %dma_wait3A_91 : memref<1x128x128xf32, #tpu.memory_space<hbm>> -> memref<128x128xf32, #tpu.memory_space<hbm>>
      %dma_wait3A_93 = arith.constant 0 : i32
      %dma_wait3A_94 = tpu.memref_slice %arg11[%add3A_81, %dma_wait3A_93] : memref<10240x128xf32, #tpu.memory_space<vmem_shared>> -> memref<128x128xf32, #tpu.memory_space<vmem_shared>>
      tpu.wait_dma2 semaphore(%run_scoped3A : memref<!tpu.dma_semaphore, #tpu.memory_space<semaphore_mem>>) src(%dma_wait3A_94 : memref<128x128xf32, #tpu.memory_space<vmem_shared>>) dst(%dma_wait3A_92 : memref<128x128xf32, #tpu.memory_space<hbm>>)
      tpu.yield
    }) : () -> ()
    return
  }
}

module attributes {stable_mosaic.version = 14 : i64} {
  func.func @body(%arg0: i32, %arg1: memref<2x1024x128xf32, #tpu.memory_space<vmem>>, %arg2: memref<1024x128xf32, #tpu.memory_space<vmem>>, %arg3: memref<1024x16xf32, #tpu.memory_space<vmem>>, %arg4: memref<1024x128xf32, #tpu.memory_space<vmem>>) attributes {dimension_semantics = [#tpu.dimension_semantics<arbitrary>], iteration_bounds = array<i64: 10>, scalar_prefetch = 0 : i64, scratch_operands = 0 : i64, tpu.core_type = #tpu.core_type<tc>, window_params = [{transform_indices = @transform_0, window_bounds = array<i64: 2, 1024, 128>}, {transform_indices = @transform_1, window_bounds = array<i64: 1024, 128>}, {transform_indices = @transform_2, window_bounds = array<i64: 1024, 16>}, {transform_indices = @transform_3, window_bounds = array<i64: 1024, 128>}]} {
    %get3A = arith.constant 0 : index
    %get3A_0 = arith.constant 0 : index
    %get3A_1 = arith.constant 0 : index
    %get3A_2 = vector.load %arg1[%get3A, %get3A_0, %get3A_1] : memref<2x1024x128xf32, #tpu.memory_space<vmem>>, vector<1x1024x128xf32>
    %get3A_3 = vector.shape_cast %get3A_2 : vector<1x1024x128xf32> to vector<1024x128xf32>
    %get3A_4 = arith.constant 1 : index
    %get3A_5 = arith.constant 0 : index
    %get3A_6 = arith.constant 0 : index
    %get3A_7 = vector.load %arg1[%get3A_4, %get3A_5, %get3A_6] : memref<2x1024x128xf32, #tpu.memory_space<vmem>>, vector<1x1024x128xf32>
    %get3A_8 = vector.shape_cast %get3A_7 : vector<1x1024x128xf32> to vector<1024x128xf32>
    %add3A = arith.addf %get3A_3, %get3A_8 : vector<1024x128xf32>
    %slice3A = vector.extract_strided_slice %add3A {offsets = [0, 0], sizes = [1024, 1], strides = [1, 1]} : vector<1024x128xf32> to vector<1024x1xf32>
    %max3A = arith.constant 1.000000e+00 : f32
    %max3A_9 = vector.broadcast %max3A : f32 to vector<1024x1xf32>
    %max3A_10 = arith.maximumf %slice3A, %max3A_9 : vector<1024x1xf32>
    %rsqrt3A = math.rsqrt %max3A_10 : vector<1024x1xf32>
    %broadcast_in_dim3A = vector.shape_cast %rsqrt3A : vector<1024x1xf32> to vector<1024x1xf32>
    %broadcast_in_dim3A_11 = vector.broadcast %broadcast_in_dim3A : vector<1024x1xf32> to vector<1024x16xf32>
    %swap3A = arith.constant 0 : index
    %swap3A_12 = arith.constant 0 : index
    %swap3A_13 = vector.load %arg3[%swap3A, %swap3A_12] : memref<1024x16xf32, #tpu.memory_space<vmem>>, vector<1024x16xf32>
    tpu.vector_store %arg3[%swap3A, %swap3A_12], %broadcast_in_dim3A_11 {strides = array<i32>} : memref<1024x16xf32, #tpu.memory_space<vmem>>, vector<1024x16xf32>,
    %get3A_14 = arith.constant 0 : index
    %get3A_15 = arith.constant 0 : index
    %get3A_16 = vector.load %arg2[%get3A_14, %get3A_15] : memref<1024x128xf32, #tpu.memory_space<vmem>>, vector<1024x128xf32>
    %mul3A = vector.broadcast %rsqrt3A : vector<1024x1xf32> to vector<1024x128xf32>
    %mul3A_17 = arith.mulf %get3A_16, %mul3A : vector<1024x128xf32>
    %swap3A_18 = arith.constant 0 : index
    %swap3A_19 = arith.constant 0 : index
    %swap3A_20 = vector.load %arg4[%swap3A_18, %swap3A_19] : memref<1024x128xf32, #tpu.memory_space<vmem>>, vector<1024x128xf32>
    tpu.vector_store %arg4[%swap3A_18, %swap3A_19], %mul3A_17 {strides = array<i32>} : memref<1024x128xf32, #tpu.memory_space<vmem>>, vector<1024x128xf32>,
    return
  }
  func.func @transform_0(%arg0: i32) -> (i32, i32, i32) {
    %c0_i32 = arith.constant 0 : i32
    %c0_i32_0 = arith.constant 0 : i32
    %c0_i32_1 = arith.constant 0 : i32
    return %c0_i32, %arg0, %c0_i32_0 : i32, i32, i32
  }
  func.func @transform_1(%arg0: i32) -> (i32, i32) {
    %c0_i32 = arith.constant 0 : i32
    %c0_i32_0 = arith.constant 0 : i32
    return %arg0, %c0_i32 : i32, i32
  }
  func.func @transform_2(%arg0: i32) -> (i32, i32) {
    %c0_i32 = arith.constant 0 : i32
    %c0_i32_0 = arith.constant 0 : i32
    return %arg0, %c0_i32 : i32, i32
  }
  func.func @transform_3(%arg0: i32) -> (i32, i32) {
    %c0_i32 = arith.constant 0 : i32
    %c0_i32_0 = arith.constant 0 : i32
    return %arg0, %c0_i32 : i32, i32
  }
}

module attributes {stable_mosaic.version = 14 : i64} {
  func.func @body(%arg0: i32, %arg1: memref<2x1024x128xf32, #tpu.memory_space<vmem>>, %arg2: memref<1024x16xf32, #tpu.memory_space<vmem>>, %arg3: memref<128x128xf32, #tpu.memory_space<vmem>>, %arg4: memref<1x128xf32, #tpu.memory_space<vmem>>, %arg5: memref<1024x128xf32, #tpu.memory_space<vmem>>) attributes {dimension_semantics = [#tpu.dimension_semantics<arbitrary>], iteration_bounds = array<i64: 10>, scalar_prefetch = 0 : i64, scratch_operands = 0 : i64, tpu.core_type = #tpu.core_type<tc>, window_params = [{transform_indices = @transform_0, window_bounds = array<i64: 2, 1024, 128>}, {transform_indices = @transform_1, window_bounds = array<i64: 1024, 16>}, {pipeline_mode = #tpu.pipeline_mode<synchronous>, transform_indices = @transform_2, window_bounds = array<i64: 128, 128>}, {pipeline_mode = #tpu.pipeline_mode<synchronous>, transform_indices = @transform_3, window_bounds = array<i64: 1, 128>}, {transform_indices = @transform_4, window_bounds = array<i64: 1024, 128>}]} {
    %get3A = arith.constant 0 : index
    %get3A_0 = arith.constant 0 : index
    %get3A_1 = vector.load %arg2[%get3A, %get3A_0] : memref<1024x16xf32, #tpu.memory_space<vmem>>, vector<1024x1xf32>
    %get3A_2 = arith.constant 0 : index
    %get3A_3 = arith.constant 0 : index
    %get3A_4 = arith.constant 0 : index
    %get3A_5 = vector.load %arg1[%get3A_2, %get3A_3, %get3A_4] : memref<2x1024x128xf32, #tpu.memory_space<vmem>>, vector<1x1024x128xf32>
    %get3A_6 = vector.shape_cast %get3A_5 : vector<1x1024x128xf32> to vector<1024x128xf32>
    %get3A_7 = arith.constant 1 : index
    %get3A_8 = arith.constant 0 : index
    %get3A_9 = arith.constant 0 : index
    %get3A_10 = vector.load %arg1[%get3A_7, %get3A_8, %get3A_9] : memref<2x1024x128xf32, #tpu.memory_space<vmem>>, vector<1x1024x128xf32>
    %get3A_11 = vector.shape_cast %get3A_10 : vector<1x1024x128xf32> to vector<1024x128xf32>
    %add3A = arith.addf %get3A_6, %get3A_11 : vector<1024x128xf32>
    %mul3A = vector.broadcast %get3A_1 : vector<1024x1xf32> to vector<1024x128xf32>
    %mul3A_12 = arith.mulf %add3A, %mul3A : vector<1024x128xf32>
    %get3A_13 = arith.constant 0 : index
    %get3A_14 = arith.constant 0 : index
    %get3A_15 = vector.load %arg3[%get3A_13, %get3A_14] : memref<128x128xf32, #tpu.memory_space<vmem>>, vector<128x128xf32>
    %dot_general3A = arith.constant dense<0.000000e+00> : vector<1024x128xf32>
    %dot_general3A_16 = tpu.matmul %mul3A_12, %get3A_15, %dot_general3A {dimension_numbers = #tpu.dot_dimension_numbers<[1], [0], [0], [1], [0, 0, 1, 1], [], []>, transpose_lhs_hint = false} : vector<1024x128xf32>, vector<128x128xf32>, vector<1024x128xf32> -> vector<1024x128xf32>
    %get3A_17 = arith.constant 0 : index
    %get3A_18 = arith.constant 0 : index
    %get3A_19 = vector.load %arg4[%get3A_17, %get3A_18] : memref<1x128xf32, #tpu.memory_space<vmem>>, vector<1x128xf32>
    %add3A_20 = vector.broadcast %get3A_19 : vector<1x128xf32> to vector<1024x128xf32>
    %add3A_21 = arith.addf %dot_general3A_16, %add3A_20 : vector<1024x128xf32>
    %max3A = arith.constant 0.000000e+00 : f32
    %max3A_22 = vector.broadcast %max3A : f32 to vector<1024x128xf32>
    %max3A_23 = arith.maximumf %add3A_21, %max3A_22 : vector<1024x128xf32>
    %mul3A_24 = vector.broadcast %get3A_1 : vector<1024x1xf32> to vector<1024x128xf32>
    %mul3A_25 = arith.mulf %max3A_23, %mul3A_24 : vector<1024x128xf32>
    %swap3A = arith.constant 0 : index
    %swap3A_26 = arith.constant 0 : index
    %swap3A_27 = vector.load %arg5[%swap3A, %swap3A_26] : memref<1024x128xf32, #tpu.memory_space<vmem>>, vector<1024x128xf32>
    tpu.vector_store %arg5[%swap3A, %swap3A_26], %mul3A_25 {strides = array<i32>} : memref<1024x128xf32, #tpu.memory_space<vmem>>, vector<1024x128xf32>,
    return
  }
  func.func @transform_0(%arg0: i32) -> (i32, i32, i32) {
    %c0_i32 = arith.constant 0 : i32
    %c0_i32_0 = arith.constant 0 : i32
    %c0_i32_1 = arith.constant 0 : i32
    return %c0_i32, %arg0, %c0_i32_0 : i32, i32, i32
  }
  func.func @transform_1(%arg0: i32) -> (i32, i32) {
    %c0_i32 = arith.constant 0 : i32
    %c0_i32_0 = arith.constant 0 : i32
    return %arg0, %c0_i32 : i32, i32
  }
  func.func @transform_2(%arg0: i32) -> (i32, i32) {
    %c0_i32 = arith.constant 0 : i32
    %c0_i32_0 = arith.constant 0 : i32
    %c0_i32_1 = arith.constant 0 : i32
    return %c0_i32, %c0_i32_0 : i32, i32
  }
  func.func @transform_3(%arg0: i32) -> (i32, i32) {
    %c0_i32 = arith.constant 0 : i32
    %c0_i32_0 = arith.constant 0 : i32
    %c0_i32_1 = arith.constant 0 : i32
    return %c0_i32, %c0_i32_0 : i32, i32
  }
  func.func @transform_4(%arg0: i32) -> (i32, i32) {
    %c0_i32 = arith.constant 0 : i32
    %c0_i32_0 = arith.constant 0 : i32
    return %arg0, %c0_i32 : i32, i32
  }
}

module attributes {stable_mosaic.version = 14 : i64} {
  func.func @body(%arg0: i32, %arg1: memref<2x1024x128xf32, #tpu.memory_space<vmem>>, %arg2: memref<1024x16xf32, #tpu.memory_space<vmem>>, %arg3: memref<128x128xf32, #tpu.memory_space<vmem>>, %arg4: memref<1x128xf32, #tpu.memory_space<vmem>>, %arg5: memref<128x128xf32, #tpu.memory_space<vmem>>, %arg6: memref<1024x128xf32, #tpu.memory_space<vmem>>) attributes {dimension_semantics = [#tpu.dimension_semantics<arbitrary>], iteration_bounds = array<i64: 10>, scalar_prefetch = 0 : i64, scratch_operands = 0 : i64, tpu.core_type = #tpu.core_type<tc>, window_params = [{transform_indices = @transform_0, window_bounds = array<i64: 2, 1024, 128>}, {transform_indices = @transform_1, window_bounds = array<i64: 1024, 16>}, {pipeline_mode = #tpu.pipeline_mode<synchronous>, transform_indices = @transform_2, window_bounds = array<i64: 128, 128>}, {pipeline_mode = #tpu.pipeline_mode<synchronous>, transform_indices = @transform_3, window_bounds = array<i64: 1, 128>}, {pipeline_mode = #tpu.pipeline_mode<synchronous>, transform_indices = @transform_4, window_bounds = array<i64: 128, 128>}, {transform_indices = @transform_5, window_bounds = array<i64: 1024, 128>}]} {
    %get3A = arith.constant 0 : index
    %get3A_0 = arith.constant 0 : index
    %get3A_1 = vector.load %arg2[%get3A, %get3A_0] : memref<1024x16xf32, #tpu.memory_space<vmem>>, vector<1024x1xf32>
    %get3A_2 = arith.constant 0 : index
    %get3A_3 = arith.constant 0 : index
    %get3A_4 = arith.constant 0 : index
    %get3A_5 = vector.load %arg1[%get3A_2, %get3A_3, %get3A_4] : memref<2x1024x128xf32, #tpu.memory_space<vmem>>, vector<1x1024x128xf32>
    %get3A_6 = vector.shape_cast %get3A_5 : vector<1x1024x128xf32> to vector<1024x128xf32>
    %get3A_7 = arith.constant 1 : index
    %get3A_8 = arith.constant 0 : index
    %get3A_9 = arith.constant 0 : index
    %get3A_10 = vector.load %arg1[%get3A_7, %get3A_8, %get3A_9] : memref<2x1024x128xf32, #tpu.memory_space<vmem>>, vector<1x1024x128xf32>
    %get3A_11 = vector.shape_cast %get3A_10 : vector<1x1024x128xf32> to vector<1024x128xf32>
    %add3A = arith.addf %get3A_6, %get3A_11 : vector<1024x128xf32>
    %mul3A = vector.broadcast %get3A_1 : vector<1024x1xf32> to vector<1024x128xf32>
    %mul3A_12 = arith.mulf %add3A, %mul3A : vector<1024x128xf32>
    %get3A_13 = arith.constant 0 : index
    %get3A_14 = arith.constant 0 : index
    %get3A_15 = vector.load %arg3[%get3A_13, %get3A_14] : memref<128x128xf32, #tpu.memory_space<vmem>>, vector<128x128xf32>
    %dot_general3A = arith.constant dense<0.000000e+00> : vector<1024x128xf32>
    %dot_general3A_16 = tpu.matmul %mul3A_12, %get3A_15, %dot_general3A {dimension_numbers = #tpu.dot_dimension_numbers<[1], [0], [0], [1], [0, 0, 1, 1], [], []>, transpose_lhs_hint = false} : vector<1024x128xf32>, vector<128x128xf32>, vector<1024x128xf32> -> vector<1024x128xf32>
    %get3A_17 = arith.constant 0 : index
    %get3A_18 = arith.constant 0 : index
    %get3A_19 = vector.load %arg4[%get3A_17, %get3A_18] : memref<1x128xf32, #tpu.memory_space<vmem>>, vector<1x128xf32>
    %add3A_20 = vector.broadcast %get3A_19 : vector<1x128xf32> to vector<1024x128xf32>
    %add3A_21 = arith.addf %dot_general3A_16, %add3A_20 : vector<1024x128xf32>
    %max3A = arith.constant 0.000000e+00 : f32
    %max3A_22 = vector.broadcast %max3A : f32 to vector<1024x128xf32>
    %max3A_23 = arith.maximumf %add3A_21, %max3A_22 : vector<1024x128xf32>
    %get3A_24 = arith.constant 0 : index
    %get3A_25 = arith.constant 0 : index
    %get3A_26 = vector.load %arg5[%get3A_24, %get3A_25] : memref<128x128xf32, #tpu.memory_space<vmem>>, vector<128x128xf32>
    %dot_general3A_27 = arith.constant dense<0.000000e+00> : vector<1024x128xf32>
    %dot_general3A_28 = tpu.matmul %max3A_23, %get3A_26, %dot_general3A_27 {dimension_numbers = #tpu.dot_dimension_numbers<[1], [0], [0], [1], [0, 0, 1, 1], [], []>, transpose_lhs_hint = false} : vector<1024x128xf32>, vector<128x128xf32>, vector<1024x128xf32> -> vector<1024x128xf32>
    %mul3A_29 = vector.broadcast %get3A_1 : vector<1024x1xf32> to vector<1024x128xf32>
    %mul3A_30 = arith.mulf %dot_general3A_28, %mul3A_29 : vector<1024x128xf32>
    %swap3A = arith.constant 0 : index
    %swap3A_31 = arith.constant 0 : index
    %swap3A_32 = vector.load %arg6[%swap3A, %swap3A_31] : memref<1024x128xf32, #tpu.memory_space<vmem>>, vector<1024x128xf32>
    tpu.vector_store %arg6[%swap3A, %swap3A_31], %mul3A_30 {strides = array<i32>} : memref<1024x128xf32, #tpu.memory_space<vmem>>, vector<1024x128xf32>,
    return
  }
  func.func @transform_0(%arg0: i32) -> (i32, i32, i32) {
    %c0_i32 = arith.constant 0 : i32
    %c0_i32_0 = arith.constant 0 : i32
    %c0_i32_1 = arith.constant 0 : i32
    return %c0_i32, %arg0, %c0_i32_0 : i32, i32, i32
  }
  func.func @transform_1(%arg0: i32) -> (i32, i32) {
    %c0_i32 = arith.constant 0 : i32
    %c0_i32_0 = arith.constant 0 : i32
    return %arg0, %c0_i32 : i32, i32
  }
  func.func @transform_2(%arg0: i32) -> (i32, i32) {
    %c0_i32 = arith.constant 0 : i32
    %c0_i32_0 = arith.constant 0 : i32
    %c0_i32_1 = arith.constant 0 : i32
    return %c0_i32, %c0_i32_0 : i32, i32
  }
  func.func @transform_3(%arg0: i32) -> (i32, i32) {
    %c0_i32 = arith.constant 0 : i32
    %c0_i32_0 = arith.constant 0 : i32
    %c0_i32_1 = arith.constant 0 : i32
    return %c0_i32, %c0_i32_0 : i32, i32
  }
  func.func @transform_4(%arg0: i32) -> (i32, i32) {
    %c0_i32 = arith.constant 0 : i32
    %c0_i32_0 = arith.constant 0 : i32
    %c0_i32_1 = arith.constant 0 : i32
    return %c0_i32, %c0_i32_0 : i32, i32
  }
  func.func @transform_5(%arg0: i32) -> (i32, i32) {
    %c0_i32 = arith.constant 0 : i32
    %c0_i32_0 = arith.constant 0 : i32
    return %arg0, %c0_i32 : i32, i32
  }
}

module attributes {stable_mosaic.version = 14 : i64} {
  func.func @body(%arg0: i32, %arg1: memref<2x1024x128xf32, #tpu.memory_space<vmem>>, %arg2: memref<1024x16xf32, #tpu.memory_space<vmem>>, %arg3: memref<1x16xf32, #tpu.memory_space<vmem>>, %arg4: memref<1024x16xf32, #tpu.memory_space<vmem>>) attributes {dimension_semantics = [#tpu.dimension_semantics<arbitrary>], iteration_bounds = array<i64: 10>, scalar_prefetch = 0 : i64, scratch_operands = 0 : i64, tpu.core_type = #tpu.core_type<tc>, window_params = [{transform_indices = @transform_0, window_bounds = array<i64: 2, 1024, 128>}, {transform_indices = @transform_1, window_bounds = array<i64: 1024, 16>}, {pipeline_mode = #tpu.pipeline_mode<synchronous>, transform_indices = @transform_2, window_bounds = array<i64: 1, 16>}, {transform_indices = @transform_3, window_bounds = array<i64: 1024, 16>}]} {
    %get3A = arith.constant 0 : index
    %get3A_0 = arith.constant 0 : index
    %get3A_1 = arith.constant 0 : index
    %get3A_2 = vector.load %arg1[%get3A, %get3A_0, %get3A_1] : memref<2x1024x128xf32, #tpu.memory_space<vmem>>, vector<1x1024x128xf32>
    %get3A_3 = vector.shape_cast %get3A_2 : vector<1x1024x128xf32> to vector<1024x128xf32>
    %get3A_4 = arith.constant 1 : index
    %get3A_5 = arith.constant 0 : index
    %get3A_6 = arith.constant 0 : index
    %get3A_7 = vector.load %arg1[%get3A_4, %get3A_5, %get3A_6] : memref<2x1024x128xf32, #tpu.memory_space<vmem>>, vector<1x1024x128xf32>
    %get3A_8 = vector.shape_cast %get3A_7 : vector<1x1024x128xf32> to vector<1024x128xf32>
    %add3A = arith.addf %get3A_3, %get3A_8 : vector<1024x128xf32>
    %slice3A = vector.extract_strided_slice %add3A {offsets = [0, 0], sizes = [1024, 16], strides = [1, 1]} : vector<1024x128xf32> to vector<1024x16xf32>
    %get3A_9 = arith.constant 0 : index
    %get3A_10 = arith.constant 0 : index
    %get3A_11 = vector.load %arg2[%get3A_9, %get3A_10] : memref<1024x16xf32, #tpu.memory_space<vmem>>, vector<1024x1xf32>
    %mul3A = vector.broadcast %get3A_11 : vector<1024x1xf32> to vector<1024x16xf32>
    %mul3A_12 = arith.mulf %slice3A, %mul3A : vector<1024x16xf32>
    %get3A_13 = arith.constant 0 : index
    %get3A_14 = arith.constant 0 : index
    %get3A_15 = vector.load %arg3[%get3A_13, %get3A_14] : memref<1x16xf32, #tpu.memory_space<vmem>>, vector<1x16xf32>
    %add3A_16 = vector.broadcast %get3A_15 : vector<1x16xf32> to vector<1024x16xf32>
    %add3A_17 = arith.addf %mul3A_12, %add3A_16 : vector<1024x16xf32>
    %swap3A = arith.constant 0 : index
    %swap3A_18 = arith.constant 0 : index
    %swap3A_19 = vector.load %arg4[%swap3A, %swap3A_18] : memref<1024x16xf32, #tpu.memory_space<vmem>>, vector<1024x16xf32>
    tpu.vector_store %arg4[%swap3A, %swap3A_18], %add3A_17 {strides = array<i32>} : memref<1024x16xf32, #tpu.memory_space<vmem>>, vector<1024x16xf32>,
    return
  }
  func.func @transform_0(%arg0: i32) -> (i32, i32, i32) {
    %c0_i32 = arith.constant 0 : i32
    %c0_i32_0 = arith.constant 0 : i32
    %c0_i32_1 = arith.constant 0 : i32
    return %c0_i32, %arg0, %c0_i32_0 : i32, i32, i32
  }
  func.func @transform_1(%arg0: i32) -> (i32, i32) {
    %c0_i32 = arith.constant 0 : i32
    %c0_i32_0 = arith.constant 0 : i32
    return %arg0, %c0_i32 : i32, i32
  }
  func.func @transform_2(%arg0: i32) -> (i32, i32) {
    %c0_i32 = arith.constant 0 : i32
    %c0_i32_0 = arith.constant 0 : i32
    %c0_i32_1 = arith.constant 0 : i32
    return %c0_i32, %c0_i32_0 : i32, i32
  }
  func.func @transform_3(%arg0: i32) -> (i32, i32) {
    %c0_i32 = arith.constant 0 : i32
    %c0_i32_0 = arith.constant 0 : i32
    return %arg0, %c0_i32 : i32, i32
  }
}

</mosaic_0001>

<sc_bundles>
// kernel: kernel.10.cloned.1.call-start
scs
__scs_entry_jumppad:
0x0: {  	(pc) =	sbr.rel $0x88, $3  }
0x1: {  	(tag) =	ssettag $0x0;
	lr =	simm.s32 $0x1  }
0x2: {  	[smem:$0x3F99] =	sst lr;
	_ =	strace $0xD0000000  }
0x3: {  	_ = 	snop  }
0x4: {  	_ = 	snop  }
0x5: {  	_ = 	snop  }
0x6: {  	_ = 	snop  }
0x7: {  	_ = 	snop  }
__scs_overlays_trampoline_lowered:
0x8: {  	[smem:$0x3FA8] =	sst s0  }
0x9: {  	[smem:$0x3FA9] =	sst s1  }
0xa: {  	[smem:$0x3FAA] =	sst s2  }
0xb: {  	[smem:$0x3FAB] =	sst s3  }
0xc: {  	[smem:$0x3FAC] =	sst s4  }
0xd: {  	[smem:$0x3FAD] =	sst s5  }
0xe: {  	[smem:$0x3FAE] =	sst s6  }
0xf: {  	[smem:$0x3FAF] =	sst s7  }
0x10: {  	[smem:$0x3FB0] =	sst s8  }
0x11: {  	[smem:$0x3FB1] =	sst s9;
	s0 =	simm.s32 @!p0 $0x0  }
0x12: {  	s1 =	sld [smem:$0x3F97];
	s0 =	simm.s32 @p0 $0x1  }
0x13: {  	[smem:$0x3FB2] =	sst s0;
	s0 =	simm.s32 @!p1 $0x0  }
0x14: {  	s2 =	sld [smem:$0x3F96];
	s0 =	simm.s32 @p1 $0x1  }
0x15: {  	[smem:$0x3FB3] =	sst s0;
	s0 =	simm.s32 @!p2 $0x0  }
0x16: {  	s3 =	sld [smem:$0x3FDB];
	s0 =	simm.s32 @p2 $0x1  }
0x17: {  	s4 =	simm.s32 $0x1BF5;
	[smem:$0x3FB5] =	sst s0  }
0x18: {  	s0 =	sld [smem:$0x3F98];
	_ =	swait.ge [sflag:s4], $0x0  }
0x19: {  	s7 =	sld [smem:$0x3F99]  }
0x1a: {  	s8 =	sadd.s32 $0xFFFFE003, lr  }
0x1b: {  	s9 =	sadd.s32 $0xFFFFFEF7, lr;
	s5 =	simm.s32 $0xFFFFFFFF;
	p2 =	slt.u32 s8, $0xFFFFF086  }
0x1c: {  	p1 =	slt.u32 s9, $0xF7A;
	s5 =	simm.s32 @!p2 $0x0  }
0x1d: {  	s5 =	simm.s32 @p1 $0x1;
	p0 =	seq.s32 s7, s2  }
0x1e: {  	s7 =	smul.u32 @!p0 $0xF7A, s2;
	p2 =	seq.s32 @!p0 s5, $0x0  }
0x1f: {  	s9 =	smul.u32 $0xF7A, s1;
	s8 =	simm.s32 @!p0 $0x1BF5;
	p2 =	por !p2, p0  }
0x20: {  	[sflag:s8] =	ssyncset.s32 @!p0 $0xFFFFF086;
	s6 =	sadd.s32 @!p0 s3, s7;
	s7 =	simm.s32 @!p0 $0x108  }
0x21: {  	s3 =	sadd.s32 s3, s9;
	s6 =	sadd.s32 @!p0 $0x88, s6;
	s7 =	simm.s32 @p2 $0x1082  }
0x22: {  	[simem:s7], [sflag:s8] =	dma.local @!p0 [hbm:s6], $0xF7A  }
0x23: {  	s9 =	sor.u32 $0xD0000000, s2;
	s6 =	simm.s32 $0x108;
	_ =	swait.ge @!p0 [sflag:s8], $0x0  }
0x24: {  	s3 =	sadd.s32 $0x88, s3;
	s6 =	simm.s32 @!p1 $0x1082;
	[sflag:s4] =	ssyncset.s32 $0xFFFFF086  }
0x25: {  	[simem:s6], [sflag:s4] =	dma.local [hbm:s3], $0xF7A  }
0x26: {  	[smem:$0x3F99] =	sst s1;
	(tag) =	ssettag s2;
	_ =	strace s9  }
0x27: {  	s1 =	sld [smem:$0x3FA9]  }
0x28: {  	s2 =	sld [smem:$0x3FAA]  }
0x29: {  	s4 =	sld [smem:$0x3FAC]  }
0x2a: {  	p0 =	seq.s32 s5, $0x0;
	s5 =	sld [smem:$0x3FAD]  }
0x2b: {  	s6 =	sld [smem:$0x3FAE]  }
0x2c: {  	s7 =	sld [smem:$0x3FAF]  }
0x2d: {  	s3 =	simm.s32 $0x108;
	s8 =	sld [smem:$0x3FB0]  }
0x2e: {  	s3 =	simm.s32 @!p0 $0x1082;
	s9 =	sld [smem:$0x3FB1]  }
0x2f: {  	lr =	sadd.s32 s0, s3;
	s0 =	sld [smem:$0x3FA8]  }
0x30: {  	s3 =	sld [smem:$0x3FAB]  }
0x31: {  	[smem:$0x3FB4] =	sst s10  }
0x32: {  	s10 =	sld [smem:$0x3FB2];
	_ =	sdelay $0x3  }
0x33: {  	p0 =	seq.s32 s10, $0x1;
	s10 =	sld [smem:$0x3FB4];
	_ =	sdelay $0x3  }
0x34: {  	[smem:$0x3FB4] =	sst s10  }
0x35: {  	s10 =	sld [smem:$0x3FB3];
	_ =	sdelay $0x3  }
0x36: {  	p1 =	seq.s32 s10, $0x1;
	s10 =	sld [smem:$0x3FB4];
	_ =	sdelay $0x3  }
0x37: {  	[smem:$0x3FB4] =	sst s10  }
0x38: {  	s10 =	sld [smem:$0x3FB5]  }
0x39: {  	_ = 	snop;
	(pc) =	sbr.ind lr, $3  }
0x3a: {  	_ = 	snop  }
0x3b: {  	_ = 	snop  }
0x3c: {  	p2 =	seq.s32 s10, $0x1;
	s10 =	sld [smem:$0x3FB4]  }
0x3d: {  	_ =	shalt  }
0x3e: {  	_ =	shalt  }
0x3f: {  	_ =	shalt  }
0x40: {  	_ =	shalt  }
0x41: {  	_ =	shalt  }
0x42: {  	_ =	shalt  }
0x43: {  	_ =	shalt  }
0x44: {  	_ =	shalt  }
0x45: {  	_ =	shalt  }
0x46: {  	_ =	shalt  }
0x47: {  	_ =	shalt  }
0x48: {  	_ =	shalt  }
0x49: {  	_ =	shalt  }
0x4a: {  	_ =	shalt  }
0x4b: {  	_ =	shalt  }
0x4c: {  	_ =	shalt  }
0x4d: {  	_ =	shalt  }
0x4e: {  	_ =	shalt  }
0x4f: {  	_ =	shalt  }
0x50: {  	_ =	shalt  }
0x51: {  	_ =	shalt  }
0x52: {  	_ =	shalt  }
0x53: {  	_ =	shalt  }
0x54: {  	_ =	shalt  }
0x55: {  	_ =	shalt  }
0x56: {  	_ =	shalt  }
0x57: {  	_ =	shalt  }
0x58: {  	_ =	shalt  }
0x59: {  	_ =	shalt  }
0x5a: {  	_ =	shalt  }
0x5b: {  	_ =	shalt  }
0x5c: {  	_ =	shalt  }
0x5d: {  	_ =	shalt  }
0x5e: {  	_ =	shalt  }
0x5f: {  	_ =	shalt  }
0x60: {  	_ =	shalt  }
0x61: {  	_ =	shalt  }
0x62: {  	_ =	shalt  }
0x63: {  	_ =	shalt  }
0x64: {  	_ =	shalt  }
0x65: {  	_ =	shalt  }
0x66: {  	_ =	shalt  }
0x67: {  	_ =	shalt  }
0x68: {  	_ =	shalt  }
0x69: {  	_ =	shalt  }
0x6a: {  	_ =	shalt  }
0x6b: {  	_ =	shalt  }
0x6c: {  	_ =	shalt  }
0x6d: {  	_ =	shalt  }
0x6e: {  	_ =	shalt  }
0x6f: {  	_ =	shalt  }
0x70: {  	_ =	shalt  }
0x71: {  	_ =	shalt  }
0x72: {  	_ =	shalt  }
0x73: {  	_ =	shalt  }
0x74: {  	_ =	shalt  }
0x75: {  	_ =	shalt  }
0x76: {  	_ =	shalt  }
0x77: {  	_ =	shalt  }
0x78: {  	_ =	shalt  }
0x79: {  	_ =	shalt  }
0x7a: {  	_ =	shalt  }
0x7b: {  	_ =	shalt  }
0x7c: {  	_ =	shalt  }
0x7d: {  	_ =	shalt  }
0x7e: {  	_ =	shalt  }
0x7f: {  	_ =	shalt  }
0x80: {  	_ =	shalt  }
0x81: {  	_ =	shalt  }
0x82: {  	_ =	shalt  }
0x83: {  	_ =	shalt  }
0x84: {  	_ =	shalt  }
0x85: {  	_ =	shalt  }
0x86: {  	_ =	shalt  }
0x87: {  	_ =	shalt  }
.Lfunc_end0:
.L_simem_size_0:
called_computation_lowered:
.L_overlay_start_0:
0x88: {  	s2 =	sld [smem:$0x3FD9]  }
0x89: {  	s3 =	sld [smem:$0x3FFE];
	_ =	sdelay $0x1  }
0x8a: {  	s1 =	srdreg.scid  }
0x8b: {  	s0 =	sand.u32 $0x1, s1  }
0x8c: {  	s16 =	sshll.u32 s0, $0xA;
	s2 =	sadd.s32 s3, s2  }
0x8d: {  	s2 =	sadd.s32 s2, s16  }
0x8e: {  	[smem:$0x3FC0] =	sst s2  }
0x8f: {  	_ = 	snop  }
0x90: {  	(tm) =	ssettm $0x1  }
0x91: {  	s17 =	sld [smem:$0x3FFB];
	_ =	sdelay $0x3  }
0x92: {  	_ =	strace s17  }
0x93: {  	s2 =	sld [smem:$0x3FFC];
	_ =	sdelay $0x3  }
0x94: {  	_ =	strace s2  }
0x95: {  	s2 =	sld [smem:$0x3FFD];
	_ =	sdelay $0x3  }
0x96: {  	_ =	strace s2  }
0x97: {  	_ =	strace $0x8FFFFFFF  }
0x98: {  	s18 =	sld [smem:$0x3FDB];
	_ =	sdelay $0x1  }
0x99: {  	s19 =	simm.s32 $_scs_section_size  }
0x9a: {  	s4 =	simm.s32 $_size__tile_overlayer_lowered;
	s5 =	simm.s32 $_tile_overlayer_lowered  }
0x9b: {  	s22 =	simm.s32 $0x1BFF;
	s21 =	sshll.u32 s5, $0x1;
	s2 =	sadd.s32 s19, s18  }
0x9c: {  	s6 =	simm.s32 $0x0;
	s20 =	sshll.u32 s4, $0x1;
	s4 =	sadd.s32 s21, s2  }
0x9d: {  	[timem:s6], [sflag:s22] =	dma.local [hbm:s4], s20  }
0x9e: {  	_ =	swait.ge [sflag:s22], s20  }
0x9f: {  	s3 =	ssub.s32 $0x0, s20;
	[sflag:s22] =	ssyncset.done $0x0  }
0xa0: {  	[sflag:s22] =	ssyncadd.s32 s3;
	_ =	sdelay $0x1  }
0xa1: {  	s23 =	simm.s32 $0x1B8B  }
0xa2: {  	_ =	swait.ge [sflag:s23], $0x1  }
0xa3: {  	[sflag:s23] =	ssyncset.done $0x0  }
0xa4: {  	s25 =	simm.s32 $0x1B8E;
	s24 =	sld [smem:$0x3FFE];
	[sflag:s23] =	ssyncadd.s32 $0xFFFFFFFF  }
0xa5: {  	s26 =	simm.s32 $execute0_lowered;
	[smem:$0x3FD2] =	sst s25  }
0xa6: {  	s4 =	sshll.u32 s26, $0x1;
	_ =	strace $0x80000046;
	[dreg:$0x1] =	wrdreg $0xFFFFFFFF  }
0xa7: {  	s28 =	simm.s32 $_size_execute0_lowered;
	s2 =	sadd.s32 s2, s4;
	[dreg:$0x0] =	wrdreg $0x0  }
0xa8: {  	s4 =	sshll.u32 s28, $0x1;
	[dreg:$0x2] =	wrdreg s2  }
0xa9: {  	[dreg:$0x3] =	wrdreg s4  }
0xaa: {  	[dreg:$0x4] =	wrdreg $0xC0  }
0xab: {  	_ =	task [dreg:s6], $0x5FFFF  }
0xac: {  	[dreg:$0x1] =	wrdreg $0xFFFFFFFF  }
0xad: {  	[dreg:$0x0] =	wrdreg $0x60  }
0xae: {  	[dreg:$0x2] =	wrdreg s24  }
0xaf: {  	[dreg:$0x3] =	wrdreg $0x40800  }
0xb0: {  	[dreg:$0x4] =	wrdreg $0x9  }
0xb1: {  	_ =	task.clear_ibuf [dreg:s6], $0x5FFFF;
	_ =	strace $0x90000046  }
0xb2: {  	s29 =	simm.s32 $0x9;
	_ =	strace $0x80000048  }
0xb3: {  	_ =	swait.ge [sflag:s29], $0x1  }
0xb4: {  	[sflag:s29] =	ssyncadd.s32 $0xFFFFFFFF  }
0xb5: {  	_ =	strace $0x90000048  }
0xb6: {  	_ =	sfence  }
0xb7: {  	s30 =	sld [smem:$0x0];
	_ =	sdelay $0x2  }
0xb8: {  	s31 =	sshll.u32 s1, $0xD;
	s1 =	sshrl.u32 s1, $0x2  }
0xb9: {  	s3 =	sand.u32 $0x4000, s31;
	s1 =	sadd.s32 s1, s30  }
0xba: {  	s0 =	sor.u32 s3, s0;
	s1 =	sshll.u32 s1, $0x11  }
0xbb: {  	s0 =	sor.u32 s1, s0  }
0xbc: {  	s0 =	sadd.s32 $0x8F2B, s0  }
0xbd: {  	[sflag:s0] =	ssyncadd.remote.s32 $0x1  }
0xbe: {  	_ =	sfence.sel $0xFFFF  }
0xbf: {  	[dreg:$0x0] =	wrdreg $0xFFFFFFFF;
	(pc) =	sbr.abs _section_cstart, $3  }
0xc0: {  	[dreg:$0x1] =	wrdreg $0xFFFFFFFF  }
0xc1: {  	_ =	task.clear_ibuf [dreg:s6], $0x2FFFF;
	_ =	strace $0x9FFFFFFF  }
0xc2: {  	(tm) =	ssettm $0x7FFFFFFF  }
0xc3: {  	_ =	shalt  }
tec
execute0_lowered:
.L_overlay_start_1:
0x0: {  	(tag) =	ssettag $0x1  }
0x1: {  	s5 =	rddreg [dreg:$0x0]  }
0x2: {  	s1 =	rddreg [dreg:$0x1]  }
0x3: {  	s0 =	rddreg [dreg:$0x2];
	s2 =	stileid.u32  }
0x4: {  	s3 =	simm.s32 $0x0;
	s4 =	srdreg.scid;
	s6 =	smul.u32 $0x50000, s2  }
0x5: {  	[smem:$0x7FF] =	sst s3;
	s12 =	sand.u32 $0x1, s4;
	s9 =	smul.u32 $0x14000, s2  }
0x6: {  	s4 =	sadd.s32 $0x2C00, s5;
	s14 =	sadd.s32 $0x16C00, s5;
	s29 =	smul.u32 $0xA00, s2  }
0x7: {  	_ =	strace $0x80000047;
	s7 =	ssub.s32 $0x2, s12;
	s17 =	smul.u32 $0x140000, s12  }
0x8: {  	s30 =	smul.u32 $0x500, s12;
	s28 =	sshrl.u32 s7, $0x1;
	s6 =	sshrl.u32 s6, $0x2  }
0x9: {  	s10 =	sadd.s32 $0x4000, s9;
	s13 =	sadd.s32 $0x8000, s9;
	s16 =	sadd.s32 $0xC000, s9  }
0xa: {  	s18 =	sadd.s32 $0x10000, s9;
	s15 =	ssub.s32 s7, s28;
	s5 =	sadd.s32 s6, s1  }
0xb: {  	s6 =	sadd.s32 s10, s1;
	s7 =	sadd.s32 s13, s1;
	s8 =	sadd.s32 s16, s1  }
0xc: {  	s11 =	sadd.s32 s9, s17;
	s10 =	sadd.s32 s17, s10;
	s9 =	sadd.s32 s18, s1  }
0xd: {  	s13 =	sadd.s32 s17, s13;
	s16 =	sadd.s32 s17, s16;
	s17 =	sadd.s32 s17, s18  }
0xe: {  	s18 =	simm.s32 $0x1;
	s11 =	sshrl.u32 s11, $0x3;
	s19 =	sshrl.u32 s10, $0x3  }
0xf: {  	s13 =	sshrl.u32 s13, $0x3;
	s16 =	sshrl.u32 s16, $0x3;
	s31 =	sshrl.u32 s17, $0x3  }
0x10: {  	s15 =	smax.u32 s15, $0x1;
	s17 =	simm.s32 $0x80;
	s10 =	sadd.s32 s14, s11  }
0x11: {  	s11 =	sadd.s32 s14, s19;
	s12 =	sadd.s32 s14, s13;
	s13 =	sadd.s32 s14, s16  }
0x12: {  	v0 =	vimm.f32 $0.0e+00;
	v1 =	vimm.f32 $1.000000000e+00;
	s14 =	sadd.s32 s14, s31;
	s16 =	sadd.s32 s30, s29;
	s19 =	simm.s32 $0x0  }
.LBB2_1:
0x13: {  	s20 =	simm.s32 $0x0;
	s21 =	simm.s32 $0x200  }
.LBB2_2:
0x14: {  	p0 =	sne.s32 s21, $0xFE00;
	[tilespmem:s20+$0xF0] =	vst v0  }
0x15: {  	[tilespmem:s20+$0x80] =	vst v0  }
0x16: {  	[tilespmem:s20+$0x90] =	vst v0  }
.Ltmp0:
0x17: {  	[tilespmem:s20+$0xA0] =	vst v0;
	(pc) =	sbr.rel @p0 .LBB2_2-.Ltmp0, $4  }
0x18: {  	[tilespmem:s20+$0xB0] =	vst v0  }
0x19: {  	[tilespmem:s20+$0xC0] =	vst v0  }
0x1a: {  	[tilespmem:s20+$0xD0] =	vst v0  }
0x1b: {  	[tilespmem:s20+$0xE0] =	vst v0;
	s20 =	sshra.s32 s21, $0x2;
	s21 =	sadd.s32 $0x200, s21  }
0x1c: {  	[tilespmem:s20+$0xF0] =	vst v0  }
0x1d: {  	[tilespmem:s20+$0x80] =	vst v0  }
0x1e: {  	[tilespmem:s20+$0x90] =	vst v0  }
0x1f: {  	[tilespmem:s20+$0xA0] =	vst v0  }
0x20: {  	[tilespmem:s20+$0xB0] =	vst v0  }
0x21: {  	[tilespmem:s20+$0xC0] =	vst v0  }
0x22: {  	[tilespmem:s20+$0xD0] =	vst v0  }
0x23: {  	[tilespmem:s20+$0xE0] =	vst v0  }
0x24: {  	[spmem:s5] =	stream.linear.scatter [tilespmem:s17], [sflag:$0x1], $0x4000, $0x38;
	[tilespmem:$0x18080] =	vst v63  }
0x25: {  	_ =	swait.ge [sflag:s18], $0x4000  }
0x26: {  	[sflag:s18] =	ssyncset.done $0x0  }
0x27: {  	[sflag:s18] =	ssyncadd.s32 $0xFFFFC000  }
0x28: {  	[spmem:s6] =	stream.linear.scatter [tilespmem:s17], [sflag:$0x1], $0x4000, $0x38;
	[tilespmem:$0x18080] =	vst v63  }
0x29: {  	_ =	swait.ge [sflag:s18], $0x4000  }
0x2a: {  	[sflag:s18] =	ssyncset.done $0x0  }
0x2b: {  	[sflag:s18] =	ssyncadd.s32 $0xFFFFC000  }
0x2c: {  	[spmem:s7] =	stream.linear.scatter [tilespmem:s17], [sflag:$0x1], $0x4000, $0x38;
	[tilespmem:$0x18080] =	vst v63  }
0x2d: {  	_ =	swait.ge [sflag:s18], $0x4000  }
0x2e: {  	[sflag:s18] =	ssyncset.done $0x0  }
0x2f: {  	[sflag:s18] =	ssyncadd.s32 $0xFFFFC000  }
0x30: {  	[spmem:s8] =	stream.linear.scatter [tilespmem:s17], [sflag:$0x1], $0x4000, $0x38;
	[tilespmem:$0x18080] =	vst v63  }
0x31: {  	_ =	swait.ge [sflag:s18], $0x4000  }
0x32: {  	[sflag:s18] =	ssyncset.done $0x0  }
0x33: {  	[sflag:s18] =	ssyncadd.s32 $0xFFFFC000  }
0x34: {  	[spmem:s9] =	stream.linear.scatter [tilespmem:s17], [sflag:$0x1], $0x4000, $0x38;
	[tilespmem:$0x18080] =	vst v63  }
0x35: {  	_ =	swait.ge [sflag:s18], $0x4000  }
0x36: {  	[sflag:s18] =	ssyncset.done $0x0  }
0x37: {  	s21 =	simm.s32 $0x0;
	[sflag:s18] =	ssyncadd.s32 $0xFFFFC000  }
0x38: {  	s20 =	simm.s32 $0x0;
	s22 =	simm.s32 $0x200;
	[bflag:$0x0] =	sbarrier.arrive $0xFFFF  }
.LBB2_4:
0x39: {  	p0 =	sne.s32 s22, $0xFE00;
	[tilespmem:s20+$0xF0] =	vst v1  }
0x3a: {  	[tilespmem:s20+$0x80] =	vst v1  }
0x3b: {  	[tilespmem:s20+$0x90] =	vst v1  }
.Ltmp1:
0x3c: {  	[tilespmem:s20+$0xA0] =	vst v1;
	(pc) =	sbr.rel @p0 .LBB2_4-.Ltmp1, $4  }
0x3d: {  	[tilespmem:s20+$0xB0] =	vst v1  }
0x3e: {  	[tilespmem:s20+$0xC0] =	vst v1  }
0x3f: {  	[tilespmem:s20+$0xD0] =	vst v1  }
0x40: {  	[tilespmem:s20+$0xE0] =	vst v1;
	s20 =	sshra.s32 s22, $0x2;
	s22 =	sadd.s32 $0x200, s22  }
0x41: {  	[tilespmem:s20+$0xF0] =	vst v1  }
0x42: {  	[tilespmem:s20+$0x80] =	vst v1  }
0x43: {  	[tilespmem:s20+$0x90] =	vst v1  }
0x44: {  	[tilespmem:s20+$0xA0] =	vst v1  }
0x45: {  	[tilespmem:s20+$0xB0] =	vst v1  }
0x46: {  	[tilespmem:s20+$0xC0] =	vst v1;
	s22 =	sadd.s32 $0x0, s16;
	s21 =	sand.u32 $0x70, s21  }
0x47: {  	[tilespmem:s20+$0xD0] =	vst v1;
	s22 =	sand.u32 $0xFFFFF80, s22;
	s21 =	sadd.s32 s4, s21  }
0x48: {  	[tilespmem:s20+$0xE0] =	vst v1;
	s29 =	sadd.s32 s22, s21  }
0x49: {  	[tilespmem:s3], [sflag:$0x1] =	stream.linear.gather [hbm4b:s29+s3], $0x80, $0x38;
	[tilespmem:$0x18080] =	vst v63  }
0x4a: {  	_ =	swait.ge [sflag:s18], $0x80  }
0x4b: {  	[sflag:s18] =	ssyncset.done $0x0  }
0x4c: {  	s30 =	simm.s32 $0x10;
	s20 =	simm.s32 $0x20;
	[sflag:s18] =	ssyncadd.s32 $0xFFFFFF80  }
0x4d: {  	[spmem:s1] =	stream.indirect.scatter.add.f32 [tilespmem:s17], [sflag:$0x1], $0x80, s3, s17, $0xb8;
	[tilespmem:$0x18080] =	vst v63  }
0x4e: {  	s31 =	sadd.s32 $0x10, s16;
	s23 =	sand.u32 $0x70, s30;
	_ =	swait.ge [sflag:s18], $0x4000  }
0x4f: {  	s21 =	sand.u32 $0xFFFFF80, s31;
	s22 =	sadd.s32 s4, s23;
	[sflag:s18] =	ssyncset.done $0x0  }
.LBB2_6:
0x50: {  	s21 =	sadd.s32 s21, s22  }
0x51: {  	[sflag:s18] =	ssyncadd.s32 $0xFFFFC000;
	s22 =	smov.u32 s20;
	s23 =	sadd.s32 $0x10, s20  }
0x52: {  	[tilespmem:s3], [sflag:$0x1] =	stream.linear.gather [hbm4b:s21+s3], $0x80, $0x38;
	[tilespmem:$0x18080] =	vst v63  }
0x53: {  	p0 =	sne.s32 s20, $0x4F0;
	_ =	swait.ge [sflag:s18], $0x80  }
.Ltmp2:
0x54: {  	[sflag:s18] =	ssyncset.done $0x0;
	(pc) =	sbr.rel @p0 .LBB2_6-.Ltmp2, $4  }
0x55: {  	s20 =	sadd.s32 s22, s16;
	[sflag:s18] =	ssyncadd.s32 $0xFFFFFF80  }
0x56: {  	[spmem:s1] =	stream.indirect.scatter.add.f32 [tilespmem:s17], [sflag:$0x1], $0x80, s3, s17, $0xb8;
	[tilespmem:$0x18080] =	vst v63  }
0x57: {  	s22 =	sand.u32 $0x70, s22;
	s21 =	sand.u32 $0xFFFFF80, s20;
	_ =	swait.ge [sflag:s18], $0x4000  }
0x58: {  	s22 =	sadd.s32 s4, s22;
	s20 =	smov.u32 s23;
	[sflag:s18] =	ssyncset.done $0x0  }
0x59: {  	s20 =	sadd.s32 s21, s22;
	[sflag:s18] =	ssyncadd.s32 $0xFFFFC000  }
0x5a: {  	[tilespmem:s3], [sflag:$0x1] =	stream.linear.gather [hbm4b:s20+s3], $0x80, $0x38;
	[tilespmem:$0x18080] =	vst v63  }
0x5b: {  	_ =	swait.ge [sflag:s18], $0x80  }
0x5c: {  	[sflag:s18] =	ssyncset.done $0x0  }
0x5d: {  	[sflag:s18] =	ssyncadd.s32 $0xFFFFFF80  }
0x5e: {  	[spmem:s1] =	stream.indirect.scatter.add.f32 [tilespmem:s17], [sflag:$0x1], $0x80, s3, s17, $0xb8;
	[tilespmem:$0x18080] =	vst v63  }
0x5f: {  	_ =	swait.ge [sflag:s18], $0x4000  }
0x60: {  	[sflag:s18] =	ssyncset.done $0x0  }
0x61: {  	s25 =	sshll.u32 s2, $0x6;
	[sflag:s18] =	ssyncadd.s32 $0xFFFFC000  }
0x62: {  	s26 =	sshrl.u32 s5, $0x3;
	s20 =	sor.u32 $0x1C01, s25;
	[bflag:$0x0] =	sbarrier.arrive $0xFFFF  }
0x63: {  	[hbm:s10], [sflag:s20] =	dma.local [spmem:s26], $0x800  }
0x64: {  	_ =	swait.ge [sflag:s18], $0x800  }
0x65: {  	[sflag:s18] =	ssyncset.done $0x0  }
0x66: {  	s28 =	sshrl.u32 s6, $0x3;
	[sflag:s18] =	ssyncadd.s32 $0xFFFFF800  }
0x67: {  	[hbm:s11], [sflag:s20] =	dma.local [spmem:s28], $0x800  }
0x68: {  	_ =	swait.ge [sflag:s18], $0x800  }
0x69: {  	[sflag:s18] =	ssyncset.done $0x0  }
0x6a: {  	s29 =	sshrl.u32 s7, $0x3;
	[sflag:s18] =	ssyncadd.s32 $0xFFFFF800  }
0x6b: {  	[hbm:s12], [sflag:s20] =	dma.local [spmem:s29], $0x800  }
0x6c: {  	_ =	swait.ge [sflag:s18], $0x800  }
0x6d: {  	[sflag:s18] =	ssyncset.done $0x0  }
0x6e: {  	s30 =	sshrl.u32 s8, $0x3;
	[sflag:s18] =	ssyncadd.s32 $0xFFFFF800  }
0x6f: {  	[hbm:s13], [sflag:s20] =	dma.local [spmem:s30], $0x800  }
0x70: {  	s19 =	sadd.s32 $0x1, s19;
	_ =	swait.ge [sflag:s18], $0x800  }
0x71: {  	p0 =	sne.s32 s19, s15;
	[sflag:s18] =	ssyncset.done $0x0  }
.Ltmp3:
0x72: {  	s31 =	sshrl.u32 s9, $0x3;
	[sflag:s18] =	ssyncadd.s32 $0xFFFFF800;
	(pc) =	sbr.rel @p0 .LBB2_1-.Ltmp3, $4  }
0x73: {  	[hbm:s14], [sflag:s20] =	dma.local [spmem:s31], $0x800  }
0x74: {  	_ =	swait.ge [sflag:s18], $0x800  }
0x75: {  	[sflag:s18] =	ssyncset.done $0x0  }
0x76: {  	[sflag:s18] =	ssyncadd.s32 $0xFFFFF800  }
0x77: {  	_ =	sfence.sel $0x180000  }
0x78: {  	[bflag:$0x0] =	sbarrier.arrive $0xFFFF  }
0x79: {  	p0 =	sne.s32 s2, $0x0;
	_ =	strace $0x90000047  }
0x7a: {  	s0 =	sadd.s32 @!p0 $0x100000, s0;
	[bflag:$0x2] =	sbarrier.arrive $0xFFFF  }
0x7b: {  	[sflag:s0] =	ssyncadd.tile.s32 @!p0 $0x1;
	_ =	shalt  }
.Lfunc_end2:
_tile_overlayer_lowered:
.L_overlay_start_2:
0x7c: {  	(tag) =	ssettag $0x2  }
0x7d: {  	s0 =	rddreg [dreg:$0x0];
	s2 =	stileid.u32  }
0x7e: {  	s1 =	rddreg [dreg:$0x1];
	p0 =	sne.s32 s2, $0x0  }
0x7f: {  	s3 =	rddreg [dreg:$0x2];
	[bflag:$0x3] =	sbarrier.arrive $0xFFFF;
	s2 =	simm.s32 @!p0 $0x1C01  }
0x80: {  	[timem:s3], [sflag:s2] =	dma.local @!p0 [hbm:s0], s1  }
0x81: {  	s0 =	simm.s32 @!p0 $0x1  }
0x82: {  	_ =	swait.ge @!p0 [sflag:s0], s1  }
0x83: {  	s1 =	ssub.s32 @!p0 $0x0, s1;
	[sflag:s0] =	ssyncset.done @!p0 $0x0  }
0x84: {  	[sflag:s0] =	ssyncadd.s32 @!p0 s1  }
0x85: {  	[bflag:$0x3] =	sbarrier.arrive $0xFFFF  }
0x86: {  	_ =	shalt  }

// kernel: kernel.13.cloned.1.call-start
scs
__scs_entry_jumppad:
0x0: {  	(pc) =	sbr.rel $0x88, $3  }
0x1: {  	(tag) =	ssettag $0x0;
	lr =	simm.s32 $0x1  }
0x2: {  	[smem:$0x3F99] =	sst lr;
	_ =	strace $0xD0000000  }
0x3: {  	_ = 	snop  }
0x4: {  	_ = 	snop  }
0x5: {  	_ = 	snop  }
0x6: {  	_ = 	snop  }
0x7: {  	_ = 	snop  }
__scs_overlays_trampoline_lowered:
0x8: {  	[smem:$0x3FA8] =	sst s0  }
0x9: {  	[smem:$0x3FA9] =	sst s1  }
0xa: {  	[smem:$0x3FAA] =	sst s2  }
0xb: {  	[smem:$0x3FAB] =	sst s3  }
0xc: {  	[smem:$0x3FAC] =	sst s4  }
0xd: {  	[smem:$0x3FAD] =	sst s5  }
0xe: {  	[smem:$0x3FAE] =	sst s6  }
0xf: {  	[smem:$0x3FAF] =	sst s7  }
0x10: {  	[smem:$0x3FB0] =	sst s8  }
0x11: {  	[smem:$0x3FB1] =	sst s9;
	s0 =	simm.s32 @!p0 $0x0  }
0x12: {  	s1 =	sld [smem:$0x3F97];
	s0 =	simm.s32 @p0 $0x1  }
0x13: {  	[smem:$0x3FB2] =	sst s0;
	s0 =	simm.s32 @!p1 $0x0  }
0x14: {  	s2 =	sld [smem:$0x3F96];
	s0 =	simm.s32 @p1 $0x1  }
0x15: {  	[smem:$0x3FB3] =	sst s0;
	s0 =	simm.s32 @!p2 $0x0  }
0x16: {  	s3 =	sld [smem:$0x3FDB];
	s0 =	simm.s32 @p2 $0x1  }
0x17: {  	s4 =	simm.s32 $0x1BF5;
	[smem:$0x3FB5] =	sst s0  }
0x18: {  	s0 =	sld [smem:$0x3F98];
	_ =	swait.ge [sflag:s4], $0x0  }
0x19: {  	s7 =	sld [smem:$0x3F99]  }
0x1a: {  	s8 =	sadd.s32 $0xFFFFE003, lr  }
0x1b: {  	s9 =	sadd.s32 $0xFFFFFEF7, lr;
	s5 =	simm.s32 $0xFFFFFFFF;
	p2 =	slt.u32 s8, $0xFFFFF086  }
0x1c: {  	p1 =	slt.u32 s9, $0xF7A;
	s5 =	simm.s32 @!p2 $0x0  }
0x1d: {  	s5 =	simm.s32 @p1 $0x1;
	p0 =	seq.s32 s7, s2  }
0x1e: {  	s7 =	smul.u32 @!p0 $0xF7A, s2;
	p2 =	seq.s32 @!p0 s5, $0x0  }
0x1f: {  	s9 =	smul.u32 $0xF7A, s1;
	s8 =	simm.s32 @!p0 $0x1BF5;
	p2 =	por !p2, p0  }
0x20: {  	[sflag:s8] =	ssyncset.s32 @!p0 $0xFFFFF086;
	s6 =	sadd.s32 @!p0 s3, s7;
	s7 =	simm.s32 @!p0 $0x108  }
0x21: {  	s3 =	sadd.s32 s3, s9;
	s6 =	sadd.s32 @!p0 $0x88, s6;
	s7 =	simm.s32 @p2 $0x1082  }
0x22: {  	[simem:s7], [sflag:s8] =	dma.local @!p0 [hbm:s6], $0xF7A  }
0x23: {  	s9 =	sor.u32 $0xD0000000, s2;
	s6 =	simm.s32 $0x108;
	_ =	swait.ge @!p0 [sflag:s8], $0x0  }
0x24: {  	s3 =	sadd.s32 $0x88, s3;
	s6 =	simm.s32 @!p1 $0x1082;
	[sflag:s4] =	ssyncset.s32 $0xFFFFF086  }
0x25: {  	[simem:s6], [sflag:s4] =	dma.local [hbm:s3], $0xF7A  }
0x26: {  	[smem:$0x3F99] =	sst s1;
	(tag) =	ssettag s2;
	_ =	strace s9  }
0x27: {  	s1 =	sld [smem:$0x3FA9]  }
0x28: {  	s2 =	sld [smem:$0x3FAA]  }
0x29: {  	s4 =	sld [smem:$0x3FAC]  }
0x2a: {  	p0 =	seq.s32 s5, $0x0;
	s5 =	sld [smem:$0x3FAD]  }
0x2b: {  	s6 =	sld [smem:$0x3FAE]  }
0x2c: {  	s7 =	sld [smem:$0x3FAF]  }
0x2d: {  	s3 =	simm.s32 $0x108;
	s8 =	sld [smem:$0x3FB0]  }
0x2e: {  	s3 =	simm.s32 @!p0 $0x1082;
	s9 =	sld [smem:$0x3FB1]  }
0x2f: {  	lr =	sadd.s32 s0, s3;
	s0 =	sld [smem:$0x3FA8]  }
0x30: {  	s3 =	sld [smem:$0x3FAB]  }
0x31: {  	[smem:$0x3FB4] =	sst s10  }
0x32: {  	s10 =	sld [smem:$0x3FB2];
	_ =	sdelay $0x3  }
0x33: {  	p0 =	seq.s32 s10, $0x1;
	s10 =	sld [smem:$0x3FB4];
	_ =	sdelay $0x3  }
0x34: {  	[smem:$0x3FB4] =	sst s10  }
0x35: {  	s10 =	sld [smem:$0x3FB3];
	_ =	sdelay $0x3  }
0x36: {  	p1 =	seq.s32 s10, $0x1;
	s10 =	sld [smem:$0x3FB4];
	_ =	sdelay $0x3  }
0x37: {  	[smem:$0x3FB4] =	sst s10  }
0x38: {  	s10 =	sld [smem:$0x3FB5]  }
0x39: {  	_ = 	snop;
	(pc) =	sbr.ind lr, $3  }
0x3a: {  	_ = 	snop  }
0x3b: {  	_ = 	snop  }
0x3c: {  	p2 =	seq.s32 s10, $0x1;
	s10 =	sld [smem:$0x3FB4]  }
0x3d: {  	_ =	shalt  }
0x3e: {  	_ =	shalt  }
0x3f: {  	_ =	shalt  }
0x40: {  	_ =	shalt  }
0x41: {  	_ =	shalt  }
0x42: {  	_ =	shalt  }
0x43: {  	_ =	shalt  }
0x44: {  	_ =	shalt  }
0x45: {  	_ =	shalt  }
0x46: {  	_ =	shalt  }
0x47: {  	_ =	shalt  }
0x48: {  	_ =	shalt  }
0x49: {  	_ =	shalt  }
0x4a: {  	_ =	shalt  }
0x4b: {  	_ =	shalt  }
0x4c: {  	_ =	shalt  }
0x4d: {  	_ =	shalt  }
0x4e: {  	_ =	shalt  }
0x4f: {  	_ =	shalt  }
0x50: {  	_ =	shalt  }
0x51: {  	_ =	shalt  }
0x52: {  	_ =	shalt  }
0x53: {  	_ =	shalt  }
0x54: {  	_ =	shalt  }
0x55: {  	_ =	shalt  }
0x56: {  	_ =	shalt  }
0x57: {  	_ =	shalt  }
0x58: {  	_ =	shalt  }
0x59: {  	_ =	shalt  }
0x5a: {  	_ =	shalt  }
0x5b: {  	_ =	shalt  }
0x5c: {  	_ =	shalt  }
0x5d: {  	_ =	shalt  }
0x5e: {  	_ =	shalt  }
0x5f: {  	_ =	shalt  }
0x60: {  	_ =	shalt  }
0x61: {  	_ =	shalt  }
0x62: {  	_ =	shalt  }
0x63: {  	_ =	shalt  }
0x64: {  	_ =	shalt  }
0x65: {  	_ =	shalt  }
0x66: {  	_ =	shalt  }
0x67: {  	_ =	shalt  }
0x68: {  	_ =	shalt  }
0x69: {  	_ =	shalt  }
0x6a: {  	_ =	shalt  }
0x6b: {  	_ =	shalt  }
0x6c: {  	_ =	shalt  }
0x6d: {  	_ =	shalt  }
0x6e: {  	_ =	shalt  }
0x6f: {  	_ =	shalt  }
0x70: {  	_ =	shalt  }
0x71: {  	_ =	shalt  }
0x72: {  	_ =	shalt  }
0x73: {  	_ =	shalt  }
0x74: {  	_ =	shalt  }
0x75: {  	_ =	shalt  }
0x76: {  	_ =	shalt  }
0x77: {  	_ =	shalt  }
0x78: {  	_ =	shalt  }
0x79: {  	_ =	shalt  }
0x7a: {  	_ =	shalt  }
0x7b: {  	_ =	shalt  }
0x7c: {  	_ =	shalt  }
0x7d: {  	_ =	shalt  }
0x7e: {  	_ =	shalt  }
0x7f: {  	_ =	shalt  }
0x80: {  	_ =	shalt  }
0x81: {  	_ =	shalt  }
0x82: {  	_ =	shalt  }
0x83: {  	_ =	shalt  }
0x84: {  	_ =	shalt  }
0x85: {  	_ =	shalt  }
0x86: {  	_ =	shalt  }
0x87: {  	_ =	shalt  }
.Lfunc_end0:
.L_simem_size_0:
called_computation.1_lowered:
.L_overlay_start_0:
0x88: {  	s2 =	sld [smem:$0x3FD9]  }
0x89: {  	s3 =	sld [smem:$0x3FFE];
	_ =	sdelay $0x1  }
0x8a: {  	s1 =	srdreg.scid  }
0x8b: {  	s0 =	sand.u32 $0x1, s1  }
0x8c: {  	s16 =	sshll.u32 s0, $0xA;
	s2 =	sadd.s32 s3, s2  }
0x8d: {  	s2 =	sadd.s32 s2, s16  }
0x8e: {  	[smem:$0x3FC0] =	sst s2  }
0x8f: {  	_ = 	snop  }
0x90: {  	(tm) =	ssettm $0x1  }
0x91: {  	s17 =	sld [smem:$0x3FFB];
	_ =	sdelay $0x3  }
0x92: {  	_ =	strace s17  }
0x93: {  	s2 =	sld [smem:$0x3FFC];
	_ =	sdelay $0x3  }
0x94: {  	_ =	strace s2  }
0x95: {  	s2 =	sld [smem:$0x3FFD];
	_ =	sdelay $0x3  }
0x96: {  	_ =	strace s2  }
0x97: {  	_ =	strace $0x8FFFFFFF  }
0x98: {  	s18 =	sld [smem:$0x3FDB];
	_ =	sdelay $0x1  }
0x99: {  	s19 =	simm.s32 $_scs_section_size  }
0x9a: {  	s4 =	simm.s32 $_size__tile_overlayer_lowered;
	s5 =	simm.s32 $_tile_overlayer_lowered  }
0x9b: {  	s22 =	simm.s32 $0x1BFF;
	s21 =	sshll.u32 s5, $0x1;
	s2 =	sadd.s32 s19, s18  }
0x9c: {  	s6 =	simm.s32 $0x0;
	s20 =	sshll.u32 s4, $0x1;
	s4 =	sadd.s32 s21, s2  }
0x9d: {  	[timem:s6], [sflag:s22] =	dma.local [hbm:s4], s20  }
0x9e: {  	_ =	swait.ge [sflag:s22], s20  }
0x9f: {  	s3 =	ssub.s32 $0x0, s20;
	[sflag:s22] =	ssyncset.done $0x0  }
0xa0: {  	[sflag:s22] =	ssyncadd.s32 s3;
	_ =	sdelay $0x1  }
0xa1: {  	s23 =	simm.s32 $0x1B8B  }
0xa2: {  	_ =	swait.ge [sflag:s23], $0x1  }
0xa3: {  	[sflag:s23] =	ssyncset.done $0x0  }
0xa4: {  	s25 =	simm.s32 $0x1B8E;
	s24 =	sld [smem:$0x3FFE];
	[sflag:s23] =	ssyncadd.s32 $0xFFFFFFFF  }
0xa5: {  	s26 =	simm.s32 $execute0_lowered;
	[smem:$0x3FD2] =	sst s25  }
0xa6: {  	s4 =	sshll.u32 s26, $0x1;
	_ =	strace $0x80000049;
	[dreg:$0x1] =	wrdreg $0xFFFFFFFF  }
0xa7: {  	s28 =	simm.s32 $_size_execute0_lowered;
	s2 =	sadd.s32 s2, s4;
	[dreg:$0x0] =	wrdreg $0x0  }
0xa8: {  	s4 =	sshll.u32 s28, $0x1;
	[dreg:$0x2] =	wrdreg s2  }
0xa9: {  	[dreg:$0x3] =	wrdreg s4  }
0xaa: {  	[dreg:$0x4] =	wrdreg $0xC0  }
0xab: {  	_ =	task [dreg:s6], $0x5FFFF  }
0xac: {  	[dreg:$0x1] =	wrdreg $0xFFFFFFFF  }
0xad: {  	[dreg:$0x0] =	wrdreg $0x60  }
0xae: {  	[dreg:$0x2] =	wrdreg s24  }
0xaf: {  	[dreg:$0x3] =	wrdreg $0xA9000  }
0xb0: {  	[dreg:$0x4] =	wrdreg $0x9  }
0xb1: {  	_ =	task.clear_ibuf [dreg:s6], $0x5FFFF;
	_ =	strace $0x90000049  }
0xb2: {  	s29 =	simm.s32 $0x9;
	_ =	strace $0x8000004B  }
0xb3: {  	_ =	swait.ge [sflag:s29], $0x1  }
0xb4: {  	[sflag:s29] =	ssyncadd.s32 $0xFFFFFFFF  }
0xb5: {  	_ =	strace $0x9000004B  }
0xb6: {  	_ =	sfence  }
0xb7: {  	s30 =	sld [smem:$0x0];
	_ =	sdelay $0x2  }
0xb8: {  	s31 =	sshll.u32 s1, $0xD;
	s1 =	sshrl.u32 s1, $0x2  }
0xb9: {  	s3 =	sand.u32 $0x4000, s31;
	s1 =	sadd.s32 s1, s30  }
0xba: {  	s0 =	sor.u32 s3, s0;
	s1 =	sshll.u32 s1, $0x11  }
0xbb: {  	s0 =	sor.u32 s1, s0  }
0xbc: {  	s0 =	sadd.s32 $0x8F2B, s0  }
0xbd: {  	[sflag:s0] =	ssyncadd.remote.s32 $0x1  }
0xbe: {  	_ =	sfence.sel $0xFFFF  }
0xbf: {  	[dreg:$0x0] =	wrdreg $0xFFFFFFFF;
	(pc) =	sbr.abs _section_cstart, $3  }
0xc0: {  	[dreg:$0x1] =	wrdreg $0xFFFFFFFF  }
0xc1: {  	_ =	task.clear_ibuf [dreg:s6], $0x2FFFF;
	_ =	strace $0x9FFFFFFF  }
0xc2: {  	(tm) =	ssettm $0x7FFFFFFF  }
0xc3: {  	_ =	shalt  }
tec
execute0_lowered:
.L_overlay_start_1:
0x0: {  	(tag) =	ssettag $0x1  }
0x1: {  	s0 =	srdreg.scid;
	s1 =	rddreg [dreg:$0x0]  }
0x2: {  	s20 =	stileid.u32;
	s2 =	rddreg [dreg:$0x1]  }
0x3: {  	s28 =	simm.s32 $0x3;
	s29 =	simm.s32 $0x6900;
	s9 =	smul.u32 $0x50000, s20  }
0x4: {  	s30 =	simm.s32 $0x2880;
	s31 =	simm.s32 $0x2;
	s11 =	smul.u32 $0x14000, s20  }
0x5: {  	s0 =	sand.u32 $0x1, s0;
	s3 =	sshll.u32 s20, $0x1;
	s21 =	smul.u32 $0xA00, s20  }
0x6: {  	s5 =	sadd.s32 $0x16C00, s1;
	s4 =	sor.u32 s0, s3;
	s16 =	smul.u32 $0x140000, s0  }
0x7: {  	s3 =	simm.s32 $0x0;
	s8 =	ssub.s32 $0x2, s0;
	s0 =	smul.u32 $0x500, s0  }
0x8: {  	s6 =	smul.u32 $0x500, s4;
	[smem:$0x7FF] =	sst s3;
	s4 =	sadd.s32 $0x2C00, s1  }
0x9: {  	s10 =	sshrl.u32 s8, $0x1;
	s25 =	sshrl.u32 s9, $0x2;
	s14 =	sadd.s32 $0x4000, s11  }
0xa: {  	s15 =	sadd.s32 $0x8000, s11;
	s17 =	sadd.s32 $0xC000, s11;
	s18 =	sadd.s32 $0x10000, s11  }
0xb: {  	_ =	strace $0x8000004A;
	s13 =	ssub.s32 s8, s10;
	s8 =	sadd.s32 s14, s2  }
0xc: {  	s9 =	sadd.s32 s15, s2;
	s12 =	sadd.s32 s11, s16;
	s10 =	sadd.s32 s17, s2  }
0xd: {  	s11 =	sadd.s32 s18, s2;
	s15 =	sadd.s32 s16, s15;
	s23 =	sadd.s32 s16, s17  }
0xe: {  	s7 =	sadd.s32 s6, s1;
	s1 =	sadd.s32 $0x3EC00, s1;
	s19 =	sshrl.u32 s12, $0x3  }
0xf: {  	s12 =	sadd.s32 s4, s6;
	s22 =	sshrl.u32 s15, $0x3;
	s7 =	sadd.s32 $0xCC00, s7  }
0x10: {  	s26 =	sadd.s32 s1, s19;
	s19 =	sadd.s32 s16, s14;
	s16 =	sadd.s32 s16, s18  }
0x11: {  	s20 =	sadd.s32 $0x4F0, s12;
	[dreg:$0x3] =	wrdreg s7;
	s7 =	sadd.s32 s25, s2  }
0x12: {  	[dreg:$0x4] =	wrdreg s26;
	s6 =	sshrl.u32 s19, $0x3;
	s18 =	sshrl.u32 s16, $0x3  }
0x13: {  	s16 =	sadd.s32 s0, s21;
	s19 =	smax.u32 s13, $0x1;
	s0 =	simm.s32 $0x0  }
0x14: {  	s6 =	sadd.s32 s1, s6;
	s25 =	sadd.s32 s1, s18;
	s26 =	sadd.s32 s4, s16  }
0x15: {  	s18 =	smov.u32 s12;
	[dreg:$0x5] =	wrdreg s6;
	s6 =	sadd.s32 s1, s22  }
0x16: {  	[dreg:$0x8] =	wrdreg s25;
	s21 =	sadd.s32 $0x20, s26;
	s22 =	simm.s32 $0x5  }
0x17: {  	s25 =	simm.s32 $0x2800;
	[dreg:$0x6] =	wrdreg s6;
	s6 =	sshrl.u32 s23, $0x3  }
0x18: {  	s26 =	simm.s32 $0x1;
	s23 =	simm.s32 $0x2900;
	s24 =	sadd.s32 s1, s6  }
0x19: {  	v0 =	vimm.f32 $0.0e+00;
	s1 =	simm.s32 $0x4;
	[dreg:$0x7] =	wrdreg s24;
	s24 =	simm.s32 $0x80  }
.LBB2_1:
0x1a: {  	s6 =	rddreg [dreg:$0x3]  }
0x1b: {  	[tilespmem:s3], [sflag:$0x5] =	stream.linear.gather [hbm4b:s6+s3], $0x2800, $0x38;
	[tilespmem:$0x1E900] =	vst v63  }
0x1c: {  	_ =	swait.ge [sflag:s22], $0x2800  }
0x1d: {  	[sflag:s22] =	ssyncset.done $0x0  }
0x1e: {  	s13 =	simm.s32 $0x200;
	s6 =	simm.s32 $0x0;
	[sflag:s22] =	ssyncadd.s32 $0xFFFFD800  }
.LBB2_2:
0x1f: {  	p0 =	sne.s32 s13, $0xFE00;
	[tilespmem:s6+$0x2970] =	vst v0  }
0x20: {  	[tilespmem:s6+$0x2900] =	vst v0  }
0x21: {  	[tilespmem:s6+$0x2910] =	vst v0  }
.Ltmp0:
0x22: {  	[tilespmem:s6+$0x2920] =	vst v0;
	(pc) =	sbr.rel @p0 .LBB2_2-.Ltmp0, $4  }
0x23: {  	[tilespmem:s6+$0x2930] =	vst v0  }
0x24: {  	[tilespmem:s6+$0x2940] =	vst v0  }
0x25: {  	[tilespmem:s6+$0x2950] =	vst v0  }
0x26: {  	[tilespmem:s6+$0x2960] =	vst v0;
	s6 =	sshra.s32 s13, $0x2;
	s13 =	sadd.s32 $0x200, s13  }
0x27: {  	[tilespmem:s6+$0x2970] =	vst v0  }
0x28: {  	[tilespmem:s6+$0x2900] =	vst v0  }
0x29: {  	[tilespmem:s6+$0x2910] =	vst v0  }
0x2a: {  	[tilespmem:s6+$0x2920] =	vst v0  }
0x2b: {  	[tilespmem:s6+$0x2930] =	vst v0  }
0x2c: {  	[tilespmem:s6+$0x2940] =	vst v0  }
0x2d: {  	[tilespmem:s6+$0x2950] =	vst v0  }
0x2e: {  	[tilespmem:s6+$0x2960] =	vst v0  }
0x2f: {  	[spmem:s7] =	stream.linear.scatter [tilespmem:s23], [sflag:$0x5], $0x4000, $0x38;
	[tilespmem:$0x1E900] =	vst v63  }
0x30: {  	_ =	swait.ge [sflag:s22], $0x4000  }
0x31: {  	[sflag:s22] =	ssyncset.done $0x0  }
0x32: {  	[sflag:s22] =	ssyncadd.s32 $0xFFFFC000  }
0x33: {  	[spmem:s8] =	stream.linear.scatter [tilespmem:s23], [sflag:$0x5], $0x4000, $0x38;
	[tilespmem:$0x1E900] =	vst v63  }
0x34: {  	_ =	swait.ge [sflag:s22], $0x4000  }
0x35: {  	[sflag:s22] =	ssyncset.done $0x0  }
0x36: {  	[sflag:s22] =	ssyncadd.s32 $0xFFFFC000  }
0x37: {  	[spmem:s9] =	stream.linear.scatter [tilespmem:s23], [sflag:$0x5], $0x4000, $0x38;
	[tilespmem:$0x1E900] =	vst v63  }
0x38: {  	_ =	swait.ge [sflag:s22], $0x4000  }
0x39: {  	[sflag:s22] =	ssyncset.done $0x0  }
0x3a: {  	[sflag:s22] =	ssyncadd.s32 $0xFFFFC000  }
0x3b: {  	[spmem:s10] =	stream.linear.scatter [tilespmem:s23], [sflag:$0x5], $0x4000, $0x38;
	[tilespmem:$0x1E900] =	vst v63  }
0x3c: {  	_ =	swait.ge [sflag:s22], $0x4000  }
0x3d: {  	[sflag:s22] =	ssyncset.done $0x0  }
0x3e: {  	[sflag:s22] =	ssyncadd.s32 $0xFFFFC000  }
0x3f: {  	[spmem:s11] =	stream.linear.scatter [tilespmem:s23], [sflag:$0x5], $0x4000, $0x38;
	[tilespmem:$0x1E900] =	vst v63  }
0x40: {  	_ =	swait.ge [sflag:s22], $0x4000  }
0x41: {  	[sflag:s22] =	ssyncset.done $0x0  }
0x42: {  	[sflag:s22] =	ssyncadd.s32 $0xFFFFC000  }
0x43: {  	s14 =	simm.s32 $0x0;
	[bflag:$0x0] =	sbarrier.arrive $0xFFFF  }
0x44: {  	[tilespmem:s23], [sflag:$0x1] =	stream.indirect.gather [hbm4b:s5+s24], $0x80, s14, s24, $0xb8;
	[tilespmem:$0x1E900] =	vst v63  }
0x45: {  	_ = 	snop  }
0x46: {  	[tilespmem:s25], [sflag:$0x3] =	stream.linear.gather [hbm4b:s18+s14], $0x80, $0x38;
	[tilespmem:$0x1E900] =	vst v63  }
0x47: {  	_ =	swait.ge [sflag:s26], $0x4000  }
0x48: {  	[sflag:s26] =	ssyncset.done $0x0  }
0x49: {  	[sflag:s26] =	ssyncadd.s32 $0xFFFFC000  }
0x4a: {  	_ =	swait.ge [sflag:s28], $0x80  }
0x4b: {  	s13 =	simm.s32 $0x80;
	[sflag:s28] =	ssyncset.done $0x0  }
0x4c: {  	s15 =	sadd.s32 $0x0, s16;
	s6 =	sand.u32 $0x60, s14;
	[sflag:s28] =	ssyncadd.s32 $0xFFFFFF80  }
0x4d: {  	[tilespmem:s29], [sflag:$0x2] =	stream.indirect.gather [hbm4b:s5+s24], $0x80, s13, s24, $0xb8;
	[tilespmem:$0x1E900] =	vst v63  }
0x4e: {  	s6 =	sadd.s32 s6, s4;
	s13 =	sand.u32 $0xFFFFF80, s15  }
0x4f: {  	s6 =	sadd.s32 s13, s6  }
0x50: {  	s6 =	sadd.s32 $0x10, s6  }
0x51: {  	[tilespmem:s30], [sflag:$0x4] =	stream.linear.gather [hbm4b:s6+s3], $0x80, $0x38;
	[tilespmem:$0x1E900] =	vst v63  }
0x52: {  	_ = 	snop  }
0x53: {  	[spmem:s2] =	stream.indirect.scatter.add.f32 [tilespmem:s23], [sflag:$0x5], $0x80, s25, s24, $0xb8;
	[tilespmem:$0x1E900] =	vst v63  }
0x54: {  	_ =	swait.ge [sflag:s22], $0x4000  }
0x55: {  	[sflag:s22] =	ssyncset.done $0x0  }
0x56: {  	[sflag:s22] =	ssyncadd.s32 $0xFFFFC000  }
0x57: {  	_ =	swait.ge [sflag:s31], $0x4000  }
0x58: {  	[sflag:s31] =	ssyncset.done $0x0  }
0x59: {  	[sflag:s31] =	ssyncadd.s32 $0xFFFFC000  }
0x5a: {  	_ =	swait.ge [sflag:s1], $0x80  }
0x5b: {  	[sflag:s1] =	ssyncset.done $0x0  }
0x5c: {  	s6 =	simm.s32 $0x100;
	[sflag:s1] =	ssyncadd.s32 $0xFFFFFF80  }
0x5d: {  	[tilespmem:s23], [sflag:$0x1] =	stream.indirect.gather [hbm4b:s5+s24], $0x80, s6, s24, $0xb8;
	[tilespmem:$0x1E900] =	vst v63  }
0x5e: {  	s17 =	sadd.s32 $0x0, s21  }
0x5f: {  	[tilespmem:s25], [sflag:$0x3] =	stream.linear.gather [hbm4b:s17+s3], $0x80, $0x38;
	[tilespmem:$0x1E900] =	vst v63  }
0x60: {  	_ = 	snop  }
0x61: {  	[spmem:s2] =	stream.indirect.scatter.add.f32 [tilespmem:s29], [sflag:$0x5], $0x80, s30, s24, $0xb8;
	[tilespmem:$0x1E900] =	vst v63  }
0x62: {  	s13 =	simm.s32 $0x20;
	_ =	swait.ge [sflag:s22], $0x4000  }
.LBB2_4:
0x63: {  	p0 =	sne.s32 s13, $0x4C0;
	[sflag:s22] =	ssyncset.done $0x0;
	s6 =	sadd.s32 $0x100, s6  }
0x64: {  	s14 =	smov.u32 s13;
	s13 =	sadd.s32 $0x20, s13;
	[sflag:s22] =	ssyncadd.s32 $0xFFFFC000  }
0x65: {  	_ =	swait.ge [sflag:s26], $0x4000  }
0x66: {  	[sflag:s26] =	ssyncset.done $0x0  }
0x67: {  	[sflag:s26] =	ssyncadd.s32 $0xFFFFC000  }
0x68: {  	s12 =	sadd.s32 $0xFFFFFF80, s6;
	_ =	swait.ge [sflag:s28], $0x80  }
0x69: {  	s15 =	sadd.s32 s14, s16;
	s17 =	sand.u32 $0x60, s14;
	[sflag:s28] =	ssyncset.done $0x0  }
0x6a: {  	s15 =	sand.u32 $0xFFFFF80, s15;
	s17 =	sadd.s32 s17, s4;
	[sflag:s28] =	ssyncadd.s32 $0xFFFFFF80  }
0x6b: {  	[tilespmem:s29], [sflag:$0x2] =	stream.indirect.gather [hbm4b:s5+s24], $0x80, s12, s24, $0xb8;
	[tilespmem:$0x1E900] =	vst v63  }
0x6c: {  	s12 =	sadd.s32 s15, s17  }
0x6d: {  	s12 =	sadd.s32 $0x10, s12  }
0x6e: {  	[tilespmem:s30], [sflag:$0x4] =	stream.linear.gather [hbm4b:s12+s3], $0x80, $0x38;
	[tilespmem:$0x1E900] =	vst v63  }
0x6f: {  	_ = 	snop  }
0x70: {  	[spmem:s2] =	stream.indirect.scatter.add.f32 [tilespmem:s23], [sflag:$0x5], $0x80, s25, s24, $0xb8;
	[tilespmem:$0x1E900] =	vst v63  }
0x71: {  	_ =	swait.ge [sflag:s22], $0x4000  }
0x72: {  	[sflag:s22] =	ssyncset.done $0x0  }
0x73: {  	[sflag:s22] =	ssyncadd.s32 $0xFFFFC000  }
0x74: {  	_ =	swait.ge [sflag:s31], $0x4000  }
0x75: {  	[sflag:s31] =	ssyncset.done $0x0  }
0x76: {  	[sflag:s31] =	ssyncadd.s32 $0xFFFFC000  }
0x77: {  	_ =	swait.ge [sflag:s1], $0x80  }
0x78: {  	[sflag:s1] =	ssyncset.done $0x0  }
0x79: {  	s12 =	sadd.s32 s14, s21;
	[sflag:s1] =	ssyncadd.s32 $0xFFFFFF80  }
0x7a: {  	[tilespmem:s23], [sflag:$0x1] =	stream.indirect.gather [hbm4b:s5+s24], $0x80, s6, s24, $0xb8;
	[tilespmem:$0x1E900] =	vst v63  }
.Ltmp1:
0x7b: {  	(pc) =	sbr.rel @p0 .LBB2_4-.Ltmp1, $4  }
0x7c: {  	[tilespmem:s25], [sflag:$0x3] =	stream.linear.gather [hbm4b:s12+s3], $0x80, $0x38;
	[tilespmem:$0x1E900] =	vst v63  }
0x7d: {  	_ = 	snop  }
0x7e: {  	[spmem:s2] =	stream.indirect.scatter.add.f32 [tilespmem:s29], [sflag:$0x5], $0x80, s30, s24, $0xb8;
	[tilespmem:$0x1E900] =	vst v63  }
0x7f: {  	_ =	swait.ge [sflag:s22], $0x4000  }
0x80: {  	[sflag:s22] =	ssyncset.done $0x0  }
0x81: {  	[sflag:s22] =	ssyncadd.s32 $0xFFFFC000  }
0x82: {  	_ =	swait.ge [sflag:s26], $0x4000  }
0x83: {  	[sflag:s26] =	ssyncset.done $0x0  }
0x84: {  	[sflag:s26] =	ssyncadd.s32 $0xFFFFC000  }
0x85: {  	_ =	swait.ge [sflag:s28], $0x80  }
0x86: {  	[sflag:s28] =	ssyncset.done $0x0  }
0x87: {  	s6 =	simm.s32 $0x2780;
	[sflag:s28] =	ssyncadd.s32 $0xFFFFFF80  }
0x88: {  	[tilespmem:s29], [sflag:$0x2] =	stream.indirect.gather [hbm4b:s5+s24], $0x80, s6, s24, $0xb8;
	[tilespmem:$0x1E900] =	vst v63  }
0x89: {  	_ = 	snop  }
0x8a: {  	[tilespmem:s30], [sflag:$0x4] =	stream.linear.gather [hbm4b:s20+s3], $0x80, $0x38;
	[tilespmem:$0x1E900] =	vst v63  }
0x8b: {  	_ = 	snop  }
0x8c: {  	[spmem:s2] =	stream.indirect.scatter.add.f32 [tilespmem:s23], [sflag:$0x5], $0x80, s25, s24, $0xb8;
	[tilespmem:$0x1E900] =	vst v63  }
0x8d: {  	_ =	swait.ge [sflag:s22], $0x4000  }
0x8e: {  	[sflag:s22] =	ssyncset.done $0x0  }
0x8f: {  	[sflag:s22] =	ssyncadd.s32 $0xFFFFC000  }
0x90: {  	_ =	swait.ge [sflag:s31], $0x4000  }
0x91: {  	[sflag:s31] =	ssyncset.done $0x0  }
0x92: {  	[sflag:s31] =	ssyncadd.s32 $0xFFFFC000  }
0x93: {  	_ =	swait.ge [sflag:s1], $0x80  }
0x94: {  	[sflag:s1] =	ssyncset.done $0x0  }
0x95: {  	[sflag:s1] =	ssyncadd.s32 $0xFFFFFF80  }
0x96: {  	[spmem:s2] =	stream.indirect.scatter.add.f32 [tilespmem:s29], [sflag:$0x5], $0x80, s30, s24, $0xb8;
	[tilespmem:$0x1E900] =	vst v63  }
0x97: {  	_ =	swait.ge [sflag:s22], $0x4000  }
0x98: {  	[sflag:s22] =	ssyncset.done $0x0  }
0x99: {  	s12 =	stileid.u32;
	[sflag:s22] =	ssyncadd.s32 $0xFFFFC000  }
0x9a: {  	s6 =	sshll.u32 s12, $0x6;
	[bflag:$0x0] =	sbarrier.arrive $0xFFFF  }
0x9b: {  	s12 =	sshrl.u32 s7, $0x3;
	s6 =	sor.u32 $0x1C05, s6;
	s13 =	rddreg [dreg:$0x4]  }
0x9c: {  	[hbm:s13], [sflag:s6] =	dma.local [spmem:s12], $0x800  }
0x9d: {  	_ =	swait.ge [sflag:s22], $0x800  }
0x9e: {  	[sflag:s22] =	ssyncset.done $0x0  }
0x9f: {  	s13 =	sshrl.u32 s8, $0x3;
	s14 =	rddreg [dreg:$0x5];
	[sflag:s22] =	ssyncadd.s32 $0xFFFFF800  }
0xa0: {  	[hbm:s14], [sflag:s6] =	dma.local [spmem:s13], $0x800  }
0xa1: {  	_ =	swait.ge [sflag:s22], $0x800  }
0xa2: {  	[sflag:s22] =	ssyncset.done $0x0  }
0xa3: {  	s15 =	sshrl.u32 s9, $0x3;
	s17 =	rddreg [dreg:$0x6];
	[sflag:s22] =	ssyncadd.s32 $0xFFFFF800  }
0xa4: {  	[hbm:s17], [sflag:s6] =	dma.local [spmem:s15], $0x800  }
0xa5: {  	_ =	swait.ge [sflag:s22], $0x800  }
0xa6: {  	[sflag:s22] =	ssyncset.done $0x0  }
0xa7: {  	s13 =	sshrl.u32 s10, $0x3;
	s14 =	rddreg [dreg:$0x7];
	[sflag:s22] =	ssyncadd.s32 $0xFFFFF800  }
0xa8: {  	[hbm:s14], [sflag:s6] =	dma.local [spmem:s13], $0x800  }
0xa9: {  	s0 =	sadd.s32 $0x1, s0;
	_ =	swait.ge [sflag:s22], $0x800  }
0xaa: {  	p0 =	sne.s32 s0, s19;
	s15 =	sshrl.u32 s11, $0x3;
	[sflag:s22] =	ssyncset.done $0x0  }
.Ltmp2:
0xab: {  	s17 =	rddreg [dreg:$0x8];
	[sflag:s22] =	ssyncadd.s32 $0xFFFFF800;
	(pc) =	sbr.rel @p0 .LBB2_1-.Ltmp2, $4  }
0xac: {  	[hbm:s17], [sflag:s6] =	dma.local [spmem:s15], $0x800  }
0xad: {  	_ =	swait.ge [sflag:s22], $0x800  }
0xae: {  	[sflag:s22] =	ssyncset.done $0x0  }
0xaf: {  	[sflag:s22] =	ssyncadd.s32 $0xFFFFF800  }
0xb0: {  	_ =	sfence.sel $0x180000  }
0xb1: {  	[bflag:$0x0] =	sbarrier.arrive $0xFFFF  }
0xb2: {  	_ =	strace $0x9000004A  }
0xb3: {  	s0 =	stileid.u32;
	[bflag:$0x2] =	sbarrier.arrive $0xFFFF  }
0xb4: {  	p0 =	sne.s32 s0, $0x0;
	s0 =	rddreg [dreg:$0x2]  }
0xb5: {  	s0 =	sadd.s32 @!p0 $0x100000, s0  }
0xb6: {  	[sflag:s0] =	ssyncadd.tile.s32 @!p0 $0x1;
	_ =	shalt  }
.Lfunc_end2:
_tile_overlayer_lowered:
.L_overlay_start_2:
0xb7: {  	(tag) =	ssettag $0x2  }
0xb8: {  	s0 =	rddreg [dreg:$0x0];
	s2 =	stileid.u32  }
0xb9: {  	s1 =	rddreg [dreg:$0x1];
	p0 =	sne.s32 s2, $0x0  }
0xba: {  	s3 =	rddreg [dreg:$0x2];
	[bflag:$0x3] =	sbarrier.arrive $0xFFFF;
	s2 =	simm.s32 @!p0 $0x1C05  }
0xbb: {  	[timem:s3], [sflag:s2] =	dma.local @!p0 [hbm:s0], s1  }
0xbc: {  	s0 =	simm.s32 @!p0 $0x5  }
0xbd: {  	_ =	swait.ge @!p0 [sflag:s0], s1  }
0xbe: {  	s1 =	ssub.s32 @!p0 $0x0, s1;
	[sflag:s0] =	ssyncset.done @!p0 $0x0  }
0xbf: {  	[sflag:s0] =	ssyncadd.s32 @!p0 s1  }
0xc0: {  	[bflag:$0x3] =	sbarrier.arrive $0xFFFF  }
0xc1: {  	_ =	shalt  }

// kernel: kernel.16.cloned.1.call-start
scs
__scs_entry_jumppad:
0x0: {  	(pc) =	sbr.rel $0x88, $3  }
0x1: {  	(tag) =	ssettag $0x0;
	lr =	simm.s32 $0x1  }
0x2: {  	[smem:$0x3F99] =	sst lr;
	_ =	strace $0xD0000000  }
0x3: {  	_ = 	snop  }
0x4: {  	_ = 	snop  }
0x5: {  	_ = 	snop  }
0x6: {  	_ = 	snop  }
0x7: {  	_ = 	snop  }
__scs_overlays_trampoline_lowered:
0x8: {  	[smem:$0x3FA8] =	sst s0  }
0x9: {  	[smem:$0x3FA9] =	sst s1  }
0xa: {  	[smem:$0x3FAA] =	sst s2  }
0xb: {  	[smem:$0x3FAB] =	sst s3  }
0xc: {  	[smem:$0x3FAC] =	sst s4  }
0xd: {  	[smem:$0x3FAD] =	sst s5  }
0xe: {  	[smem:$0x3FAE] =	sst s6  }
0xf: {  	[smem:$0x3FAF] =	sst s7  }
0x10: {  	[smem:$0x3FB0] =	sst s8  }
0x11: {  	[smem:$0x3FB1] =	sst s9;
	s0 =	simm.s32 @!p0 $0x0  }
0x12: {  	s1 =	sld [smem:$0x3F97];
	s0 =	simm.s32 @p0 $0x1  }
0x13: {  	[smem:$0x3FB2] =	sst s0;
	s0 =	simm.s32 @!p1 $0x0  }
0x14: {  	s2 =	sld [smem:$0x3F96];
	s0 =	simm.s32 @p1 $0x1  }
0x15: {  	[smem:$0x3FB3] =	sst s0;
	s0 =	simm.s32 @!p2 $0x0  }
0x16: {  	s3 =	sld [smem:$0x3FDB];
	s0 =	simm.s32 @p2 $0x1  }
0x17: {  	s4 =	simm.s32 $0x1BF5;
	[smem:$0x3FB5] =	sst s0  }
0x18: {  	s0 =	sld [smem:$0x3F98];
	_ =	swait.ge [sflag:s4], $0x0  }
0x19: {  	s7 =	sld [smem:$0x3F99]  }
0x1a: {  	s8 =	sadd.s32 $0xFFFFE003, lr  }
0x1b: {  	s9 =	sadd.s32 $0xFFFFFEF7, lr;
	s5 =	simm.s32 $0xFFFFFFFF;
	p2 =	slt.u32 s8, $0xFFFFF086  }
0x1c: {  	p1 =	slt.u32 s9, $0xF7A;
	s5 =	simm.s32 @!p2 $0x0  }
0x1d: {  	s5 =	simm.s32 @p1 $0x1;
	p0 =	seq.s32 s7, s2  }
0x1e: {  	s7 =	smul.u32 @!p0 $0xF7A, s2;
	p2 =	seq.s32 @!p0 s5, $0x0  }
0x1f: {  	s9 =	smul.u32 $0xF7A, s1;
	s8 =	simm.s32 @!p0 $0x1BF5;
	p2 =	por !p2, p0  }
0x20: {  	[sflag:s8] =	ssyncset.s32 @!p0 $0xFFFFF086;
	s6 =	sadd.s32 @!p0 s3, s7;
	s7 =	simm.s32 @!p0 $0x108  }
0x21: {  	s3 =	sadd.s32 s3, s9;
	s6 =	sadd.s32 @!p0 $0x88, s6;
	s7 =	simm.s32 @p2 $0x1082  }
0x22: {  	[simem:s7], [sflag:s8] =	dma.local @!p0 [hbm:s6], $0xF7A  }
0x23: {  	s9 =	sor.u32 $0xD0000000, s2;
	s6 =	simm.s32 $0x108;
	_ =	swait.ge @!p0 [sflag:s8], $0x0  }
0x24: {  	s3 =	sadd.s32 $0x88, s3;
	s6 =	simm.s32 @!p1 $0x1082;
	[sflag:s4] =	ssyncset.s32 $0xFFFFF086  }
0x25: {  	[simem:s6], [sflag:s4] =	dma.local [hbm:s3], $0xF7A  }
0x26: {  	[smem:$0x3F99] =	sst s1;
	(tag) =	ssettag s2;
	_ =	strace s9  }
0x27: {  	s1 =	sld [smem:$0x3FA9]  }
0x28: {  	s2 =	sld [smem:$0x3FAA]  }
0x29: {  	s4 =	sld [smem:$0x3FAC]  }
0x2a: {  	p0 =	seq.s32 s5, $0x0;
	s5 =	sld [smem:$0x3FAD]  }
0x2b: {  	s6 =	sld [smem:$0x3FAE]  }
0x2c: {  	s7 =	sld [smem:$0x3FAF]  }
0x2d: {  	s3 =	simm.s32 $0x108;
	s8 =	sld [smem:$0x3FB0]  }
0x2e: {  	s3 =	simm.s32 @!p0 $0x1082;
	s9 =	sld [smem:$0x3FB1]  }
0x2f: {  	lr =	sadd.s32 s0, s3;
	s0 =	sld [smem:$0x3FA8]  }
0x30: {  	s3 =	sld [smem:$0x3FAB]  }
0x31: {  	[smem:$0x3FB4] =	sst s10  }
0x32: {  	s10 =	sld [smem:$0x3FB2];
	_ =	sdelay $0x3  }
0x33: {  	p0 =	seq.s32 s10, $0x1;
	s10 =	sld [smem:$0x3FB4];
	_ =	sdelay $0x3  }
0x34: {  	[smem:$0x3FB4] =	sst s10  }
0x35: {  	s10 =	sld [smem:$0x3FB3];
	_ =	sdelay $0x3  }
0x36: {  	p1 =	seq.s32 s10, $0x1;
	s10 =	sld [smem:$0x3FB4];
	_ =	sdelay $0x3  }
0x37: {  	[smem:$0x3FB4] =	sst s10  }
0x38: {  	s10 =	sld [smem:$0x3FB5]  }
0x39: {  	_ = 	snop;
	(pc) =	sbr.ind lr, $3  }
0x3a: {  	_ = 	snop  }
0x3b: {  	_ = 	snop  }
0x3c: {  	p2 =	seq.s32 s10, $0x1;
	s10 =	sld [smem:$0x3FB4]  }
0x3d: {  	_ =	shalt  }
0x3e: {  	_ =	shalt  }
0x3f: {  	_ =	shalt  }
0x40: {  	_ =	shalt  }
0x41: {  	_ =	shalt  }
0x42: {  	_ =	shalt  }
0x43: {  	_ =	shalt  }
0x44: {  	_ =	shalt  }
0x45: {  	_ =	shalt  }
0x46: {  	_ =	shalt  }
0x47: {  	_ =	shalt  }
0x48: {  	_ =	shalt  }
0x49: {  	_ =	shalt  }
0x4a: {  	_ =	shalt  }
0x4b: {  	_ =	shalt  }
0x4c: {  	_ =	shalt  }
0x4d: {  	_ =	shalt  }
0x4e: {  	_ =	shalt  }
0x4f: {  	_ =	shalt  }
0x50: {  	_ =	shalt  }
0x51: {  	_ =	shalt  }
0x52: {  	_ =	shalt  }
0x53: {  	_ =	shalt  }
0x54: {  	_ =	shalt  }
0x55: {  	_ =	shalt  }
0x56: {  	_ =	shalt  }
0x57: {  	_ =	shalt  }
0x58: {  	_ =	shalt  }
0x59: {  	_ =	shalt  }
0x5a: {  	_ =	shalt  }
0x5b: {  	_ =	shalt  }
0x5c: {  	_ =	shalt  }
0x5d: {  	_ =	shalt  }
0x5e: {  	_ =	shalt  }
0x5f: {  	_ =	shalt  }
0x60: {  	_ =	shalt  }
0x61: {  	_ =	shalt  }
0x62: {  	_ =	shalt  }
0x63: {  	_ =	shalt  }
0x64: {  	_ =	shalt  }
0x65: {  	_ =	shalt  }
0x66: {  	_ =	shalt  }
0x67: {  	_ =	shalt  }
0x68: {  	_ =	shalt  }
0x69: {  	_ =	shalt  }
0x6a: {  	_ =	shalt  }
0x6b: {  	_ =	shalt  }
0x6c: {  	_ =	shalt  }
0x6d: {  	_ =	shalt  }
0x6e: {  	_ =	shalt  }
0x6f: {  	_ =	shalt  }
0x70: {  	_ =	shalt  }
0x71: {  	_ =	shalt  }
0x72: {  	_ =	shalt  }
0x73: {  	_ =	shalt  }
0x74: {  	_ =	shalt  }
0x75: {  	_ =	shalt  }
0x76: {  	_ =	shalt  }
0x77: {  	_ =	shalt  }
0x78: {  	_ =	shalt  }
0x79: {  	_ =	shalt  }
0x7a: {  	_ =	shalt  }
0x7b: {  	_ =	shalt  }
0x7c: {  	_ =	shalt  }
0x7d: {  	_ =	shalt  }
0x7e: {  	_ =	shalt  }
0x7f: {  	_ =	shalt  }
0x80: {  	_ =	shalt  }
0x81: {  	_ =	shalt  }
0x82: {  	_ =	shalt  }
0x83: {  	_ =	shalt  }
0x84: {  	_ =	shalt  }
0x85: {  	_ =	shalt  }
0x86: {  	_ =	shalt  }
0x87: {  	_ =	shalt  }
.Lfunc_end0:
.L_simem_size_0:
called_computation.2_lowered:
.L_overlay_start_0:
0x88: {  	s2 =	sld [smem:$0x3FD9]  }
0x89: {  	s3 =	sld [smem:$0x3FFE];
	_ =	sdelay $0x1  }
0x8a: {  	s1 =	srdreg.scid  }
0x8b: {  	s0 =	sand.u32 $0x1, s1  }
0x8c: {  	s16 =	sshll.u32 s0, $0xA;
	s2 =	sadd.s32 s3, s2  }
0x8d: {  	s2 =	sadd.s32 s2, s16  }
0x8e: {  	[smem:$0x3FC0] =	sst s2  }
0x8f: {  	_ = 	snop  }
0x90: {  	(tm) =	ssettm $0x1  }
0x91: {  	s17 =	sld [smem:$0x3FFB];
	_ =	sdelay $0x3  }
0x92: {  	_ =	strace s17  }
0x93: {  	s2 =	sld [smem:$0x3FFC];
	_ =	sdelay $0x3  }
0x94: {  	_ =	strace s2  }
0x95: {  	s2 =	sld [smem:$0x3FFD];
	_ =	sdelay $0x3  }
0x96: {  	_ =	strace s2  }
0x97: {  	_ =	strace $0x8FFFFFFF  }
0x98: {  	s18 =	sld [smem:$0x3FDB];
	_ =	sdelay $0x1  }
0x99: {  	s19 =	simm.s32 $_scs_section_size  }
0x9a: {  	s4 =	simm.s32 $_size__tile_overlayer_lowered;
	s5 =	simm.s32 $_tile_overlayer_lowered  }
0x9b: {  	s22 =	simm.s32 $0x1BFF;
	s21 =	sshll.u32 s5, $0x1;
	s2 =	sadd.s32 s19, s18  }
0x9c: {  	s6 =	simm.s32 $0x0;
	s20 =	sshll.u32 s4, $0x1;
	s4 =	sadd.s32 s21, s2  }
0x9d: {  	[timem:s6], [sflag:s22] =	dma.local [hbm:s4], s20  }
0x9e: {  	_ =	swait.ge [sflag:s22], s20  }
0x9f: {  	s3 =	ssub.s32 $0x0, s20;
	[sflag:s22] =	ssyncset.done $0x0  }
0xa0: {  	[sflag:s22] =	ssyncadd.s32 s3;
	_ =	sdelay $0x1  }
0xa1: {  	s23 =	simm.s32 $0x1B8B  }
0xa2: {  	_ =	swait.ge [sflag:s23], $0x1  }
0xa3: {  	[sflag:s23] =	ssyncset.done $0x0  }
0xa4: {  	s25 =	simm.s32 $0x1B8E;
	s24 =	sld [smem:$0x3FFE];
	[sflag:s23] =	ssyncadd.s32 $0xFFFFFFFF  }
0xa5: {  	s26 =	simm.s32 $execute0_lowered;
	[smem:$0x3FD2] =	sst s25  }
0xa6: {  	s4 =	sshll.u32 s26, $0x1;
	_ =	strace $0x8000004C;
	[dreg:$0x1] =	wrdreg $0xFFFFFFFF  }
0xa7: {  	s28 =	simm.s32 $_size_execute0_lowered;
	s2 =	sadd.s32 s2, s4;
	[dreg:$0x0] =	wrdreg $0x0  }
0xa8: {  	s4 =	sshll.u32 s28, $0x1;
	[dreg:$0x2] =	wrdreg s2  }
0xa9: {  	[dreg:$0x3] =	wrdreg s4  }
0xaa: {  	[dreg:$0x4] =	wrdreg $0xC0  }
0xab: {  	_ =	task [dreg:s6], $0x5FFFF  }
0xac: {  	[dreg:$0x1] =	wrdreg $0xFFFFFFFF  }
0xad: {  	[dreg:$0x0] =	wrdreg $0x60  }
0xae: {  	[dreg:$0x2] =	wrdreg s24  }
0xaf: {  	[dreg:$0x3] =	wrdreg $0xA9000  }
0xb0: {  	[dreg:$0x4] =	wrdreg $0x9  }
0xb1: {  	_ =	task.clear_ibuf [dreg:s6], $0x5FFFF;
	_ =	strace $0x9000004C  }
0xb2: {  	s29 =	simm.s32 $0x9;
	_ =	strace $0x8000004E  }
0xb3: {  	_ =	swait.ge [sflag:s29], $0x1  }
0xb4: {  	[sflag:s29] =	ssyncadd.s32 $0xFFFFFFFF  }
0xb5: {  	_ =	strace $0x9000004E  }
0xb6: {  	_ =	sfence  }
0xb7: {  	s30 =	sld [smem:$0x0];
	_ =	sdelay $0x2  }
0xb8: {  	s31 =	sshll.u32 s1, $0xD;
	s1 =	sshrl.u32 s1, $0x2  }
0xb9: {  	s3 =	sand.u32 $0x4000, s31;
	s1 =	sadd.s32 s1, s30  }
0xba: {  	s0 =	sor.u32 s3, s0;
	s1 =	sshll.u32 s1, $0x11  }
0xbb: {  	s0 =	sor.u32 s1, s0  }
0xbc: {  	s0 =	sadd.s32 $0x8F2B, s0  }
0xbd: {  	[sflag:s0] =	ssyncadd.remote.s32 $0x1  }
0xbe: {  	_ =	sfence.sel $0xFFFF  }
0xbf: {  	[dreg:$0x0] =	wrdreg $0xFFFFFFFF;
	(pc) =	sbr.abs _section_cstart, $3  }
0xc0: {  	[dreg:$0x1] =	wrdreg $0xFFFFFFFF  }
0xc1: {  	_ =	task.clear_ibuf [dreg:s6], $0x2FFFF;
	_ =	strace $0x9FFFFFFF  }
0xc2: {  	(tm) =	ssettm $0x7FFFFFFF  }
0xc3: {  	_ =	shalt  }
tec
execute0_lowered:
.L_overlay_start_1:
0x0: {  	(tag) =	ssettag $0x1  }
0x1: {  	s0 =	srdreg.scid;
	s1 =	rddreg [dreg:$0x0]  }
0x2: {  	s20 =	stileid.u32;
	s2 =	rddreg [dreg:$0x1]  }
0x3: {  	s28 =	simm.s32 $0x3;
	s29 =	simm.s32 $0x6900;
	s9 =	smul.u32 $0x50000, s20  }
0x4: {  	s30 =	simm.s32 $0x2880;
	s31 =	simm.s32 $0x2;
	s11 =	smul.u32 $0x14000, s20  }
0x5: {  	s0 =	sand.u32 $0x1, s0;
	s3 =	sshll.u32 s20, $0x1;
	s21 =	smul.u32 $0xA00, s20  }
0x6: {  	s5 =	sadd.s32 $0x16C00, s1;
	s4 =	sor.u32 s0, s3;
	s16 =	smul.u32 $0x140000, s0  }
0x7: {  	s3 =	simm.s32 $0x0;
	s8 =	ssub.s32 $0x2, s0;
	s0 =	smul.u32 $0x500, s0  }
0x8: {  	s6 =	smul.u32 $0x500, s4;
	[smem:$0x7FF] =	sst s3;
	s4 =	sadd.s32 $0x2C00, s1  }
0x9: {  	s10 =	sshrl.u32 s8, $0x1;
	s25 =	sshrl.u32 s9, $0x2;
	s14 =	sadd.s32 $0x4000, s11  }
0xa: {  	s15 =	sadd.s32 $0x8000, s11;
	s17 =	sadd.s32 $0xC000, s11;
	s18 =	sadd.s32 $0x10000, s11  }
0xb: {  	_ =	strace $0x8000004D;
	s13 =	ssub.s32 s8, s10;
	s8 =	sadd.s32 s14, s2  }
0xc: {  	s9 =	sadd.s32 s15, s2;
	s12 =	sadd.s32 s11, s16;
	s10 =	sadd.s32 s17, s2  }
0xd: {  	s11 =	sadd.s32 s18, s2;
	s15 =	sadd.s32 s16, s15;
	s23 =	sadd.s32 s16, s17  }
0xe: {  	s7 =	sadd.s32 s6, s1;
	s1 =	sadd.s32 $0x3EC00, s1;
	s19 =	sshrl.u32 s12, $0x3  }
0xf: {  	s12 =	sadd.s32 s4, s6;
	s22 =	sshrl.u32 s15, $0x3;
	s7 =	sadd.s32 $0xCC00, s7  }
0x10: {  	s26 =	sadd.s32 s1, s19;
	s19 =	sadd.s32 s16, s14;
	s16 =	sadd.s32 s16, s18  }
0x11: {  	s20 =	sadd.s32 $0x4F0, s12;
	[dreg:$0x3] =	wrdreg s7;
	s7 =	sadd.s32 s25, s2  }
0x12: {  	[dreg:$0x4] =	wrdreg s26;
	s6 =	sshrl.u32 s19, $0x3;
	s18 =	sshrl.u32 s16, $0x3  }
0x13: {  	s16 =	sadd.s32 s0, s21;
	s19 =	smax.u32 s13, $0x1;
	s0 =	simm.s32 $0x0  }
0x14: {  	s6 =	sadd.s32 s1, s6;
	s25 =	sadd.s32 s1, s18;
	s26 =	sadd.s32 s4, s16  }
0x15: {  	s18 =	smov.u32 s12;
	[dreg:$0x5] =	wrdreg s6;
	s6 =	sadd.s32 s1, s22  }
0x16: {  	[dreg:$0x8] =	wrdreg s25;
	s21 =	sadd.s32 $0x20, s26;
	s22 =	simm.s32 $0x5  }
0x17: {  	s25 =	simm.s32 $0x2800;
	[dreg:$0x6] =	wrdreg s6;
	s6 =	sshrl.u32 s23, $0x3  }
0x18: {  	s26 =	simm.s32 $0x1;
	s23 =	simm.s32 $0x2900;
	s24 =	sadd.s32 s1, s6  }
0x19: {  	v0 =	vimm.f32 $0.0e+00;
	s1 =	simm.s32 $0x4;
	[dreg:$0x7] =	wrdreg s24;
	s24 =	simm.s32 $0x80  }
.LBB2_1:
0x1a: {  	s6 =	rddreg [dreg:$0x3]  }
0x1b: {  	[tilespmem:s3], [sflag:$0x5] =	stream.linear.gather [hbm4b:s6+s3], $0x2800, $0x38;
	[tilespmem:$0x1E900] =	vst v63  }
0x1c: {  	_ =	swait.ge [sflag:s22], $0x2800  }
0x1d: {  	[sflag:s22] =	ssyncset.done $0x0  }
0x1e: {  	s13 =	simm.s32 $0x200;
	s6 =	simm.s32 $0x0;
	[sflag:s22] =	ssyncadd.s32 $0xFFFFD800  }
.LBB2_2:
0x1f: {  	p0 =	sne.s32 s13, $0xFE00;
	[tilespmem:s6+$0x2970] =	vst v0  }
0x20: {  	[tilespmem:s6+$0x2900] =	vst v0  }
0x21: {  	[tilespmem:s6+$0x2910] =	vst v0  }
.Ltmp0:
0x22: {  	[tilespmem:s6+$0x2920] =	vst v0;
	(pc) =	sbr.rel @p0 .LBB2_2-.Ltmp0, $4  }
0x23: {  	[tilespmem:s6+$0x2930] =	vst v0  }
0x24: {  	[tilespmem:s6+$0x2940] =	vst v0  }
0x25: {  	[tilespmem:s6+$0x2950] =	vst v0  }
0x26: {  	[tilespmem:s6+$0x2960] =	vst v0;
	s6 =	sshra.s32 s13, $0x2;
	s13 =	sadd.s32 $0x200, s13  }
0x27: {  	[tilespmem:s6+$0x2970] =	vst v0  }
0x28: {  	[tilespmem:s6+$0x2900] =	vst v0  }
0x29: {  	[tilespmem:s6+$0x2910] =	vst v0  }
0x2a: {  	[tilespmem:s6+$0x2920] =	vst v0  }
0x2b: {  	[tilespmem:s6+$0x2930] =	vst v0  }
0x2c: {  	[tilespmem:s6+$0x2940] =	vst v0  }
0x2d: {  	[tilespmem:s6+$0x2950] =	vst v0  }
0x2e: {  	[tilespmem:s6+$0x2960] =	vst v0  }
0x2f: {  	[spmem:s7] =	stream.linear.scatter [tilespmem:s23], [sflag:$0x5], $0x4000, $0x38;
	[tilespmem:$0x1E900] =	vst v63  }
0x30: {  	_ =	swait.ge [sflag:s22], $0x4000  }
0x31: {  	[sflag:s22] =	ssyncset.done $0x0  }
0x32: {  	[sflag:s22] =	ssyncadd.s32 $0xFFFFC000  }
0x33: {  	[spmem:s8] =	stream.linear.scatter [tilespmem:s23], [sflag:$0x5], $0x4000, $0x38;
	[tilespmem:$0x1E900] =	vst v63  }
0x34: {  	_ =	swait.ge [sflag:s22], $0x4000  }
0x35: {  	[sflag:s22] =	ssyncset.done $0x0  }
0x36: {  	[sflag:s22] =	ssyncadd.s32 $0xFFFFC000  }
0x37: {  	[spmem:s9] =	stream.linear.scatter [tilespmem:s23], [sflag:$0x5], $0x4000, $0x38;
	[tilespmem:$0x1E900] =	vst v63  }
0x38: {  	_ =	swait.ge [sflag:s22], $0x4000  }
0x39: {  	[sflag:s22] =	ssyncset.done $0x0  }
0x3a: {  	[sflag:s22] =	ssyncadd.s32 $0xFFFFC000  }
0x3b: {  	[spmem:s10] =	stream.linear.scatter [tilespmem:s23], [sflag:$0x5], $0x4000, $0x38;
	[tilespmem:$0x1E900] =	vst v63  }
0x3c: {  	_ =	swait.ge [sflag:s22], $0x4000  }
0x3d: {  	[sflag:s22] =	ssyncset.done $0x0  }
0x3e: {  	[sflag:s22] =	ssyncadd.s32 $0xFFFFC000  }
0x3f: {  	[spmem:s11] =	stream.linear.scatter [tilespmem:s23], [sflag:$0x5], $0x4000, $0x38;
	[tilespmem:$0x1E900] =	vst v63  }
0x40: {  	_ =	swait.ge [sflag:s22], $0x4000  }
0x41: {  	[sflag:s22] =	ssyncset.done $0x0  }
0x42: {  	[sflag:s22] =	ssyncadd.s32 $0xFFFFC000  }
0x43: {  	s14 =	simm.s32 $0x0;
	[bflag:$0x0] =	sbarrier.arrive $0xFFFF  }
0x44: {  	[tilespmem:s23], [sflag:$0x1] =	stream.indirect.gather [hbm4b:s5+s24], $0x80, s14, s24, $0xb8;
	[tilespmem:$0x1E900] =	vst v63  }
0x45: {  	_ = 	snop  }
0x46: {  	[tilespmem:s25], [sflag:$0x3] =	stream.linear.gather [hbm4b:s18+s14], $0x80, $0x38;
	[tilespmem:$0x1E900] =	vst v63  }
0x47: {  	_ =	swait.ge [sflag:s26], $0x4000  }
0x48: {  	[sflag:s26] =	ssyncset.done $0x0  }
0x49: {  	[sflag:s26] =	ssyncadd.s32 $0xFFFFC000  }
0x4a: {  	_ =	swait.ge [sflag:s28], $0x80  }
0x4b: {  	s13 =	simm.s32 $0x80;
	[sflag:s28] =	ssyncset.done $0x0  }
0x4c: {  	s15 =	sadd.s32 $0x0, s16;
	s6 =	sand.u32 $0x60, s14;
	[sflag:s28] =	ssyncadd.s32 $0xFFFFFF80  }
0x4d: {  	[tilespmem:s29], [sflag:$0x2] =	stream.indirect.gather [hbm4b:s5+s24], $0x80, s13, s24, $0xb8;
	[tilespmem:$0x1E900] =	vst v63  }
0x4e: {  	s6 =	sadd.s32 s6, s4;
	s13 =	sand.u32 $0xFFFFF80, s15  }
0x4f: {  	s6 =	sadd.s32 s13, s6  }
0x50: {  	s6 =	sadd.s32 $0x10, s6  }
0x51: {  	[tilespmem:s30], [sflag:$0x4] =	stream.linear.gather [hbm4b:s6+s3], $0x80, $0x38;
	[tilespmem:$0x1E900] =	vst v63  }
0x52: {  	_ = 	snop  }
0x53: {  	[spmem:s2] =	stream.indirect.scatter.add.f32 [tilespmem:s23], [sflag:$0x5], $0x80, s25, s24, $0xb8;
	[tilespmem:$0x1E900] =	vst v63  }
0x54: {  	_ =	swait.ge [sflag:s22], $0x4000  }
0x55: {  	[sflag:s22] =	ssyncset.done $0x0  }
0x56: {  	[sflag:s22] =	ssyncadd.s32 $0xFFFFC000  }
0x57: {  	_ =	swait.ge [sflag:s31], $0x4000  }
0x58: {  	[sflag:s31] =	ssyncset.done $0x0  }
0x59: {  	[sflag:s31] =	ssyncadd.s32 $0xFFFFC000  }
0x5a: {  	_ =	swait.ge [sflag:s1], $0x80  }
0x5b: {  	[sflag:s1] =	ssyncset.done $0x0  }
0x5c: {  	s6 =	simm.s32 $0x100;
	[sflag:s1] =	ssyncadd.s32 $0xFFFFFF80  }
0x5d: {  	[tilespmem:s23], [sflag:$0x1] =	stream.indirect.gather [hbm4b:s5+s24], $0x80, s6, s24, $0xb8;
	[tilespmem:$0x1E900] =	vst v63  }
0x5e: {  	s17 =	sadd.s32 $0x0, s21  }
0x5f: {  	[tilespmem:s25], [sflag:$0x3] =	stream.linear.gather [hbm4b:s17+s3], $0x80, $0x38;
	[tilespmem:$0x1E900] =	vst v63  }
0x60: {  	_ = 	snop  }
0x61: {  	[spmem:s2] =	stream.indirect.scatter.add.f32 [tilespmem:s29], [sflag:$0x5], $0x80, s30, s24, $0xb8;
	[tilespmem:$0x1E900] =	vst v63  }
0x62: {  	s13 =	simm.s32 $0x20;
	_ =	swait.ge [sflag:s22], $0x4000  }
.LBB2_4:
0x63: {  	p0 =	sne.s32 s13, $0x4C0;
	[sflag:s22] =	ssyncset.done $0x0;
	s6 =	sadd.s32 $0x100, s6  }
0x64: {  	s14 =	smov.u32 s13;
	s13 =	sadd.s32 $0x20, s13;
	[sflag:s22] =	ssyncadd.s32 $0xFFFFC000  }
0x65: {  	_ =	swait.ge [sflag:s26], $0x4000  }
0x66: {  	[sflag:s26] =	ssyncset.done $0x0  }
0x67: {  	[sflag:s26] =	ssyncadd.s32 $0xFFFFC000  }
0x68: {  	s12 =	sadd.s32 $0xFFFFFF80, s6;
	_ =	swait.ge [sflag:s28], $0x80  }
0x69: {  	s15 =	sadd.s32 s14, s16;
	s17 =	sand.u32 $0x60, s14;
	[sflag:s28] =	ssyncset.done $0x0  }
0x6a: {  	s15 =	sand.u32 $0xFFFFF80, s15;
	s17 =	sadd.s32 s17, s4;
	[sflag:s28] =	ssyncadd.s32 $0xFFFFFF80  }
0x6b: {  	[tilespmem:s29], [sflag:$0x2] =	stream.indirect.gather [hbm4b:s5+s24], $0x80, s12, s24, $0xb8;
	[tilespmem:$0x1E900] =	vst v63  }
0x6c: {  	s12 =	sadd.s32 s15, s17  }
0x6d: {  	s12 =	sadd.s32 $0x10, s12  }
0x6e: {  	[tilespmem:s30], [sflag:$0x4] =	stream.linear.gather [hbm4b:s12+s3], $0x80, $0x38;
	[tilespmem:$0x1E900] =	vst v63  }
0x6f: {  	_ = 	snop  }
0x70: {  	[spmem:s2] =	stream.indirect.scatter.add.f32 [tilespmem:s23], [sflag:$0x5], $0x80, s25, s24, $0xb8;
	[tilespmem:$0x1E900] =	vst v63  }
0x71: {  	_ =	swait.ge [sflag:s22], $0x4000  }
0x72: {  	[sflag:s22] =	ssyncset.done $0x0  }
0x73: {  	[sflag:s22] =	ssyncadd.s32 $0xFFFFC000  }
0x74: {  	_ =	swait.ge [sflag:s31], $0x4000  }
0x75: {  	[sflag:s31] =	ssyncset.done $0x0  }
0x76: {  	[sflag:s31] =	ssyncadd.s32 $0xFFFFC000  }
0x77: {  	_ =	swait.ge [sflag:s1], $0x80  }
0x78: {  	[sflag:s1] =	ssyncset.done $0x0  }
0x79: {  	s12 =	sadd.s32 s14, s21;
	[sflag:s1] =	ssyncadd.s32 $0xFFFFFF80  }
0x7a: {  	[tilespmem:s23], [sflag:$0x1] =	stream.indirect.gather [hbm4b:s5+s24], $0x80, s6, s24, $0xb8;
	[tilespmem:$0x1E900] =	vst v63  }
.Ltmp1:
0x7b: {  	(pc) =	sbr.rel @p0 .LBB2_4-.Ltmp1, $4  }
0x7c: {  	[tilespmem:s25], [sflag:$0x3] =	stream.linear.gather [hbm4b:s12+s3], $0x80, $0x38;
	[tilespmem:$0x1E900] =	vst v63  }
0x7d: {  	_ = 	snop  }
0x7e: {  	[spmem:s2] =	stream.indirect.scatter.add.f32 [tilespmem:s29], [sflag:$0x5], $0x80, s30, s24, $0xb8;
	[tilespmem:$0x1E900] =	vst v63  }
0x7f: {  	_ =	swait.ge [sflag:s22], $0x4000  }
0x80: {  	[sflag:s22] =	ssyncset.done $0x0  }
0x81: {  	[sflag:s22] =	ssyncadd.s32 $0xFFFFC000  }
0x82: {  	_ =	swait.ge [sflag:s26], $0x4000  }
0x83: {  	[sflag:s26] =	ssyncset.done $0x0  }
0x84: {  	[sflag:s26] =	ssyncadd.s32 $0xFFFFC000  }
0x85: {  	_ =	swait.ge [sflag:s28], $0x80  }
0x86: {  	[sflag:s28] =	ssyncset.done $0x0  }
0x87: {  	s6 =	simm.s32 $0x2780;
	[sflag:s28] =	ssyncadd.s32 $0xFFFFFF80  }
0x88: {  	[tilespmem:s29], [sflag:$0x2] =	stream.indirect.gather [hbm4b:s5+s24], $0x80, s6, s24, $0xb8;
	[tilespmem:$0x1E900] =	vst v63  }
0x89: {  	_ = 	snop  }
0x8a: {  	[tilespmem:s30], [sflag:$0x4] =	stream.linear.gather [hbm4b:s20+s3], $0x80, $0x38;
	[tilespmem:$0x1E900] =	vst v63  }
0x8b: {  	_ = 	snop  }
0x8c: {  	[spmem:s2] =	stream.indirect.scatter.add.f32 [tilespmem:s23], [sflag:$0x5], $0x80, s25, s24, $0xb8;
	[tilespmem:$0x1E900] =	vst v63  }
0x8d: {  	_ =	swait.ge [sflag:s22], $0x4000  }
0x8e: {  	[sflag:s22] =	ssyncset.done $0x0  }
0x8f: {  	[sflag:s22] =	ssyncadd.s32 $0xFFFFC000  }
0x90: {  	_ =	swait.ge [sflag:s31], $0x4000  }
0x91: {  	[sflag:s31] =	ssyncset.done $0x0  }
0x92: {  	[sflag:s31] =	ssyncadd.s32 $0xFFFFC000  }
0x93: {  	_ =	swait.ge [sflag:s1], $0x80  }
0x94: {  	[sflag:s1] =	ssyncset.done $0x0  }
0x95: {  	[sflag:s1] =	ssyncadd.s32 $0xFFFFFF80  }
0x96: {  	[spmem:s2] =	stream.indirect.scatter.add.f32 [tilespmem:s29], [sflag:$0x5], $0x80, s30, s24, $0xb8;
	[tilespmem:$0x1E900] =	vst v63  }
0x97: {  	_ =	swait.ge [sflag:s22], $0x4000  }
0x98: {  	[sflag:s22] =	ssyncset.done $0x0  }
0x99: {  	s12 =	stileid.u32;
	[sflag:s22] =	ssyncadd.s32 $0xFFFFC000  }
0x9a: {  	s6 =	sshll.u32 s12, $0x6;
	[bflag:$0x0] =	sbarrier.arrive $0xFFFF  }
0x9b: {  	s12 =	sshrl.u32 s7, $0x3;
	s6 =	sor.u32 $0x1C05, s6;
	s13 =	rddreg [dreg:$0x4]  }
0x9c: {  	[hbm:s13], [sflag:s6] =	dma.local [spmem:s12], $0x800  }
0x9d: {  	_ =	swait.ge [sflag:s22], $0x800  }
0x9e: {  	[sflag:s22] =	ssyncset.done $0x0  }
0x9f: {  	s13 =	sshrl.u32 s8, $0x3;
	s14 =	rddreg [dreg:$0x5];
	[sflag:s22] =	ssyncadd.s32 $0xFFFFF800  }
0xa0: {  	[hbm:s14], [sflag:s6] =	dma.local [spmem:s13], $0x800  }
0xa1: {  	_ =	swait.ge [sflag:s22], $0x800  }
0xa2: {  	[sflag:s22] =	ssyncset.done $0x0  }
0xa3: {  	s15 =	sshrl.u32 s9, $0x3;
	s17 =	rddreg [dreg:$0x6];
	[sflag:s22] =	ssyncadd.s32 $0xFFFFF800  }
0xa4: {  	[hbm:s17], [sflag:s6] =	dma.local [spmem:s15], $0x800  }
0xa5: {  	_ =	swait.ge [sflag:s22], $0x800  }
0xa6: {  	[sflag:s22] =	ssyncset.done $0x0  }
0xa7: {  	s13 =	sshrl.u32 s10, $0x3;
	s14 =	rddreg [dreg:$0x7];
	[sflag:s22] =	ssyncadd.s32 $0xFFFFF800  }
0xa8: {  	[hbm:s14], [sflag:s6] =	dma.local [spmem:s13], $0x800  }
0xa9: {  	s0 =	sadd.s32 $0x1, s0;
	_ =	swait.ge [sflag:s22], $0x800  }
0xaa: {  	p0 =	sne.s32 s0, s19;
	s15 =	sshrl.u32 s11, $0x3;
	[sflag:s22] =	ssyncset.done $0x0  }
.Ltmp2:
0xab: {  	s17 =	rddreg [dreg:$0x8];
	[sflag:s22] =	ssyncadd.s32 $0xFFFFF800;
	(pc) =	sbr.rel @p0 .LBB2_1-.Ltmp2, $4  }
0xac: {  	[hbm:s17], [sflag:s6] =	dma.local [spmem:s15], $0x800  }
0xad: {  	_ =	swait.ge [sflag:s22], $0x800  }
0xae: {  	[sflag:s22] =	ssyncset.done $0x0  }
0xaf: {  	[sflag:s22] =	ssyncadd.s32 $0xFFFFF800  }
0xb0: {  	_ =	sfence.sel $0x180000  }
0xb1: {  	[bflag:$0x0] =	sbarrier.arrive $0xFFFF  }
0xb2: {  	_ =	strace $0x9000004D  }
0xb3: {  	s0 =	stileid.u32;
	[bflag:$0x2] =	sbarrier.arrive $0xFFFF  }
0xb4: {  	p0 =	sne.s32 s0, $0x0;
	s0 =	rddreg [dreg:$0x2]  }
0xb5: {  	s0 =	sadd.s32 @!p0 $0x100000, s0  }
0xb6: {  	[sflag:s0] =	ssyncadd.tile.s32 @!p0 $0x1;
	_ =	shalt  }
.Lfunc_end2:
_tile_overlayer_lowered:
.L_overlay_start_2:
0xb7: {  	(tag) =	ssettag $0x2  }
0xb8: {  	s0 =	rddreg [dreg:$0x0];
	s2 =	stileid.u32  }
0xb9: {  	s1 =	rddreg [dreg:$0x1];
	p0 =	sne.s32 s2, $0x0  }
0xba: {  	s3 =	rddreg [dreg:$0x2];
	[bflag:$0x3] =	sbarrier.arrive $0xFFFF;
	s2 =	simm.s32 @!p0 $0x1C05  }
0xbb: {  	[timem:s3], [sflag:s2] =	dma.local @!p0 [hbm:s0], s1  }
0xbc: {  	s0 =	simm.s32 @!p0 $0x5  }
0xbd: {  	_ =	swait.ge @!p0 [sflag:s0], s1  }
0xbe: {  	s1 =	ssub.s32 @!p0 $0x0, s1;
	[sflag:s0] =	ssyncset.done @!p0 $0x0  }
0xbf: {  	[sflag:s0] =	ssyncadd.s32 @!p0 s1  }
0xc0: {  	[bflag:$0x3] =	sbarrier.arrive $0xFFFF  }
0xc1: {  	_ =	shalt  }

// kernel: kernel.19.cloned.1.call-start
scs
__scs_entry_jumppad:
0x0: {  	(pc) =	sbr.rel $0x88, $3  }
0x1: {  	(tag) =	ssettag $0x0;
	lr =	simm.s32 $0x1  }
0x2: {  	[smem:$0x3F99] =	sst lr;
	_ =	strace $0xD0000000  }
0x3: {  	_ = 	snop  }
0x4: {  	_ = 	snop  }
0x5: {  	_ = 	snop  }
0x6: {  	_ = 	snop  }
0x7: {  	_ = 	snop  }
__scs_overlays_trampoline_lowered:
0x8: {  	[smem:$0x3FA8] =	sst s0  }
0x9: {  	[smem:$0x3FA9] =	sst s1  }
0xa: {  	[smem:$0x3FAA] =	sst s2  }
0xb: {  	[smem:$0x3FAB] =	sst s3  }
0xc: {  	[smem:$0x3FAC] =	sst s4  }
0xd: {  	[smem:$0x3FAD] =	sst s5  }
0xe: {  	[smem:$0x3FAE] =	sst s6  }
0xf: {  	[smem:$0x3FAF] =	sst s7  }
0x10: {  	[smem:$0x3FB0] =	sst s8  }
0x11: {  	[smem:$0x3FB1] =	sst s9;
	s0 =	simm.s32 @!p0 $0x0  }
0x12: {  	s1 =	sld [smem:$0x3F97];
	s0 =	simm.s32 @p0 $0x1  }
0x13: {  	[smem:$0x3FB2] =	sst s0;
	s0 =	simm.s32 @!p1 $0x0  }
0x14: {  	s2 =	sld [smem:$0x3F96];
	s0 =	simm.s32 @p1 $0x1  }
0x15: {  	[smem:$0x3FB3] =	sst s0;
	s0 =	simm.s32 @!p2 $0x0  }
0x16: {  	s3 =	sld [smem:$0x3FDB];
	s0 =	simm.s32 @p2 $0x1  }
0x17: {  	s4 =	simm.s32 $0x1BF5;
	[smem:$0x3FB5] =	sst s0  }
0x18: {  	s0 =	sld [smem:$0x3F98];
	_ =	swait.ge [sflag:s4], $0x0  }
0x19: {  	s7 =	sld [smem:$0x3F99]  }
0x1a: {  	s8 =	sadd.s32 $0xFFFFE003, lr  }
0x1b: {  	s9 =	sadd.s32 $0xFFFFFEF7, lr;
	s5 =	simm.s32 $0xFFFFFFFF;
	p2 =	slt.u32 s8, $0xFFFFF086  }
0x1c: {  	p1 =	slt.u32 s9, $0xF7A;
	s5 =	simm.s32 @!p2 $0x0  }
0x1d: {  	s5 =	simm.s32 @p1 $0x1;
	p0 =	seq.s32 s7, s2  }
0x1e: {  	s7 =	smul.u32 @!p0 $0xF7A, s2;
	p2 =	seq.s32 @!p0 s5, $0x0  }
0x1f: {  	s9 =	smul.u32 $0xF7A, s1;
	s8 =	simm.s32 @!p0 $0x1BF5;
	p2 =	por !p2, p0  }
0x20: {  	[sflag:s8] =	ssyncset.s32 @!p0 $0xFFFFF086;
	s6 =	sadd.s32 @!p0 s3, s7;
	s7 =	simm.s32 @!p0 $0x108  }
0x21: {  	s3 =	sadd.s32 s3, s9;
	s6 =	sadd.s32 @!p0 $0x88, s6;
	s7 =	simm.s32 @p2 $0x1082  }
0x22: {  	[simem:s7], [sflag:s8] =	dma.local @!p0 [hbm:s6], $0xF7A  }
0x23: {  	s9 =	sor.u32 $0xD0000000, s2;
	s6 =	simm.s32 $0x108;
	_ =	swait.ge @!p0 [sflag:s8], $0x0  }
0x24: {  	s3 =	sadd.s32 $0x88, s3;
	s6 =	simm.s32 @!p1 $0x1082;
	[sflag:s4] =	ssyncset.s32 $0xFFFFF086  }
0x25: {  	[simem:s6], [sflag:s4] =	dma.local [hbm:s3], $0xF7A  }
0x26: {  	[smem:$0x3F99] =	sst s1;
	(tag) =	ssettag s2;
	_ =	strace s9  }
0x27: {  	s1 =	sld [smem:$0x3FA9]  }
0x28: {  	s2 =	sld [smem:$0x3FAA]  }
0x29: {  	s4 =	sld [smem:$0x3FAC]  }
0x2a: {  	p0 =	seq.s32 s5, $0x0;
	s5 =	sld [smem:$0x3FAD]  }
0x2b: {  	s6 =	sld [smem:$0x3FAE]  }
0x2c: {  	s7 =	sld [smem:$0x3FAF]  }
0x2d: {  	s3 =	simm.s32 $0x108;
	s8 =	sld [smem:$0x3FB0]  }
0x2e: {  	s3 =	simm.s32 @!p0 $0x1082;
	s9 =	sld [smem:$0x3FB1]  }
0x2f: {  	lr =	sadd.s32 s0, s3;
	s0 =	sld [smem:$0x3FA8]  }
0x30: {  	s3 =	sld [smem:$0x3FAB]  }
0x31: {  	[smem:$0x3FB4] =	sst s10  }
0x32: {  	s10 =	sld [smem:$0x3FB2];
	_ =	sdelay $0x3  }
0x33: {  	p0 =	seq.s32 s10, $0x1;
	s10 =	sld [smem:$0x3FB4];
	_ =	sdelay $0x3  }
0x34: {  	[smem:$0x3FB4] =	sst s10  }
0x35: {  	s10 =	sld [smem:$0x3FB3];
	_ =	sdelay $0x3  }
0x36: {  	p1 =	seq.s32 s10, $0x1;
	s10 =	sld [smem:$0x3FB4];
	_ =	sdelay $0x3  }
0x37: {  	[smem:$0x3FB4] =	sst s10  }
0x38: {  	s10 =	sld [smem:$0x3FB5]  }
0x39: {  	_ = 	snop;
	(pc) =	sbr.ind lr, $3  }
0x3a: {  	_ = 	snop  }
0x3b: {  	_ = 	snop  }
0x3c: {  	p2 =	seq.s32 s10, $0x1;
	s10 =	sld [smem:$0x3FB4]  }
0x3d: {  	_ =	shalt  }
0x3e: {  	_ =	shalt  }
0x3f: {  	_ =	shalt  }
0x40: {  	_ =	shalt  }
0x41: {  	_ =	shalt  }
0x42: {  	_ =	shalt  }
0x43: {  	_ =	shalt  }
0x44: {  	_ =	shalt  }
0x45: {  	_ =	shalt  }
0x46: {  	_ =	shalt  }
0x47: {  	_ =	shalt  }
0x48: {  	_ =	shalt  }
0x49: {  	_ =	shalt  }
0x4a: {  	_ =	shalt  }
0x4b: {  	_ =	shalt  }
0x4c: {  	_ =	shalt  }
0x4d: {  	_ =	shalt  }
0x4e: {  	_ =	shalt  }
0x4f: {  	_ =	shalt  }
0x50: {  	_ =	shalt  }
0x51: {  	_ =	shalt  }
0x52: {  	_ =	shalt  }
0x53: {  	_ =	shalt  }
0x54: {  	_ =	shalt  }
0x55: {  	_ =	shalt  }
0x56: {  	_ =	shalt  }
0x57: {  	_ =	shalt  }
0x58: {  	_ =	shalt  }
0x59: {  	_ =	shalt  }
0x5a: {  	_ =	shalt  }
0x5b: {  	_ =	shalt  }
0x5c: {  	_ =	shalt  }
0x5d: {  	_ =	shalt  }
0x5e: {  	_ =	shalt  }
0x5f: {  	_ =	shalt  }
0x60: {  	_ =	shalt  }
0x61: {  	_ =	shalt  }
0x62: {  	_ =	shalt  }
0x63: {  	_ =	shalt  }
0x64: {  	_ =	shalt  }
0x65: {  	_ =	shalt  }
0x66: {  	_ =	shalt  }
0x67: {  	_ =	shalt  }
0x68: {  	_ =	shalt  }
0x69: {  	_ =	shalt  }
0x6a: {  	_ =	shalt  }
0x6b: {  	_ =	shalt  }
0x6c: {  	_ =	shalt  }
0x6d: {  	_ =	shalt  }
0x6e: {  	_ =	shalt  }
0x6f: {  	_ =	shalt  }
0x70: {  	_ =	shalt  }
0x71: {  	_ =	shalt  }
0x72: {  	_ =	shalt  }
0x73: {  	_ =	shalt  }
0x74: {  	_ =	shalt  }
0x75: {  	_ =	shalt  }
0x76: {  	_ =	shalt  }
0x77: {  	_ =	shalt  }
0x78: {  	_ =	shalt  }
0x79: {  	_ =	shalt  }
0x7a: {  	_ =	shalt  }
0x7b: {  	_ =	shalt  }
0x7c: {  	_ =	shalt  }
0x7d: {  	_ =	shalt  }
0x7e: {  	_ =	shalt  }
0x7f: {  	_ =	shalt  }
0x80: {  	_ =	shalt  }
0x81: {  	_ =	shalt  }
0x82: {  	_ =	shalt  }
0x83: {  	_ =	shalt  }
0x84: {  	_ =	shalt  }
0x85: {  	_ =	shalt  }
0x86: {  	_ =	shalt  }
0x87: {  	_ =	shalt  }
.Lfunc_end0:
.L_simem_size_0:
called_computation.3_lowered:
.L_overlay_start_0:
0x88: {  	s2 =	sld [smem:$0x3FD9]  }
0x89: {  	s3 =	sld [smem:$0x3FFE];
	_ =	sdelay $0x1  }
0x8a: {  	s1 =	srdreg.scid  }
0x8b: {  	s0 =	sand.u32 $0x1, s1  }
0x8c: {  	s16 =	sshll.u32 s0, $0xA;
	s2 =	sadd.s32 s3, s2  }
0x8d: {  	s2 =	sadd.s32 s2, s16  }
0x8e: {  	[smem:$0x3FC0] =	sst s2  }
0x8f: {  	_ = 	snop  }
0x90: {  	(tm) =	ssettm $0x1  }
0x91: {  	s17 =	sld [smem:$0x3FFB];
	_ =	sdelay $0x3  }
0x92: {  	_ =	strace s17  }
0x93: {  	s2 =	sld [smem:$0x3FFC];
	_ =	sdelay $0x3  }
0x94: {  	_ =	strace s2  }
0x95: {  	s2 =	sld [smem:$0x3FFD];
	_ =	sdelay $0x3  }
0x96: {  	_ =	strace s2  }
0x97: {  	_ =	strace $0x8FFFFFFF  }
0x98: {  	s18 =	sld [smem:$0x3FDB];
	_ =	sdelay $0x1  }
0x99: {  	s19 =	simm.s32 $_scs_section_size  }
0x9a: {  	s4 =	simm.s32 $_size__tile_overlayer_lowered;
	s5 =	simm.s32 $_tile_overlayer_lowered  }
0x9b: {  	s22 =	simm.s32 $0x1BFF;
	s21 =	sshll.u32 s5, $0x1;
	s2 =	sadd.s32 s19, s18  }
0x9c: {  	s6 =	simm.s32 $0x0;
	s20 =	sshll.u32 s4, $0x1;
	s4 =	sadd.s32 s21, s2  }
0x9d: {  	[timem:s6], [sflag:s22] =	dma.local [hbm:s4], s20  }
0x9e: {  	_ =	swait.ge [sflag:s22], s20  }
0x9f: {  	s3 =	ssub.s32 $0x0, s20;
	[sflag:s22] =	ssyncset.done $0x0  }
0xa0: {  	[sflag:s22] =	ssyncadd.s32 s3;
	_ =	sdelay $0x1  }
0xa1: {  	s23 =	simm.s32 $0x1B8B  }
0xa2: {  	_ =	swait.ge [sflag:s23], $0x1  }
0xa3: {  	[sflag:s23] =	ssyncset.done $0x0  }
0xa4: {  	s25 =	simm.s32 $0x1B8E;
	s24 =	sld [smem:$0x3FFE];
	[sflag:s23] =	ssyncadd.s32 $0xFFFFFFFF  }
0xa5: {  	s26 =	simm.s32 $execute0_lowered;
	[smem:$0x3FD2] =	sst s25  }
0xa6: {  	s4 =	sshll.u32 s26, $0x1;
	_ =	strace $0x8000004F;
	[dreg:$0x1] =	wrdreg $0xFFFFFFFF  }
0xa7: {  	s28 =	simm.s32 $_size_execute0_lowered;
	s2 =	sadd.s32 s2, s4;
	[dreg:$0x0] =	wrdreg $0x0  }
0xa8: {  	s4 =	sshll.u32 s28, $0x1;
	[dreg:$0x2] =	wrdreg s2  }
0xa9: {  	[dreg:$0x3] =	wrdreg s4  }
0xaa: {  	[dreg:$0x4] =	wrdreg $0xC0  }
0xab: {  	_ =	task [dreg:s6], $0x5FFFF  }
0xac: {  	[dreg:$0x1] =	wrdreg $0xFFFFFFFF  }
0xad: {  	[dreg:$0x0] =	wrdreg $0x60  }
0xae: {  	[dreg:$0x2] =	wrdreg s24  }
0xaf: {  	[dreg:$0x3] =	wrdreg $0xA9000  }
0xb0: {  	[dreg:$0x4] =	wrdreg $0x9  }
0xb1: {  	_ =	task.clear_ibuf [dreg:s6], $0x5FFFF;
	_ =	strace $0x9000004F  }
0xb2: {  	s29 =	simm.s32 $0x9;
	_ =	strace $0x80000051  }
0xb3: {  	_ =	swait.ge [sflag:s29], $0x1  }
0xb4: {  	[sflag:s29] =	ssyncadd.s32 $0xFFFFFFFF  }
0xb5: {  	_ =	strace $0x90000051  }
0xb6: {  	_ =	sfence  }
0xb7: {  	s30 =	sld [smem:$0x0];
	_ =	sdelay $0x2  }
0xb8: {  	s31 =	sshll.u32 s1, $0xD;
	s1 =	sshrl.u32 s1, $0x2  }
0xb9: {  	s3 =	sand.u32 $0x4000, s31;
	s1 =	sadd.s32 s1, s30  }
0xba: {  	s0 =	sor.u32 s3, s0;
	s1 =	sshll.u32 s1, $0x11  }
0xbb: {  	s0 =	sor.u32 s1, s0  }
0xbc: {  	s0 =	sadd.s32 $0x8F2B, s0  }
0xbd: {  	[sflag:s0] =	ssyncadd.remote.s32 $0x1  }
0xbe: {  	_ =	sfence.sel $0xFFFF  }
0xbf: {  	[dreg:$0x0] =	wrdreg $0xFFFFFFFF;
	(pc) =	sbr.abs _section_cstart, $3  }
0xc0: {  	[dreg:$0x1] =	wrdreg $0xFFFFFFFF  }
0xc1: {  	_ =	task.clear_ibuf [dreg:s6], $0x2FFFF;
	_ =	strace $0x9FFFFFFF  }
0xc2: {  	(tm) =	ssettm $0x7FFFFFFF  }
0xc3: {  	_ =	shalt  }
tec
execute0_lowered:
.L_overlay_start_1:
0x0: {  	(tag) =	ssettag $0x1  }
0x1: {  	s0 =	srdreg.scid;
	s1 =	rddreg [dreg:$0x0]  }
0x2: {  	s20 =	stileid.u32;
	s2 =	rddreg [dreg:$0x1]  }
0x3: {  	s28 =	simm.s32 $0x3;
	s29 =	simm.s32 $0x6900;
	s9 =	smul.u32 $0x50000, s20  }
0x4: {  	s30 =	simm.s32 $0x2880;
	s31 =	simm.s32 $0x2;
	s11 =	smul.u32 $0x14000, s20  }
0x5: {  	s0 =	sand.u32 $0x1, s0;
	s3 =	sshll.u32 s20, $0x1;
	s21 =	smul.u32 $0xA00, s20  }
0x6: {  	s5 =	sadd.s32 $0x16C00, s1;
	s4 =	sor.u32 s0, s3;
	s16 =	smul.u32 $0x140000, s0  }
0x7: {  	s3 =	simm.s32 $0x0;
	s8 =	ssub.s32 $0x2, s0;
	s0 =	smul.u32 $0x500, s0  }
0x8: {  	s6 =	smul.u32 $0x500, s4;
	[smem:$0x7FF] =	sst s3;
	s4 =	sadd.s32 $0x2C00, s1  }
0x9: {  	s10 =	sshrl.u32 s8, $0x1;
	s25 =	sshrl.u32 s9, $0x2;
	s14 =	sadd.s32 $0x4000, s11  }
0xa: {  	s15 =	sadd.s32 $0x8000, s11;
	s17 =	sadd.s32 $0xC000, s11;
	s18 =	sadd.s32 $0x10000, s11  }
0xb: {  	_ =	strace $0x80000050;
	s13 =	ssub.s32 s8, s10;
	s8 =	sadd.s32 s14, s2  }
0xc: {  	s9 =	sadd.s32 s15, s2;
	s12 =	sadd.s32 s11, s16;
	s10 =	sadd.s32 s17, s2  }
0xd: {  	s11 =	sadd.s32 s18, s2;
	s15 =	sadd.s32 s16, s15;
	s23 =	sadd.s32 s16, s17  }
0xe: {  	s7 =	sadd.s32 s6, s1;
	s1 =	sadd.s32 $0x3EC00, s1;
	s19 =	sshrl.u32 s12, $0x3  }
0xf: {  	s12 =	sadd.s32 s4, s6;
	s22 =	sshrl.u32 s15, $0x3;
	s7 =	sadd.s32 $0xCC00, s7  }
0x10: {  	s26 =	sadd.s32 s1, s19;
	s19 =	sadd.s32 s16, s14;
	s16 =	sadd.s32 s16, s18  }
0x11: {  	s20 =	sadd.s32 $0x4F0, s12;
	[dreg:$0x3] =	wrdreg s7;
	s7 =	sadd.s32 s25, s2  }
0x12: {  	[dreg:$0x4] =	wrdreg s26;
	s6 =	sshrl.u32 s19, $0x3;
	s18 =	sshrl.u32 s16, $0x3  }
0x13: {  	s16 =	sadd.s32 s0, s21;
	s19 =	smax.u32 s13, $0x1;
	s0 =	simm.s32 $0x0  }
0x14: {  	s6 =	sadd.s32 s1, s6;
	s25 =	sadd.s32 s1, s18;
	s26 =	sadd.s32 s4, s16  }
0x15: {  	s18 =	smov.u32 s12;
	[dreg:$0x5] =	wrdreg s6;
	s6 =	sadd.s32 s1, s22  }
0x16: {  	[dreg:$0x8] =	wrdreg s25;
	s21 =	sadd.s32 $0x20, s26;
	s22 =	simm.s32 $0x5  }
0x17: {  	s25 =	simm.s32 $0x2800;
	[dreg:$0x6] =	wrdreg s6;
	s6 =	sshrl.u32 s23, $0x3  }
0x18: {  	s26 =	simm.s32 $0x1;
	s23 =	simm.s32 $0x2900;
	s24 =	sadd.s32 s1, s6  }
0x19: {  	v0 =	vimm.f32 $0.0e+00;
	s1 =	simm.s32 $0x4;
	[dreg:$0x7] =	wrdreg s24;
	s24 =	simm.s32 $0x80  }
.LBB2_1:
0x1a: {  	s6 =	rddreg [dreg:$0x3]  }
0x1b: {  	[tilespmem:s3], [sflag:$0x5] =	stream.linear.gather [hbm4b:s6+s3], $0x2800, $0x38;
	[tilespmem:$0x1E900] =	vst v63  }
0x1c: {  	_ =	swait.ge [sflag:s22], $0x2800  }
0x1d: {  	[sflag:s22] =	ssyncset.done $0x0  }
0x1e: {  	s13 =	simm.s32 $0x200;
	s6 =	simm.s32 $0x0;
	[sflag:s22] =	ssyncadd.s32 $0xFFFFD800  }
.LBB2_2:
0x1f: {  	p0 =	sne.s32 s13, $0xFE00;
	[tilespmem:s6+$0x2970] =	vst v0  }
0x20: {  	[tilespmem:s6+$0x2900] =	vst v0  }
0x21: {  	[tilespmem:s6+$0x2910] =	vst v0  }
.Ltmp0:
0x22: {  	[tilespmem:s6+$0x2920] =	vst v0;
	(pc) =	sbr.rel @p0 .LBB2_2-.Ltmp0, $4  }
0x23: {  	[tilespmem:s6+$0x2930] =	vst v0  }
0x24: {  	[tilespmem:s6+$0x2940] =	vst v0  }
0x25: {  	[tilespmem:s6+$0x2950] =	vst v0  }
0x26: {  	[tilespmem:s6+$0x2960] =	vst v0;
	s6 =	sshra.s32 s13, $0x2;
	s13 =	sadd.s32 $0x200, s13  }
0x27: {  	[tilespmem:s6+$0x2970] =	vst v0  }
0x28: {  	[tilespmem:s6+$0x2900] =	vst v0  }
0x29: {  	[tilespmem:s6+$0x2910] =	vst v0  }
0x2a: {  	[tilespmem:s6+$0x2920] =	vst v0  }
0x2b: {  	[tilespmem:s6+$0x2930] =	vst v0  }
0x2c: {  	[tilespmem:s6+$0x2940] =	vst v0  }
0x2d: {  	[tilespmem:s6+$0x2950] =	vst v0  }
0x2e: {  	[tilespmem:s6+$0x2960] =	vst v0  }
0x2f: {  	[spmem:s7] =	stream.linear.scatter [tilespmem:s23], [sflag:$0x5], $0x4000, $0x38;
	[tilespmem:$0x1E900] =	vst v63  }
0x30: {  	_ =	swait.ge [sflag:s22], $0x4000  }
0x31: {  	[sflag:s22] =	ssyncset.done $0x0  }
0x32: {  	[sflag:s22] =	ssyncadd.s32 $0xFFFFC000  }
0x33: {  	[spmem:s8] =	stream.linear.scatter [tilespmem:s23], [sflag:$0x5], $0x4000, $0x38;
	[tilespmem:$0x1E900] =	vst v63  }
0x34: {  	_ =	swait.ge [sflag:s22], $0x4000  }
0x35: {  	[sflag:s22] =	ssyncset.done $0x0  }
0x36: {  	[sflag:s22] =	ssyncadd.s32 $0xFFFFC000  }
0x37: {  	[spmem:s9] =	stream.linear.scatter [tilespmem:s23], [sflag:$0x5], $0x4000, $0x38;
	[tilespmem:$0x1E900] =	vst v63  }
0x38: {  	_ =	swait.ge [sflag:s22], $0x4000  }
0x39: {  	[sflag:s22] =	ssyncset.done $0x0  }
0x3a: {  	[sflag:s22] =	ssyncadd.s32 $0xFFFFC000  }
0x3b: {  	[spmem:s10] =	stream.linear.scatter [tilespmem:s23], [sflag:$0x5], $0x4000, $0x38;
	[tilespmem:$0x1E900] =	vst v63  }
0x3c: {  	_ =	swait.ge [sflag:s22], $0x4000  }
0x3d: {  	[sflag:s22] =	ssyncset.done $0x0  }
0x3e: {  	[sflag:s22] =	ssyncadd.s32 $0xFFFFC000  }
0x3f: {  	[spmem:s11] =	stream.linear.scatter [tilespmem:s23], [sflag:$0x5], $0x4000, $0x38;
	[tilespmem:$0x1E900] =	vst v63  }
0x40: {  	_ =	swait.ge [sflag:s22], $0x4000  }
0x41: {  	[sflag:s22] =	ssyncset.done $0x0  }
0x42: {  	[sflag:s22] =	ssyncadd.s32 $0xFFFFC000  }
0x43: {  	s14 =	simm.s32 $0x0;
	[bflag:$0x0] =	sbarrier.arrive $0xFFFF  }
0x44: {  	[tilespmem:s23], [sflag:$0x1] =	stream.indirect.gather [hbm4b:s5+s24], $0x80, s14, s24, $0xb8;
	[tilespmem:$0x1E900] =	vst v63  }
0x45: {  	_ = 	snop  }
0x46: {  	[tilespmem:s25], [sflag:$0x3] =	stream.linear.gather [hbm4b:s18+s14], $0x80, $0x38;
	[tilespmem:$0x1E900] =	vst v63  }
0x47: {  	_ =	swait.ge [sflag:s26], $0x4000  }
0x48: {  	[sflag:s26] =	ssyncset.done $0x0  }
0x49: {  	[sflag:s26] =	ssyncadd.s32 $0xFFFFC000  }
0x4a: {  	_ =	swait.ge [sflag:s28], $0x80  }
0x4b: {  	s13 =	simm.s32 $0x80;
	[sflag:s28] =	ssyncset.done $0x0  }
0x4c: {  	s15 =	sadd.s32 $0x0, s16;
	s6 =	sand.u32 $0x60, s14;
	[sflag:s28] =	ssyncadd.s32 $0xFFFFFF80  }
0x4d: {  	[tilespmem:s29], [sflag:$0x2] =	stream.indirect.gather [hbm4b:s5+s24], $0x80, s13, s24, $0xb8;
	[tilespmem:$0x1E900] =	vst v63  }
0x4e: {  	s6 =	sadd.s32 s6, s4;
	s13 =	sand.u32 $0xFFFFF80, s15  }
0x4f: {  	s6 =	sadd.s32 s13, s6  }
0x50: {  	s6 =	sadd.s32 $0x10, s6  }
0x51: {  	[tilespmem:s30], [sflag:$0x4] =	stream.linear.gather [hbm4b:s6+s3], $0x80, $0x38;
	[tilespmem:$0x1E900] =	vst v63  }
0x52: {  	_ = 	snop  }
0x53: {  	[spmem:s2] =	stream.indirect.scatter.add.f32 [tilespmem:s23], [sflag:$0x5], $0x80, s25, s24, $0xb8;
	[tilespmem:$0x1E900] =	vst v63  }
0x54: {  	_ =	swait.ge [sflag:s22], $0x4000  }
0x55: {  	[sflag:s22] =	ssyncset.done $0x0  }
0x56: {  	[sflag:s22] =	ssyncadd.s32 $0xFFFFC000  }
0x57: {  	_ =	swait.ge [sflag:s31], $0x4000  }
0x58: {  	[sflag:s31] =	ssyncset.done $0x0  }
0x59: {  	[sflag:s31] =	ssyncadd.s32 $0xFFFFC000  }
0x5a: {  	_ =	swait.ge [sflag:s1], $0x80  }
0x5b: {  	[sflag:s1] =	ssyncset.done $0x0  }
0x5c: {  	s6 =	simm.s32 $0x100;
	[sflag:s1] =	ssyncadd.s32 $0xFFFFFF80  }
0x5d: {  	[tilespmem:s23], [sflag:$0x1] =	stream.indirect.gather [hbm4b:s5+s24], $0x80, s6, s24, $0xb8;
	[tilespmem:$0x1E900] =	vst v63  }
0x5e: {  	s17 =	sadd.s32 $0x0, s21  }
0x5f: {  	[tilespmem:s25], [sflag:$0x3] =	stream.linear.gather [hbm4b:s17+s3], $0x80, $0x38;
	[tilespmem:$0x1E900] =	vst v63  }
0x60: {  	_ = 	snop  }
0x61: {  	[spmem:s2] =	stream.indirect.scatter.add.f32 [tilespmem:s29], [sflag:$0x5], $0x80, s30, s24, $0xb8;
	[tilespmem:$0x1E900] =	vst v63  }
0x62: {  	s13 =	simm.s32 $0x20;
	_ =	swait.ge [sflag:s22], $0x4000  }
.LBB2_4:
0x63: {  	p0 =	sne.s32 s13, $0x4C0;
	[sflag:s22] =	ssyncset.done $0x0;
	s6 =	sadd.s32 $0x100, s6  }
0x64: {  	s14 =	smov.u32 s13;
	s13 =	sadd.s32 $0x20, s13;
	[sflag:s22] =	ssyncadd.s32 $0xFFFFC000  }
0x65: {  	_ =	swait.ge [sflag:s26], $0x4000  }
0x66: {  	[sflag:s26] =	ssyncset.done $0x0  }
0x67: {  	[sflag:s26] =	ssyncadd.s32 $0xFFFFC000  }
0x68: {  	s12 =	sadd.s32 $0xFFFFFF80, s6;
	_ =	swait.ge [sflag:s28], $0x80  }
0x69: {  	s15 =	sadd.s32 s14, s16;
	s17 =	sand.u32 $0x60, s14;
	[sflag:s28] =	ssyncset.done $0x0  }
0x6a: {  	s15 =	sand.u32 $0xFFFFF80, s15;
	s17 =	sadd.s32 s17, s4;
	[sflag:s28] =	ssyncadd.s32 $0xFFFFFF80  }
0x6b: {  	[tilespmem:s29], [sflag:$0x2] =	stream.indirect.gather [hbm4b:s5+s24], $0x80, s12, s24, $0xb8;
	[tilespmem:$0x1E900] =	vst v63  }
0x6c: {  	s12 =	sadd.s32 s15, s17  }
0x6d: {  	s12 =	sadd.s32 $0x10, s12  }
0x6e: {  	[tilespmem:s30], [sflag:$0x4] =	stream.linear.gather [hbm4b:s12+s3], $0x80, $0x38;
	[tilespmem:$0x1E900] =	vst v63  }
0x6f: {  	_ = 	snop  }
0x70: {  	[spmem:s2] =	stream.indirect.scatter.add.f32 [tilespmem:s23], [sflag:$0x5], $0x80, s25, s24, $0xb8;
	[tilespmem:$0x1E900] =	vst v63  }
0x71: {  	_ =	swait.ge [sflag:s22], $0x4000  }
0x72: {  	[sflag:s22] =	ssyncset.done $0x0  }
0x73: {  	[sflag:s22] =	ssyncadd.s32 $0xFFFFC000  }
0x74: {  	_ =	swait.ge [sflag:s31], $0x4000  }
0x75: {  	[sflag:s31] =	ssyncset.done $0x0  }
0x76: {  	[sflag:s31] =	ssyncadd.s32 $0xFFFFC000  }
0x77: {  	_ =	swait.ge [sflag:s1], $0x80  }
0x78: {  	[sflag:s1] =	ssyncset.done $0x0  }
0x79: {  	s12 =	sadd.s32 s14, s21;
	[sflag:s1] =	ssyncadd.s32 $0xFFFFFF80  }
0x7a: {  	[tilespmem:s23], [sflag:$0x1] =	stream.indirect.gather [hbm4b:s5+s24], $0x80, s6, s24, $0xb8;
	[tilespmem:$0x1E900] =	vst v63  }
.Ltmp1:
0x7b: {  	(pc) =	sbr.rel @p0 .LBB2_4-.Ltmp1, $4  }
0x7c: {  	[tilespmem:s25], [sflag:$0x3] =	stream.linear.gather [hbm4b:s12+s3], $0x80, $0x38;
	[tilespmem:$0x1E900] =	vst v63  }
0x7d: {  	_ = 	snop  }
0x7e: {  	[spmem:s2] =	stream.indirect.scatter.add.f32 [tilespmem:s29], [sflag:$0x5], $0x80, s30, s24, $0xb8;
	[tilespmem:$0x1E900] =	vst v63  }
0x7f: {  	_ =	swait.ge [sflag:s22], $0x4000  }
0x80: {  	[sflag:s22] =	ssyncset.done $0x0  }
0x81: {  	[sflag:s22] =	ssyncadd.s32 $0xFFFFC000  }
0x82: {  	_ =	swait.ge [sflag:s26], $0x4000  }
0x83: {  	[sflag:s26] =	ssyncset.done $0x0  }
0x84: {  	[sflag:s26] =	ssyncadd.s32 $0xFFFFC000  }
0x85: {  	_ =	swait.ge [sflag:s28], $0x80  }
0x86: {  	[sflag:s28] =	ssyncset.done $0x0  }
0x87: {  	s6 =	simm.s32 $0x2780;
	[sflag:s28] =	ssyncadd.s32 $0xFFFFFF80  }
0x88: {  	[tilespmem:s29], [sflag:$0x2] =	stream.indirect.gather [hbm4b:s5+s24], $0x80, s6, s24, $0xb8;
	[tilespmem:$0x1E900] =	vst v63  }
0x89: {  	_ = 	snop  }
0x8a: {  	[tilespmem:s30], [sflag:$0x4] =	stream.linear.gather [hbm4b:s20+s3], $0x80, $0x38;
	[tilespmem:$0x1E900] =	vst v63  }
0x8b: {  	_ = 	snop  }
0x8c: {  	[spmem:s2] =	stream.indirect.scatter.add.f32 [tilespmem:s23], [sflag:$0x5], $0x80, s25, s24, $0xb8;
	[tilespmem:$0x1E900] =	vst v63  }
0x8d: {  	_ =	swait.ge [sflag:s22], $0x4000  }
0x8e: {  	[sflag:s22] =	ssyncset.done $0x0  }
0x8f: {  	[sflag:s22] =	ssyncadd.s32 $0xFFFFC000  }
0x90: {  	_ =	swait.ge [sflag:s31], $0x4000  }
0x91: {  	[sflag:s31] =	ssyncset.done $0x0  }
0x92: {  	[sflag:s31] =	ssyncadd.s32 $0xFFFFC000  }
0x93: {  	_ =	swait.ge [sflag:s1], $0x80  }
0x94: {  	[sflag:s1] =	ssyncset.done $0x0  }
0x95: {  	[sflag:s1] =	ssyncadd.s32 $0xFFFFFF80  }
0x96: {  	[spmem:s2] =	stream.indirect.scatter.add.f32 [tilespmem:s29], [sflag:$0x5], $0x80, s30, s24, $0xb8;
	[tilespmem:$0x1E900] =	vst v63  }
0x97: {  	_ =	swait.ge [sflag:s22], $0x4000  }
0x98: {  	[sflag:s22] =	ssyncset.done $0x0  }
0x99: {  	s12 =	stileid.u32;
	[sflag:s22] =	ssyncadd.s32 $0xFFFFC000  }
0x9a: {  	s6 =	sshll.u32 s12, $0x6;
	[bflag:$0x0] =	sbarrier.arrive $0xFFFF  }
0x9b: {  	s12 =	sshrl.u32 s7, $0x3;
	s6 =	sor.u32 $0x1C05, s6;
	s13 =	rddreg [dreg:$0x4]  }
0x9c: {  	[hbm:s13], [sflag:s6] =	dma.local [spmem:s12], $0x800  }
0x9d: {  	_ =	swait.ge [sflag:s22], $0x800  }
0x9e: {  	[sflag:s22] =	ssyncset.done $0x0  }
0x9f: {  	s13 =	sshrl.u32 s8, $0x3;
	s14 =	rddreg [dreg:$0x5];
	[sflag:s22] =	ssyncadd.s32 $0xFFFFF800  }
0xa0: {  	[hbm:s14], [sflag:s6] =	dma.local [spmem:s13], $0x800  }
0xa1: {  	_ =	swait.ge [sflag:s22], $0x800  }
0xa2: {  	[sflag:s22] =	ssyncset.done $0x0  }
0xa3: {  	s15 =	sshrl.u32 s9, $0x3;
	s17 =	rddreg [dreg:$0x6];
	[sflag:s22] =	ssyncadd.s32 $0xFFFFF800  }
0xa4: {  	[hbm:s17], [sflag:s6] =	dma.local [spmem:s15], $0x800  }
0xa5: {  	_ =	swait.ge [sflag:s22], $0x800  }
0xa6: {  	[sflag:s22] =	ssyncset.done $0x0  }
0xa7: {  	s13 =	sshrl.u32 s10, $0x3;
	s14 =	rddreg [dreg:$0x7];
	[sflag:s22] =	ssyncadd.s32 $0xFFFFF800  }
0xa8: {  	[hbm:s14], [sflag:s6] =	dma.local [spmem:s13], $0x800  }
0xa9: {  	s0 =	sadd.s32 $0x1, s0;
	_ =	swait.ge [sflag:s22], $0x800  }
0xaa: {  	p0 =	sne.s32 s0, s19;
	s15 =	sshrl.u32 s11, $0x3;
	[sflag:s22] =	ssyncset.done $0x0  }
.Ltmp2:
0xab: {  	s17 =	rddreg [dreg:$0x8];
	[sflag:s22] =	ssyncadd.s32 $0xFFFFF800;
	(pc) =	sbr.rel @p0 .LBB2_1-.Ltmp2, $4  }
0xac: {  	[hbm:s17], [sflag:s6] =	dma.local [spmem:s15], $0x800  }
0xad: {  	_ =	swait.ge [sflag:s22], $0x800  }
0xae: {  	[sflag:s22] =	ssyncset.done $0x0  }
0xaf: {  	[sflag:s22] =	ssyncadd.s32 $0xFFFFF800  }
0xb0: {  	_ =	sfence.sel $0x180000  }
0xb1: {  	[bflag:$0x0] =	sbarrier.arrive $0xFFFF  }
0xb2: {  	_ =	strace $0x90000050  }
0xb3: {  	s0 =	stileid.u32;
	[bflag:$0x2] =	sbarrier.arrive $0xFFFF  }
0xb4: {  	p0 =	sne.s32 s0, $0x0;
	s0 =	rddreg [dreg:$0x2]  }
0xb5: {  	s0 =	sadd.s32 @!p0 $0x100000, s0  }
0xb6: {  	[sflag:s0] =	ssyncadd.tile.s32 @!p0 $0x1;
	_ =	shalt  }
.Lfunc_end2:
_tile_overlayer_lowered:
.L_overlay_start_2:
0xb7: {  	(tag) =	ssettag $0x2  }
0xb8: {  	s0 =	rddreg [dreg:$0x0];
	s2 =	stileid.u32  }
0xb9: {  	s1 =	rddreg [dreg:$0x1];
	p0 =	sne.s32 s2, $0x0  }
0xba: {  	s3 =	rddreg [dreg:$0x2];
	[bflag:$0x3] =	sbarrier.arrive $0xFFFF;
	s2 =	simm.s32 @!p0 $0x1C05  }
0xbb: {  	[timem:s3], [sflag:s2] =	dma.local @!p0 [hbm:s0], s1  }
0xbc: {  	s0 =	simm.s32 @!p0 $0x5  }
0xbd: {  	_ =	swait.ge @!p0 [sflag:s0], s1  }
0xbe: {  	s1 =	ssub.s32 @!p0 $0x0, s1;
	[sflag:s0] =	ssyncset.done @!p0 $0x0  }
0xbf: {  	[sflag:s0] =	ssyncadd.s32 @!p0 s1  }
0xc0: {  	[bflag:$0x3] =	sbarrier.arrive $0xFFFF  }
0xc1: {  	_ =	shalt  }

</sc_bundles>
